<compile_context>
chip_gen: v7x
topology: tpu7x:2x2x1
jax: 0.10.2.dev20260603
libtpu: 0.0.44.dev20260713+nightly
codegen_flags: <defaults>
</compile_context>

<pallas_src>
import functools

import jax
import jax.numpy as jnp
from jax import lax
from jax.experimental import pallas as pl
from jax.experimental.pallas import tpu as pltpu
from jax.experimental.pallas import tpu_sc as plsc

N_NODES = 10000
D = 128
N_PAD = 10240
NC = 2
NS = 16
B_EDGE = 128
CH = 8
ROWS_PER_TILE = N_PAD // NS
_SPLIT0 = 1.0


def _make_sc_agg(K0, K1, compute_deg):
    mesh = plsc.VectorSubcoreMesh(core_axis_name="c", subcore_axis_name="s")
    agg_type = jax.ShapeDtypeStruct((NC, N_PAD, D), jnp.float32)
    out_type = agg_type
    scratch = [
        pltpu.VMEM((2, CH, B_EDGE), jnp.int32),
        pltpu.VMEM((2, CH, B_EDGE), jnp.int32),
        pltpu.VMEM((2, B_EDGE, D), jnp.float32),
        pltpu.VMEM_SHARED((N_PAD, D), jnp.float32),
        pltpu.SemaphoreType.DMA,
        pltpu.SemaphoreType.DMA,
        pltpu.SemaphoreType.DMA,
        pltpu.SemaphoreType.DMA,
    ]
    if compute_deg:
        out_type = (agg_type, jax.ShapeDtypeStruct((NC, N_PAD), jnp.float32))
        scratch += [
            pltpu.VMEM((B_EDGE,), jnp.float32),
            pltpu.VMEM((ROWS_PER_TILE,), jnp.float32),
            pltpu.VMEM_SHARED((N_PAD,), jnp.float32),
        ]

    def body(x_hbm, src_hbm, dst_hbm, *refs):
        if compute_deg:
            (agg_hbm, deg_hbm, idx_s_v, idx_d_v, rows_v, agg_sh,
             sem0, sem1, sem_is, sem_id, ones_v, degz_v, deg_sh) = refs
        else:
            (agg_hbm, idx_s_v, idx_d_v, rows_v, agg_sh,
             sem0, sem1, sem_is, sem_id) = refs
        c = lax.axis_index("c")
        s = lax.axis_index("s")
        r0 = s * ROWS_PER_TILE

        zeros16 = jnp.zeros((16,), jnp.float32)

        def zrow(i, carry):
            for jj in range(D // 16):
                rows_v[0, i, pl.ds(jj * 16, 16)] = zeros16
            return carry
        lax.fori_loop(0, B_EDGE, zrow, 0)
        for r in range(ROWS_PER_TILE // B_EDGE):
            pltpu.sync_copy(rows_v.at[0],
                            agg_sh.at[pl.ds(r0 + r * B_EDGE, B_EDGE)])
        if compute_deg:
            ones16 = jnp.full((16,), 1.0, jnp.float32)
            for m in range(B_EDGE // 16):
                ones_v[pl.ds(m * 16, 16)] = ones16
            def zdeg(i, carry):
                degz_v[pl.ds(i * 16, 16)] = zeros16
                return carry
            lax.fori_loop(0, ROWS_PER_TILE // 16, zdeg, 0)
            pltpu.sync_copy(degz_v, deg_sh.at[pl.ds(r0, ROWS_PER_TILE)])
        plsc.subcore_barrier()

        kk = jnp.where(c == 0, K0, K1)
        n_chunks = lax.div(kk, CH)

        def iload(cidx, slot):
            sl = pl.ds(cidx * CH, CH)
            pltpu.async_copy(src_hbm.at[c, s, sl], idx_s_v.at[slot], sem_is)
            pltpu.async_copy(dst_hbm.at[c, s, sl], idx_d_v.at[slot], sem_id)

        def iwait():
            pltpu.make_async_copy(src_hbm.at[c, s, pl.ds(0, CH)],
                                  idx_s_v.at[0], sem_is).wait()
            pltpu.make_async_copy(dst_hbm.at[c, s, pl.ds(0, CH)],
                                  idx_d_v.at[0], sem_id).wait()

        def sref(m):
            return idx_s_v.at[lax.rem(lax.div(m, CH), 2), lax.rem(m, CH)]

        def dref(m):
            return idx_d_v.at[lax.rem(lax.div(m, CH), 2), lax.rem(m, CH)]

        def gather(m, b, sem):
            pltpu.async_copy(x_hbm.at[sref(m)], rows_v.at[b], sem)

        def gwait(m, b, sem):
            pltpu.make_async_copy(x_hbm.at[sref(m)], rows_v.at[b], sem).wait()

        @pl.when(kk > 0)
        def _prologue():
            pltpu.sync_copy(src_hbm.at[c, s, pl.ds(0, CH)], idx_s_v.at[0])
            pltpu.sync_copy(dst_hbm.at[c, s, pl.ds(0, CH)], idx_d_v.at[0])
            gather(0, 0, sem0)

        def step(i, carry):
            j = 2 * i
            b2 = lax.rem(j, CH)
            cidx = lax.div(j, CH)
            gather(j + 1, 1, sem1)

            @pl.when((b2 == 0) & (cidx + 1 < n_chunks))
            def _iload():
                iload(cidx + 1, lax.rem(cidx + 1, 2))

            if compute_deg:
                pltpu.sync_copy(ones_v, deg_sh.at[dref(j)], add=True)
                pltpu.sync_copy(ones_v, deg_sh.at[dref(j + 1)], add=True)
            gwait(j, 0, sem0)
            pltpu.sync_copy(rows_v.at[0], agg_sh.at[dref(j)], add=True)

            @pl.when(b2 == CH - 2)
            def _iwait():
                @pl.when(j + 2 < kk)
                def _():
                    iwait()

            @pl.when(j + 2 < kk)
            def _prefetch():
                gather(j + 2, 0, sem0)

            gwait(j + 1, 1, sem1)
            pltpu.sync_copy(rows_v.at[1], agg_sh.at[dref(j + 1)], add=True)
            return carry
        lax.fori_loop(0, lax.div(kk, 2), step, 0)

        plsc.subcore_barrier()
        pltpu.sync_copy(agg_sh.at[pl.ds(r0, ROWS_PER_TILE)],
                        agg_hbm.at[c, pl.ds(r0, ROWS_PER_TILE)])
        if compute_deg:
            pltpu.sync_copy(deg_sh.at[pl.ds(r0, ROWS_PER_TILE)],
                            deg_hbm.at[c, pl.ds(r0, ROWS_PER_TILE)])

    return pl.kernel(body, mesh=mesh, out_type=out_type, scratch_types=scratch)


_BR = 256


def _tc_layer_body(apply_gelu, agg0, agg1, deg0, deg1, x, b, w_l, w_r, out):
    d = deg0[...] + deg1[...]
    inv = 1.0 / jnp.maximum(d, 1.0)
    m = (agg0[...] + agg1[...]) * inv
    dn = (((1,), (1,)), ((), ()))
    h = lax.dot_general(m, w_l[...], dn, preferred_element_type=jnp.float32,
                        precision=lax.Precision.HIGHEST)
    h = h + b[...] + lax.dot_general(x[...], w_r[...], dn,
                                     preferred_element_type=jnp.float32,
                                     precision=lax.Precision.HIGHEST)
    if apply_gelu:
        h = 0.5 * h * (1.0 + lax.erf(h * (2.0 ** -0.5)))
    out[...] = h


def _tc_layer(apply_gelu):
    row_spec = pl.BlockSpec((_BR, D), lambda i: (i, 0))
    one_spec = pl.BlockSpec((_BR, 1), lambda i: (i, 0))
    return pl.pallas_call(
        functools.partial(_tc_layer_body, apply_gelu),
        grid=(N_PAD // _BR,),
        in_specs=[
            row_spec, row_spec, one_spec, one_spec, row_spec,
            pl.BlockSpec((1, D), lambda i: (0, 0)),
            pl.BlockSpec((D, D), lambda i: (0, 0)),
            pl.BlockSpec((D, D), lambda i: (0, 0)),
        ],
        out_specs=row_spec,
        out_shape=jax.ShapeDtypeStruct((N_PAD, D), jnp.float32),
    )


def kernel(embs, edge_index, W_l1, b_l1, W_r1, W_l2, b_l2, W_r2):
    x0 = jnp.pad(embs, ((0, N_PAD - N_NODES), (0, 0)))
    src = edge_index[0].astype(jnp.int32)
    dst = edge_index[1].astype(jnp.int32)
    n_edges = src.shape[0]
    per_row = NS * B_EDGE
    e0 = int(n_edges * _SPLIT0)
    K0 = -(-e0 // per_row) if e0 else 0
    K0 = -(-K0 // CH) * CH
    n0 = min(n_edges, K0 * per_row)
    rest = n_edges - n0
    K1 = -(-rest // per_row) if rest else 0
    K1 = -(-K1 // CH) * CH
    Kmax = max(K0, K1, CH)

    def _core_block(arr, fill, start, count, Kc):
        pad = NS * Kc * B_EDGE - count
        a = jnp.concatenate(
            [arr[start:start + count], jnp.full((pad,), fill, jnp.int32)])
        a = a.reshape(NS, Kc, B_EDGE)
        return jnp.pad(a, ((0, 0), (0, Kmax - Kc), (0, 0)))

    src_p = jnp.stack([_core_block(src, 0, 0, n0, K0),
                       _core_block(src, 0, n0, rest, K1)])
    dst_p = jnp.stack([_core_block(dst, N_NODES, 0, n0, K0),
                       _core_block(dst, N_NODES, n0, rest, K1)])

    agg1, deg = _make_sc_agg(K0, K1, True)(x0, src_p, dst_p)
    deg0 = deg[0].reshape(N_PAD, 1)
    deg1 = deg[1].reshape(N_PAD, 1)
    b1 = b_l1.reshape(1, D)
    b2 = b_l2.reshape(1, D)
    x1 = _tc_layer(True)(agg1[0], agg1[1], deg0, deg1, x0, b1, W_l1, W_r1)
    agg2 = _make_sc_agg(K0, K1, False)(x1, src_p, dst_p)
    out = _tc_layer(False)(agg2[0], agg2[1], deg0, deg1, x1, b2, W_l2, W_r2)
    return out[:N_NODES]

# --- scband reference (transcript-rebuilt; emitter-appended) ---
"""Pipeline reference for scband-graph-sageencoder-62964220559632 (READ-ONLY COPY).

The authoritative reference and input builder live on the scoring server;
editing this copy changes nothing except your own understanding.
"""

import jax, jax.numpy as jnp
import numpy as np

N_NODES = 10000
N_EDGES = 320000
D = 128


def _sage_conv(x, edge_index, W_l, b_l, W_r):
    # PyG SAGEConv with mean aggregation:
    #   out = lin_l(mean_{j in N(i)} x_j) + lin_r(x_i)
    src = edge_index[0]
    dst = edge_index[1]
    n = x.shape[0]
    msg = jnp.take(x, src, axis=0)                       # gather  [E, d]
    agg = jax.ops.segment_sum(msg, dst, num_segments=n)  # scatter-add [N, d]
    deg = jax.ops.segment_sum(jnp.ones((msg.shape[0],), dtype=x.dtype), dst, num_segments=n)
    mean = agg / jnp.clip(deg, 1.0, None)[:, None]
    return mean @ W_l.T + b_l + x @ W_r.T


def setup_inputs(seed: int = 0) -> dict:
    key = jax.random.key(seed)
    k = jax.random.split(key, 8)
    embs = jax.random.normal(k[0], (N_NODES, D), dtype=jnp.float32)
    edge_index = jax.random.randint(k[1], (2, N_EDGES), 0, N_NODES, dtype=jnp.int64 if jax.config.jax_enable_x64 else jnp.int32)
    s = 1.0 / np.sqrt(D)
    W_l1 = jax.random.uniform(k[2], (D, D), jnp.float32, -s, s)
    b_l1 = jax.random.uniform(k[3], (D,), jnp.float32, -s, s)
    W_r1 = jax.random.uniform(k[4], (D, D), jnp.float32, -s, s)
    W_l2 = jax.random.uniform(k[5], (D, D), jnp.float32, -s, s)
    b_l2 = jax.random.uniform(k[6], (D,), jnp.float32, -s, s)
    W_r2 = jax.random.uniform(k[7], (D, D), jnp.float32, -s, s)
    return {"embs": embs, "edge_index": edge_index, "W_l1": W_l1, "b_l1": b_l1, "W_r1": W_r1, "W_l2": W_l2, "b_l2": b_l2, "W_r2": W_r2}


def reference(embs, edge_index, W_l1, b_l1, W_r1, W_l2, b_l2, W_r2):
    # GraphSAGEEncoder with num_outer_layers=1, num_inner_layers=2,
    # adjs = [(edge_index, None, size)]. Eval mode: dropout is identity.
    x = _sage_conv(embs, edge_index, W_l1, b_l1, W_r1)
    x = jax.nn.gelu(x, approximate=False)  # torch nn.GELU default is exact erf
    x = _sage_conv(x, edge_index, W_l2, b_l2, W_r2)
    return x

if __name__ == "__main__":
    import jax
    _d = setup_inputs()
    print(jax.jit(kernel)(*tuple(_d.values())))

</pallas_src>

<mosaic_0001>
#map = affine_map<(d0, d1) -> (0, 0)>
#map1 = affine_map<(d0, d1) -> (0, 0, 0, 0)>
#map2 = affine_map<(d0, d1) -> (0, 0, 0)>
module attributes {stable_mosaic.version = 14 : i64} {
  func.func @body(%arg0: i32, %arg1: i32, %arg2: memref<10240x128xf32, #tpu.memory_space<hbm>>, %arg3: memref<2x16x160x128xi32, #tpu.memory_space<hbm>>, %arg4: memref<2x16x160x128xi32, #tpu.memory_space<hbm>>, %arg5: memref<2x10240x128xf32, #tpu.memory_space<hbm>>, %arg6: memref<2x10240xf32, #tpu.memory_space<hbm>>, %arg7: memref<2x8x128xi32, #tpu.memory_space<vmem>>, %arg8: memref<2x8x128xi32, #tpu.memory_space<vmem>>, %arg9: memref<2x128x128xf32, #tpu.memory_space<vmem>>, %arg10: memref<10240x128xf32, #tpu.memory_space<vmem_shared>>, %arg11: memref<!tpu.dma_semaphore, #tpu.memory_space<semaphore_mem>>, %arg12: memref<!tpu.dma_semaphore, #tpu.memory_space<semaphore_mem>>, %arg13: memref<!tpu.dma_semaphore, #tpu.memory_space<semaphore_mem>>, %arg14: memref<!tpu.dma_semaphore, #tpu.memory_space<semaphore_mem>>, %arg15: memref<128xf32, #tpu.memory_space<vmem>>, %arg16: memref<640xf32, #tpu.memory_space<vmem>>, %arg17: memref<10240xf32, #tpu.memory_space<vmem_shared>>) attributes {dimension_semantics = [#tpu.dimension_semantics<core_parallel>, #tpu.dimension_semantics<subcore_parallel>], iteration_bounds = array<i64: 2, 16>, scalar_prefetch = 0 : i64, scratch_operands = 11 : i64, tpu.core_type = #tpu.core_type<sc_vector_subcore>, window_params = [{transform_indices = #map}, {transform_indices = #map1}, {transform_indices = #map1}, {transform_indices = #map2}, {transform_indices = #map}]} {
    %mul3A = arith.constant 640 : i32
    %mul3A_0 = arith.muli %arg1, %mul3A : i32
    %broadcast_in_dim3A = arith.constant 0.000000e+00 : f32
    %broadcast_in_dim3A_1 = vector.broadcast %broadcast_in_dim3A : f32 to vector<16xf32>
    %scan3A = arith.constant 0 : i32
    %scan3A_2 = arith.constant 0 : i32
    %scan3A_3 = arith.constant 128 : i32
    %scan3A_4 = arith.addi %scan3A_2, %scan3A_3 : i32
    %scan3A_5 = arith.constant 1 : i32
    scf.for %scan3A_76 = %scan3A_2 to %scan3A_4 step %scan3A_5  : i32 {
      %swap3A_77 = arith.constant 0 : i32
      %swap3A_78 = arith.index_cast %swap3A_77 : i32 to index
      %swap3A_79 = arith.index_cast %scan3A_76 : i32 to index
      %swap3A_80 = arith.constant 0 : index
      %swap3A_81 = tpu.vector_load %arg9[%swap3A_78, %swap3A_79, %swap3A_80] {strides = array<i32>} : memref<2x128x128xf32, #tpu.memory_space<vmem>>, vector<1x1x16xf32>,
      %swap3A_82 = vector.shape_cast %swap3A_81 : vector<1x1x16xf32> to vector<16xf32>
      %swap3A_83 = vector.shape_cast %broadcast_in_dim3A_1 : vector<16xf32> to vector<1x1x16xf32>
      tpu.vector_store %arg9[%swap3A_78, %swap3A_79, %swap3A_80], %swap3A_83 {strides = array<i32>} : memref<2x128x128xf32, #tpu.memory_space<vmem>>, vector<1x1x16xf32>,
      %swap3A_84 = arith.constant 0 : i32
      %swap3A_85 = arith.index_cast %swap3A_84 : i32 to index
      %swap3A_86 = arith.index_cast %scan3A_76 : i32 to index
      %swap3A_87 = arith.constant 16 : index
      %swap3A_88 = tpu.vector_load %arg9[%swap3A_85, %swap3A_86, %swap3A_87] {strides = array<i32>} : memref<2x128x128xf32, #tpu.memory_space<vmem>>, vector<1x1x16xf32>,
      %swap3A_89 = vector.shape_cast %swap3A_88 : vector<1x1x16xf32> to vector<16xf32>
      %swap3A_90 = vector.shape_cast %broadcast_in_dim3A_1 : vector<16xf32> to vector<1x1x16xf32>
      tpu.vector_store %arg9[%swap3A_85, %swap3A_86, %swap3A_87], %swap3A_90 {strides = array<i32>} : memref<2x128x128xf32, #tpu.memory_space<vmem>>, vector<1x1x16xf32>,
      %swap3A_91 = arith.constant 0 : i32
      %swap3A_92 = arith.index_cast %swap3A_91 : i32 to index
      %swap3A_93 = arith.index_cast %scan3A_76 : i32 to index
      %swap3A_94 = arith.constant 32 : index
      %swap3A_95 = tpu.vector_load %arg9[%swap3A_92, %swap3A_93, %swap3A_94] {strides = array<i32>} : memref<2x128x128xf32, #tpu.memory_space<vmem>>, vector<1x1x16xf32>,
      %swap3A_96 = vector.shape_cast %swap3A_95 : vector<1x1x16xf32> to vector<16xf32>
      %swap3A_97 = vector.shape_cast %broadcast_in_dim3A_1 : vector<16xf32> to vector<1x1x16xf32>
      tpu.vector_store %arg9[%swap3A_92, %swap3A_93, %swap3A_94], %swap3A_97 {strides = array<i32>} : memref<2x128x128xf32, #tpu.memory_space<vmem>>, vector<1x1x16xf32>,
      %swap3A_98 = arith.constant 0 : i32
      %swap3A_99 = arith.index_cast %swap3A_98 : i32 to index
      %swap3A_100 = arith.index_cast %scan3A_76 : i32 to index
      %swap3A_101 = arith.constant 48 : index
      %swap3A_102 = tpu.vector_load %arg9[%swap3A_99, %swap3A_100, %swap3A_101] {strides = array<i32>} : memref<2x128x128xf32, #tpu.memory_space<vmem>>, vector<1x1x16xf32>,
      %swap3A_103 = vector.shape_cast %swap3A_102 : vector<1x1x16xf32> to vector<16xf32>
      %swap3A_104 = vector.shape_cast %broadcast_in_dim3A_1 : vector<16xf32> to vector<1x1x16xf32>
      tpu.vector_store %arg9[%swap3A_99, %swap3A_100, %swap3A_101], %swap3A_104 {strides = array<i32>} : memref<2x128x128xf32, #tpu.memory_space<vmem>>, vector<1x1x16xf32>,
      %swap3A_105 = arith.constant 0 : i32
      %swap3A_106 = arith.index_cast %swap3A_105 : i32 to index
      %swap3A_107 = arith.index_cast %scan3A_76 : i32 to index
      %swap3A_108 = arith.constant 64 : index
      %swap3A_109 = tpu.vector_load %arg9[%swap3A_106, %swap3A_107, %swap3A_108] {strides = array<i32>} : memref<2x128x128xf32, #tpu.memory_space<vmem>>, vector<1x1x16xf32>,
      %swap3A_110 = vector.shape_cast %swap3A_109 : vector<1x1x16xf32> to vector<16xf32>
      %swap3A_111 = vector.shape_cast %broadcast_in_dim3A_1 : vector<16xf32> to vector<1x1x16xf32>
      tpu.vector_store %arg9[%swap3A_106, %swap3A_107, %swap3A_108], %swap3A_111 {strides = array<i32>} : memref<2x128x128xf32, #tpu.memory_space<vmem>>, vector<1x1x16xf32>,
      %swap3A_112 = arith.constant 0 : i32
      %swap3A_113 = arith.index_cast %swap3A_112 : i32 to index
      %swap3A_114 = arith.index_cast %scan3A_76 : i32 to index
      %swap3A_115 = arith.constant 80 : index
      %swap3A_116 = tpu.vector_load %arg9[%swap3A_113, %swap3A_114, %swap3A_115] {strides = array<i32>} : memref<2x128x128xf32, #tpu.memory_space<vmem>>, vector<1x1x16xf32>,
      %swap3A_117 = vector.shape_cast %swap3A_116 : vector<1x1x16xf32> to vector<16xf32>
      %swap3A_118 = vector.shape_cast %broadcast_in_dim3A_1 : vector<16xf32> to vector<1x1x16xf32>
      tpu.vector_store %arg9[%swap3A_113, %swap3A_114, %swap3A_115], %swap3A_118 {strides = array<i32>} : memref<2x128x128xf32, #tpu.memory_space<vmem>>, vector<1x1x16xf32>,
      %swap3A_119 = arith.constant 0 : i32
      %swap3A_120 = arith.index_cast %swap3A_119 : i32 to index
      %swap3A_121 = arith.index_cast %scan3A_76 : i32 to index
      %swap3A_122 = arith.constant 96 : index
      %swap3A_123 = tpu.vector_load %arg9[%swap3A_120, %swap3A_121, %swap3A_122] {strides = array<i32>} : memref<2x128x128xf32, #tpu.memory_space<vmem>>, vector<1x1x16xf32>,
      %swap3A_124 = vector.shape_cast %swap3A_123 : vector<1x1x16xf32> to vector<16xf32>
      %swap3A_125 = vector.shape_cast %broadcast_in_dim3A_1 : vector<16xf32> to vector<1x1x16xf32>
      tpu.vector_store %arg9[%swap3A_120, %swap3A_121, %swap3A_122], %swap3A_125 {strides = array<i32>} : memref<2x128x128xf32, #tpu.memory_space<vmem>>, vector<1x1x16xf32>,
      %swap3A_126 = arith.constant 0 : i32
      %swap3A_127 = arith.index_cast %swap3A_126 : i32 to index
      %swap3A_128 = arith.index_cast %scan3A_76 : i32 to index
      %swap3A_129 = arith.constant 112 : index
      %swap3A_130 = tpu.vector_load %arg9[%swap3A_127, %swap3A_128, %swap3A_129] {strides = array<i32>} : memref<2x128x128xf32, #tpu.memory_space<vmem>>, vector<1x1x16xf32>,
      %swap3A_131 = vector.shape_cast %swap3A_130 : vector<1x1x16xf32> to vector<16xf32>
      %swap3A_132 = vector.shape_cast %broadcast_in_dim3A_1 : vector<16xf32> to vector<1x1x16xf32>
      tpu.vector_store %arg9[%swap3A_127, %swap3A_128, %swap3A_129], %swap3A_132 {strides = array<i32>} : memref<2x128x128xf32, #tpu.memory_space<vmem>>, vector<1x1x16xf32>,
    }
    %scan3A_6 = arith.constant 128 : i32
    %add3A = arith.constant 0 : i32
    %add3A_7 = arith.addi %mul3A_0, %add3A : i32
    %run_scoped3A = arith.constant 0 : i32
    "tpu.region"() ({
      %run_scoped3A_76 = tpu.sem_alloc : memref<!tpu.dma_semaphore, #tpu.memory_space<semaphore_mem>>
      %dma_start3A = arith.constant 0 : i32
      %dma_start3A_77 = arith.constant 0 : i32
      %dma_start3A_78 = tpu.memref_slice %arg9[%run_scoped3A, %dma_start3A, %dma_start3A_77] : memref<2x128x128xf32, #tpu.memory_space<vmem>> -> memref<1x128x128xf32, #tpu.memory_space<vmem>>
      %dma_start3A_79 = tpu.memref_squeeze %dma_start3A_78 : memref<1x128x128xf32, #tpu.memory_space<vmem>> -> memref<128x128xf32, #tpu.memory_space<vmem>>
      %dma_start3A_80 = arith.constant 0 : i32
      %dma_start3A_81 = tpu.memref_slice %arg10[%add3A_7, %dma_start3A_80] : memref<10240x128xf32, #tpu.memory_space<vmem_shared>> -> memref<128x128xf32, #tpu.memory_space<vmem_shared>>
      %dma_start3A_82 = arith.constant 0 : i32
      %dma_start3A_83 = tpu.memref_slice %arg10[%add3A_7, %dma_start3A_82] : memref<10240x128xf32, #tpu.memory_space<vmem_shared>> -> memref<128x128xf32, #tpu.memory_space<vmem_shared>>
      %dma_start3A_84 = arith.constant 0 : i32
      %dma_start3A_85 = arith.constant 0 : i32
      %dma_start3A_86 = tpu.memref_slice %arg9[%run_scoped3A, %dma_start3A_84, %dma_start3A_85] : memref<2x128x128xf32, #tpu.memory_space<vmem>> -> memref<1x128x128xf32, #tpu.memory_space<vmem>>
      %dma_start3A_87 = tpu.memref_squeeze %dma_start3A_86 : memref<1x128x128xf32, #tpu.memory_space<vmem>> -> memref<128x128xf32, #tpu.memory_space<vmem>>
      tpu.enqueue_dma source(%dma_start3A_87 : memref<128x128xf32, #tpu.memory_space<vmem>>) target(%dma_start3A_83 : memref<128x128xf32, #tpu.memory_space<vmem_shared>>) target_semaphore(%run_scoped3A_76 : memref<!tpu.dma_semaphore, #tpu.memory_space<semaphore_mem>>)
      %dma_wait3A = arith.constant 0 : i32
      %dma_wait3A_88 = arith.constant 0 : i32
      %dma_wait3A_89 = tpu.memref_slice %arg9[%run_scoped3A, %dma_wait3A, %dma_wait3A_88] : memref<2x128x128xf32, #tpu.memory_space<vmem>> -> memref<1x128x128xf32, #tpu.memory_space<vmem>>
      %dma_wait3A_90 = tpu.memref_squeeze %dma_wait3A_89 : memref<1x128x128xf32, #tpu.memory_space<vmem>> -> memref<128x128xf32, #tpu.memory_space<vmem>>
      %dma_wait3A_91 = arith.constant 0 : i32
      %dma_wait3A_92 = tpu.memref_slice %arg10[%add3A_7, %dma_wait3A_91] : memref<10240x128xf32, #tpu.memory_space<vmem_shared>> -> memref<128x128xf32, #tpu.memory_space<vmem_shared>>
      %dma_wait3A_93 = arith.constant 0 : i32
      %dma_wait3A_94 = tpu.memref_slice %arg10[%add3A_7, %dma_wait3A_93] : memref<10240x128xf32, #tpu.memory_space<vmem_shared>> -> memref<128x128xf32, #tpu.memory_space<vmem_shared>>
      %dma_wait3A_95 = arith.constant 0 : i32
      %dma_wait3A_96 = arith.constant 0 : i32
      %dma_wait3A_97 = tpu.memref_slice %arg9[%run_scoped3A, %dma_wait3A_95, %dma_wait3A_96] : memref<2x128x128xf32, #tpu.memory_space<vmem>> -> memref<1x128x128xf32, #tpu.memory_space<vmem>>
      %dma_wait3A_98 = tpu.memref_squeeze %dma_wait3A_97 : memref<1x128x128xf32, #tpu.memory_space<vmem>> -> memref<128x128xf32, #tpu.memory_space<vmem>>
      tpu.wait_dma2 semaphore(%run_scoped3A_76 : memref<!tpu.dma_semaphore, #tpu.memory_space<semaphore_mem>>) src(%dma_wait3A_98 : memref<128x128xf32, #tpu.memory_space<vmem>>) dst(%dma_wait3A_94 : memref<128x128xf32, #tpu.memory_space<vmem_shared>>)
      tpu.yield
    }) : () -> ()
    %add3A_8 = arith.constant 128 : i32
    %add3A_9 = arith.addi %mul3A_0, %add3A_8 : i32
    %run_scoped3A_10 = arith.constant 0 : i32
    "tpu.region"() ({
      %run_scoped3A_76 = tpu.sem_alloc : memref<!tpu.dma_semaphore, #tpu.memory_space<semaphore_mem>>
      %dma_start3A = arith.constant 0 : i32
      %dma_start3A_77 = arith.constant 0 : i32
      %dma_start3A_78 = tpu.memref_slice %arg9[%run_scoped3A_10, %dma_start3A, %dma_start3A_77] : memref<2x128x128xf32, #tpu.memory_space<vmem>> -> memref<1x128x128xf32, #tpu.memory_space<vmem>>
      %dma_start3A_79 = tpu.memref_squeeze %dma_start3A_78 : memref<1x128x128xf32, #tpu.memory_space<vmem>> -> memref<128x128xf32, #tpu.memory_space<vmem>>
      %dma_start3A_80 = arith.constant 0 : i32
      %dma_start3A_81 = tpu.memref_slice %arg10[%add3A_9, %dma_start3A_80] : memref<10240x128xf32, #tpu.memory_space<vmem_shared>> -> memref<128x128xf32, #tpu.memory_space<vmem_shared>>
      %dma_start3A_82 = arith.constant 0 : i32
      %dma_start3A_83 = tpu.memref_slice %arg10[%add3A_9, %dma_start3A_82] : memref<10240x128xf32, #tpu.memory_space<vmem_shared>> -> memref<128x128xf32, #tpu.memory_space<vmem_shared>>
      %dma_start3A_84 = arith.constant 0 : i32
      %dma_start3A_85 = arith.constant 0 : i32
      %dma_start3A_86 = tpu.memref_slice %arg9[%run_scoped3A_10, %dma_start3A_84, %dma_start3A_85] : memref<2x128x128xf32, #tpu.memory_space<vmem>> -> memref<1x128x128xf32, #tpu.memory_space<vmem>>
      %dma_start3A_87 = tpu.memref_squeeze %dma_start3A_86 : memref<1x128x128xf32, #tpu.memory_space<vmem>> -> memref<128x128xf32, #tpu.memory_space<vmem>>
      tpu.enqueue_dma source(%dma_start3A_87 : memref<128x128xf32, #tpu.memory_space<vmem>>) target(%dma_start3A_83 : memref<128x128xf32, #tpu.memory_space<vmem_shared>>) target_semaphore(%run_scoped3A_76 : memref<!tpu.dma_semaphore, #tpu.memory_space<semaphore_mem>>)
      %dma_wait3A = arith.constant 0 : i32
      %dma_wait3A_88 = arith.constant 0 : i32
      %dma_wait3A_89 = tpu.memref_slice %arg9[%run_scoped3A_10, %dma_wait3A, %dma_wait3A_88] : memref<2x128x128xf32, #tpu.memory_space<vmem>> -> memref<1x128x128xf32, #tpu.memory_space<vmem>>
      %dma_wait3A_90 = tpu.memref_squeeze %dma_wait3A_89 : memref<1x128x128xf32, #tpu.memory_space<vmem>> -> memref<128x128xf32, #tpu.memory_space<vmem>>
      %dma_wait3A_91 = arith.constant 0 : i32
      %dma_wait3A_92 = tpu.memref_slice %arg10[%add3A_9, %dma_wait3A_91] : memref<10240x128xf32, #tpu.memory_space<vmem_shared>> -> memref<128x128xf32, #tpu.memory_space<vmem_shared>>
      %dma_wait3A_93 = arith.constant 0 : i32
      %dma_wait3A_94 = tpu.memref_slice %arg10[%add3A_9, %dma_wait3A_93] : memref<10240x128xf32, #tpu.memory_space<vmem_shared>> -> memref<128x128xf32, #tpu.memory_space<vmem_shared>>
      %dma_wait3A_95 = arith.constant 0 : i32
      %dma_wait3A_96 = arith.constant 0 : i32
      %dma_wait3A_97 = tpu.memref_slice %arg9[%run_scoped3A_10, %dma_wait3A_95, %dma_wait3A_96] : memref<2x128x128xf32, #tpu.memory_space<vmem>> -> memref<1x128x128xf32, #tpu.memory_space<vmem>>
      %dma_wait3A_98 = tpu.memref_squeeze %dma_wait3A_97 : memref<1x128x128xf32, #tpu.memory_space<vmem>> -> memref<128x128xf32, #tpu.memory_space<vmem>>
      tpu.wait_dma2 semaphore(%run_scoped3A_76 : memref<!tpu.dma_semaphore, #tpu.memory_space<semaphore_mem>>) src(%dma_wait3A_98 : memref<128x128xf32, #tpu.memory_space<vmem>>) dst(%dma_wait3A_94 : memref<128x128xf32, #tpu.memory_space<vmem_shared>>)
      tpu.yield
    }) : () -> ()
    %add3A_11 = arith.constant 256 : i32
    %add3A_12 = arith.addi %mul3A_0, %add3A_11 : i32
    %run_scoped3A_13 = arith.constant 0 : i32
    "tpu.region"() ({
      %run_scoped3A_76 = tpu.sem_alloc : memref<!tpu.dma_semaphore, #tpu.memory_space<semaphore_mem>>
      %dma_start3A = arith.constant 0 : i32
      %dma_start3A_77 = arith.constant 0 : i32
      %dma_start3A_78 = tpu.memref_slice %arg9[%run_scoped3A_13, %dma_start3A, %dma_start3A_77] : memref<2x128x128xf32, #tpu.memory_space<vmem>> -> memref<1x128x128xf32, #tpu.memory_space<vmem>>
      %dma_start3A_79 = tpu.memref_squeeze %dma_start3A_78 : memref<1x128x128xf32, #tpu.memory_space<vmem>> -> memref<128x128xf32, #tpu.memory_space<vmem>>
      %dma_start3A_80 = arith.constant 0 : i32
      %dma_start3A_81 = tpu.memref_slice %arg10[%add3A_12, %dma_start3A_80] : memref<10240x128xf32, #tpu.memory_space<vmem_shared>> -> memref<128x128xf32, #tpu.memory_space<vmem_shared>>
      %dma_start3A_82 = arith.constant 0 : i32
      %dma_start3A_83 = tpu.memref_slice %arg10[%add3A_12, %dma_start3A_82] : memref<10240x128xf32, #tpu.memory_space<vmem_shared>> -> memref<128x128xf32, #tpu.memory_space<vmem_shared>>
      %dma_start3A_84 = arith.constant 0 : i32
      %dma_start3A_85 = arith.constant 0 : i32
      %dma_start3A_86 = tpu.memref_slice %arg9[%run_scoped3A_13, %dma_start3A_84, %dma_start3A_85] : memref<2x128x128xf32, #tpu.memory_space<vmem>> -> memref<1x128x128xf32, #tpu.memory_space<vmem>>
      %dma_start3A_87 = tpu.memref_squeeze %dma_start3A_86 : memref<1x128x128xf32, #tpu.memory_space<vmem>> -> memref<128x128xf32, #tpu.memory_space<vmem>>
      tpu.enqueue_dma source(%dma_start3A_87 : memref<128x128xf32, #tpu.memory_space<vmem>>) target(%dma_start3A_83 : memref<128x128xf32, #tpu.memory_space<vmem_shared>>) target_semaphore(%run_scoped3A_76 : memref<!tpu.dma_semaphore, #tpu.memory_space<semaphore_mem>>)
      %dma_wait3A = arith.constant 0 : i32
      %dma_wait3A_88 = arith.constant 0 : i32
      %dma_wait3A_89 = tpu.memref_slice %arg9[%run_scoped3A_13, %dma_wait3A, %dma_wait3A_88] : memref<2x128x128xf32, #tpu.memory_space<vmem>> -> memref<1x128x128xf32, #tpu.memory_space<vmem>>
      %dma_wait3A_90 = tpu.memref_squeeze %dma_wait3A_89 : memref<1x128x128xf32, #tpu.memory_space<vmem>> -> memref<128x128xf32, #tpu.memory_space<vmem>>
      %dma_wait3A_91 = arith.constant 0 : i32
      %dma_wait3A_92 = tpu.memref_slice %arg10[%add3A_12, %dma_wait3A_91] : memref<10240x128xf32, #tpu.memory_space<vmem_shared>> -> memref<128x128xf32, #tpu.memory_space<vmem_shared>>
      %dma_wait3A_93 = arith.constant 0 : i32
      %dma_wait3A_94 = tpu.memref_slice %arg10[%add3A_12, %dma_wait3A_93] : memref<10240x128xf32, #tpu.memory_space<vmem_shared>> -> memref<128x128xf32, #tpu.memory_space<vmem_shared>>
      %dma_wait3A_95 = arith.constant 0 : i32
      %dma_wait3A_96 = arith.constant 0 : i32
      %dma_wait3A_97 = tpu.memref_slice %arg9[%run_scoped3A_13, %dma_wait3A_95, %dma_wait3A_96] : memref<2x128x128xf32, #tpu.memory_space<vmem>> -> memref<1x128x128xf32, #tpu.memory_space<vmem>>
      %dma_wait3A_98 = tpu.memref_squeeze %dma_wait3A_97 : memref<1x128x128xf32, #tpu.memory_space<vmem>> -> memref<128x128xf32, #tpu.memory_space<vmem>>
      tpu.wait_dma2 semaphore(%run_scoped3A_76 : memref<!tpu.dma_semaphore, #tpu.memory_space<semaphore_mem>>) src(%dma_wait3A_98 : memref<128x128xf32, #tpu.memory_space<vmem>>) dst(%dma_wait3A_94 : memref<128x128xf32, #tpu.memory_space<vmem_shared>>)
      tpu.yield
    }) : () -> ()
    %add3A_14 = arith.constant 384 : i32
    %add3A_15 = arith.addi %mul3A_0, %add3A_14 : i32
    %run_scoped3A_16 = arith.constant 0 : i32
    "tpu.region"() ({
      %run_scoped3A_76 = tpu.sem_alloc : memref<!tpu.dma_semaphore, #tpu.memory_space<semaphore_mem>>
      %dma_start3A = arith.constant 0 : i32
      %dma_start3A_77 = arith.constant 0 : i32
      %dma_start3A_78 = tpu.memref_slice %arg9[%run_scoped3A_16, %dma_start3A, %dma_start3A_77] : memref<2x128x128xf32, #tpu.memory_space<vmem>> -> memref<1x128x128xf32, #tpu.memory_space<vmem>>
      %dma_start3A_79 = tpu.memref_squeeze %dma_start3A_78 : memref<1x128x128xf32, #tpu.memory_space<vmem>> -> memref<128x128xf32, #tpu.memory_space<vmem>>
      %dma_start3A_80 = arith.constant 0 : i32
      %dma_start3A_81 = tpu.memref_slice %arg10[%add3A_15, %dma_start3A_80] : memref<10240x128xf32, #tpu.memory_space<vmem_shared>> -> memref<128x128xf32, #tpu.memory_space<vmem_shared>>
      %dma_start3A_82 = arith.constant 0 : i32
      %dma_start3A_83 = tpu.memref_slice %arg10[%add3A_15, %dma_start3A_82] : memref<10240x128xf32, #tpu.memory_space<vmem_shared>> -> memref<128x128xf32, #tpu.memory_space<vmem_shared>>
      %dma_start3A_84 = arith.constant 0 : i32
      %dma_start3A_85 = arith.constant 0 : i32
      %dma_start3A_86 = tpu.memref_slice %arg9[%run_scoped3A_16, %dma_start3A_84, %dma_start3A_85] : memref<2x128x128xf32, #tpu.memory_space<vmem>> -> memref<1x128x128xf32, #tpu.memory_space<vmem>>
      %dma_start3A_87 = tpu.memref_squeeze %dma_start3A_86 : memref<1x128x128xf32, #tpu.memory_space<vmem>> -> memref<128x128xf32, #tpu.memory_space<vmem>>
      tpu.enqueue_dma source(%dma_start3A_87 : memref<128x128xf32, #tpu.memory_space<vmem>>) target(%dma_start3A_83 : memref<128x128xf32, #tpu.memory_space<vmem_shared>>) target_semaphore(%run_scoped3A_76 : memref<!tpu.dma_semaphore, #tpu.memory_space<semaphore_mem>>)
      %dma_wait3A = arith.constant 0 : i32
      %dma_wait3A_88 = arith.constant 0 : i32
      %dma_wait3A_89 = tpu.memref_slice %arg9[%run_scoped3A_16, %dma_wait3A, %dma_wait3A_88] : memref<2x128x128xf32, #tpu.memory_space<vmem>> -> memref<1x128x128xf32, #tpu.memory_space<vmem>>
      %dma_wait3A_90 = tpu.memref_squeeze %dma_wait3A_89 : memref<1x128x128xf32, #tpu.memory_space<vmem>> -> memref<128x128xf32, #tpu.memory_space<vmem>>
      %dma_wait3A_91 = arith.constant 0 : i32
      %dma_wait3A_92 = tpu.memref_slice %arg10[%add3A_15, %dma_wait3A_91] : memref<10240x128xf32, #tpu.memory_space<vmem_shared>> -> memref<128x128xf32, #tpu.memory_space<vmem_shared>>
      %dma_wait3A_93 = arith.constant 0 : i32
      %dma_wait3A_94 = tpu.memref_slice %arg10[%add3A_15, %dma_wait3A_93] : memref<10240x128xf32, #tpu.memory_space<vmem_shared>> -> memref<128x128xf32, #tpu.memory_space<vmem_shared>>
      %dma_wait3A_95 = arith.constant 0 : i32
      %dma_wait3A_96 = arith.constant 0 : i32
      %dma_wait3A_97 = tpu.memref_slice %arg9[%run_scoped3A_16, %dma_wait3A_95, %dma_wait3A_96] : memref<2x128x128xf32, #tpu.memory_space<vmem>> -> memref<1x128x128xf32, #tpu.memory_space<vmem>>
      %dma_wait3A_98 = tpu.memref_squeeze %dma_wait3A_97 : memref<1x128x128xf32, #tpu.memory_space<vmem>> -> memref<128x128xf32, #tpu.memory_space<vmem>>
      tpu.wait_dma2 semaphore(%run_scoped3A_76 : memref<!tpu.dma_semaphore, #tpu.memory_space<semaphore_mem>>) src(%dma_wait3A_98 : memref<128x128xf32, #tpu.memory_space<vmem>>) dst(%dma_wait3A_94 : memref<128x128xf32, #tpu.memory_space<vmem_shared>>)
      tpu.yield
    }) : () -> ()
    %add3A_17 = arith.constant 512 : i32
    %add3A_18 = arith.addi %mul3A_0, %add3A_17 : i32
    %run_scoped3A_19 = arith.constant 0 : i32
    "tpu.region"() ({
      %run_scoped3A_76 = tpu.sem_alloc : memref<!tpu.dma_semaphore, #tpu.memory_space<semaphore_mem>>
      %dma_start3A = arith.constant 0 : i32
      %dma_start3A_77 = arith.constant 0 : i32
      %dma_start3A_78 = tpu.memref_slice %arg9[%run_scoped3A_19, %dma_start3A, %dma_start3A_77] : memref<2x128x128xf32, #tpu.memory_space<vmem>> -> memref<1x128x128xf32, #tpu.memory_space<vmem>>
      %dma_start3A_79 = tpu.memref_squeeze %dma_start3A_78 : memref<1x128x128xf32, #tpu.memory_space<vmem>> -> memref<128x128xf32, #tpu.memory_space<vmem>>
      %dma_start3A_80 = arith.constant 0 : i32
      %dma_start3A_81 = tpu.memref_slice %arg10[%add3A_18, %dma_start3A_80] : memref<10240x128xf32, #tpu.memory_space<vmem_shared>> -> memref<128x128xf32, #tpu.memory_space<vmem_shared>>
      %dma_start3A_82 = arith.constant 0 : i32
      %dma_start3A_83 = tpu.memref_slice %arg10[%add3A_18, %dma_start3A_82] : memref<10240x128xf32, #tpu.memory_space<vmem_shared>> -> memref<128x128xf32, #tpu.memory_space<vmem_shared>>
      %dma_start3A_84 = arith.constant 0 : i32
      %dma_start3A_85 = arith.constant 0 : i32
      %dma_start3A_86 = tpu.memref_slice %arg9[%run_scoped3A_19, %dma_start3A_84, %dma_start3A_85] : memref<2x128x128xf32, #tpu.memory_space<vmem>> -> memref<1x128x128xf32, #tpu.memory_space<vmem>>
      %dma_start3A_87 = tpu.memref_squeeze %dma_start3A_86 : memref<1x128x128xf32, #tpu.memory_space<vmem>> -> memref<128x128xf32, #tpu.memory_space<vmem>>
      tpu.enqueue_dma source(%dma_start3A_87 : memref<128x128xf32, #tpu.memory_space<vmem>>) target(%dma_start3A_83 : memref<128x128xf32, #tpu.memory_space<vmem_shared>>) target_semaphore(%run_scoped3A_76 : memref<!tpu.dma_semaphore, #tpu.memory_space<semaphore_mem>>)
      %dma_wait3A = arith.constant 0 : i32
      %dma_wait3A_88 = arith.constant 0 : i32
      %dma_wait3A_89 = tpu.memref_slice %arg9[%run_scoped3A_19, %dma_wait3A, %dma_wait3A_88] : memref<2x128x128xf32, #tpu.memory_space<vmem>> -> memref<1x128x128xf32, #tpu.memory_space<vmem>>
      %dma_wait3A_90 = tpu.memref_squeeze %dma_wait3A_89 : memref<1x128x128xf32, #tpu.memory_space<vmem>> -> memref<128x128xf32, #tpu.memory_space<vmem>>
      %dma_wait3A_91 = arith.constant 0 : i32
      %dma_wait3A_92 = tpu.memref_slice %arg10[%add3A_18, %dma_wait3A_91] : memref<10240x128xf32, #tpu.memory_space<vmem_shared>> -> memref<128x128xf32, #tpu.memory_space<vmem_shared>>
      %dma_wait3A_93 = arith.constant 0 : i32
      %dma_wait3A_94 = tpu.memref_slice %arg10[%add3A_18, %dma_wait3A_93] : memref<10240x128xf32, #tpu.memory_space<vmem_shared>> -> memref<128x128xf32, #tpu.memory_space<vmem_shared>>
      %dma_wait3A_95 = arith.constant 0 : i32
      %dma_wait3A_96 = arith.constant 0 : i32
      %dma_wait3A_97 = tpu.memref_slice %arg9[%run_scoped3A_19, %dma_wait3A_95, %dma_wait3A_96] : memref<2x128x128xf32, #tpu.memory_space<vmem>> -> memref<1x128x128xf32, #tpu.memory_space<vmem>>
      %dma_wait3A_98 = tpu.memref_squeeze %dma_wait3A_97 : memref<1x128x128xf32, #tpu.memory_space<vmem>> -> memref<128x128xf32, #tpu.memory_space<vmem>>
      tpu.wait_dma2 semaphore(%run_scoped3A_76 : memref<!tpu.dma_semaphore, #tpu.memory_space<semaphore_mem>>) src(%dma_wait3A_98 : memref<128x128xf32, #tpu.memory_space<vmem>>) dst(%dma_wait3A_94 : memref<128x128xf32, #tpu.memory_space<vmem_shared>>)
      tpu.yield
    }) : () -> ()
    %broadcast_in_dim3A_20 = arith.constant 1.000000e+00 : f32
    %broadcast_in_dim3A_21 = vector.broadcast %broadcast_in_dim3A_20 : f32 to vector<16xf32>
    %swap3A = arith.constant 0 : index
    %swap3A_22 = tpu.vector_load %arg15[%swap3A] {strides = array<i32>} : memref<128xf32, #tpu.memory_space<vmem>>, vector<16xf32>,
    %swap3A_23 = vector.shape_cast %swap3A_22 : vector<16xf32> to vector<16xf32>
    %swap3A_24 = vector.shape_cast %broadcast_in_dim3A_21 : vector<16xf32> to vector<16xf32>
    tpu.vector_store %arg15[%swap3A], %swap3A_24 {strides = array<i32>} : memref<128xf32, #tpu.memory_space<vmem>>, vector<16xf32>,
    %swap3A_25 = arith.constant 16 : index
    %swap3A_26 = tpu.vector_load %arg15[%swap3A_25] {strides = array<i32>} : memref<128xf32, #tpu.memory_space<vmem>>, vector<16xf32>,
    %swap3A_27 = vector.shape_cast %swap3A_26 : vector<16xf32> to vector<16xf32>
    %swap3A_28 = vector.shape_cast %broadcast_in_dim3A_21 : vector<16xf32> to vector<16xf32>
    tpu.vector_store %arg15[%swap3A_25], %swap3A_28 {strides = array<i32>} : memref<128xf32, #tpu.memory_space<vmem>>, vector<16xf32>,
    %swap3A_29 = arith.constant 32 : index
    %swap3A_30 = tpu.vector_load %arg15[%swap3A_29] {strides = array<i32>} : memref<128xf32, #tpu.memory_space<vmem>>, vector<16xf32>,
    %swap3A_31 = vector.shape_cast %swap3A_30 : vector<16xf32> to vector<16xf32>
    %swap3A_32 = vector.shape_cast %broadcast_in_dim3A_21 : vector<16xf32> to vector<16xf32>
    tpu.vector_store %arg15[%swap3A_29], %swap3A_32 {strides = array<i32>} : memref<128xf32, #tpu.memory_space<vmem>>, vector<16xf32>,
    %swap3A_33 = arith.constant 48 : index
    %swap3A_34 = tpu.vector_load %arg15[%swap3A_33] {strides = array<i32>} : memref<128xf32, #tpu.memory_space<vmem>>, vector<16xf32>,
    %swap3A_35 = vector.shape_cast %swap3A_34 : vector<16xf32> to vector<16xf32>
    %swap3A_36 = vector.shape_cast %broadcast_in_dim3A_21 : vector<16xf32> to vector<16xf32>
    tpu.vector_store %arg15[%swap3A_33], %swap3A_36 {strides = array<i32>} : memref<128xf32, #tpu.memory_space<vmem>>, vector<16xf32>,
    %swap3A_37 = arith.constant 64 : index
    %swap3A_38 = tpu.vector_load %arg15[%swap3A_37] {strides = array<i32>} : memref<128xf32, #tpu.memory_space<vmem>>, vector<16xf32>,
    %swap3A_39 = vector.shape_cast %swap3A_38 : vector<16xf32> to vector<16xf32>
    %swap3A_40 = vector.shape_cast %broadcast_in_dim3A_21 : vector<16xf32> to vector<16xf32>
    tpu.vector_store %arg15[%swap3A_37], %swap3A_40 {strides = array<i32>} : memref<128xf32, #tpu.memory_space<vmem>>, vector<16xf32>,
    %swap3A_41 = arith.constant 80 : index
    %swap3A_42 = tpu.vector_load %arg15[%swap3A_41] {strides = array<i32>} : memref<128xf32, #tpu.memory_space<vmem>>, vector<16xf32>,
    %swap3A_43 = vector.shape_cast %swap3A_42 : vector<16xf32> to vector<16xf32>
    %swap3A_44 = vector.shape_cast %broadcast_in_dim3A_21 : vector<16xf32> to vector<16xf32>
    tpu.vector_store %arg15[%swap3A_41], %swap3A_44 {strides = array<i32>} : memref<128xf32, #tpu.memory_space<vmem>>, vector<16xf32>,
    %swap3A_45 = arith.constant 96 : index
    %swap3A_46 = tpu.vector_load %arg15[%swap3A_45] {strides = array<i32>} : memref<128xf32, #tpu.memory_space<vmem>>, vector<16xf32>,
    %swap3A_47 = vector.shape_cast %swap3A_46 : vector<16xf32> to vector<16xf32>
    %swap3A_48 = vector.shape_cast %broadcast_in_dim3A_21 : vector<16xf32> to vector<16xf32>
    tpu.vector_store %arg15[%swap3A_45], %swap3A_48 {strides = array<i32>} : memref<128xf32, #tpu.memory_space<vmem>>, vector<16xf32>,
    %swap3A_49 = arith.constant 112 : index
    %swap3A_50 = tpu.vector_load %arg15[%swap3A_49] {strides = array<i32>} : memref<128xf32, #tpu.memory_space<vmem>>, vector<16xf32>,
    %swap3A_51 = vector.shape_cast %swap3A_50 : vector<16xf32> to vector<16xf32>
    %swap3A_52 = vector.shape_cast %broadcast_in_dim3A_21 : vector<16xf32> to vector<16xf32>
    tpu.vector_store %arg15[%swap3A_49], %swap3A_52 {strides = array<i32>} : memref<128xf32, #tpu.memory_space<vmem>>, vector<16xf32>,
    %scan3A_53 = arith.constant 0 : i32
    %scan3A_54 = arith.constant 0 : i32
    %scan3A_55 = arith.constant 40 : i32
    %scan3A_56 = arith.addi %scan3A_54, %scan3A_55 : i32
    %scan3A_57 = arith.constant 1 : i32
    scf.for %scan3A_76 = %scan3A_54 to %scan3A_56 step %scan3A_57  : i32 {
      %mul3A_77 = arith.constant 16 : i32
      %mul3A_78 = arith.muli %scan3A_76, %mul3A_77 : i32
      %swap3A_79 = arith.index_cast %mul3A_78 : i32 to index
      %swap3A_80 = tpu.vector_load %arg16[%swap3A_79] {strides = array<i32>} : memref<640xf32, #tpu.memory_space<vmem>>, vector<16xf32>,
      %swap3A_81 = vector.shape_cast %swap3A_80 : vector<16xf32> to vector<16xf32>
      %swap3A_82 = vector.shape_cast %broadcast_in_dim3A_1 : vector<16xf32> to vector<16xf32>
      tpu.vector_store %arg16[%swap3A_79], %swap3A_82 {strides = array<i32>} : memref<640xf32, #tpu.memory_space<vmem>>, vector<16xf32>,
    }
    %scan3A_58 = arith.constant 40 : i32
    "tpu.region"() ({
      %run_scoped3A_76 = tpu.sem_alloc : memref<!tpu.dma_semaphore, #tpu.memory_space<semaphore_mem>>
      %dma_start3A = tpu.memref_slice %arg17[%mul3A_0] : memref<10240xf32, #tpu.memory_space<vmem_shared>> -> memref<640xf32, #tpu.memory_space<vmem_shared>>
      %dma_start3A_77 = tpu.memref_slice %arg17[%mul3A_0] : memref<10240xf32, #tpu.memory_space<vmem_shared>> -> memref<640xf32, #tpu.memory_space<vmem_shared>>
      tpu.enqueue_dma source(%arg16 : memref<640xf32, #tpu.memory_space<vmem>>) target(%dma_start3A_77 : memref<640xf32, #tpu.memory_space<vmem_shared>>) target_semaphore(%run_scoped3A_76 : memref<!tpu.dma_semaphore, #tpu.memory_space<semaphore_mem>>)
      %dma_wait3A = tpu.memref_slice %arg17[%mul3A_0] : memref<10240xf32, #tpu.memory_space<vmem_shared>> -> memref<640xf32, #tpu.memory_space<vmem_shared>>
      %dma_wait3A_78 = tpu.memref_slice %arg17[%mul3A_0] : memref<10240xf32, #tpu.memory_space<vmem_shared>> -> memref<640xf32, #tpu.memory_space<vmem_shared>>
      tpu.wait_dma2 semaphore(%run_scoped3A_76 : memref<!tpu.dma_semaphore, #tpu.memory_space<semaphore_mem>>) src(%arg16 : memref<640xf32, #tpu.memory_space<vmem>>) dst(%dma_wait3A_78 : memref<640xf32, #tpu.memory_space<vmem_shared>>)
      tpu.yield
    }) : () -> ()
    %barrier3A = arith.constant 0 : index
    tpu.barrier barrier_id(%barrier3A)
    %eq3A = arith.constant 0 : i32
    %eq3A_59 = arith.cmpi eq, %arg0, %eq3A : i32
    %jit3A = arith.constant 160 : i32
    %jit3A_60 = arith.constant 0 : i32
    %select_n3A = arith.select %eq3A_59, %jit3A, %jit3A_60 : i32
    %div3A = arith.constant 8 : i32
    %div3A_61 = arith.divsi %select_n3A, %div3A : i32
    %gt3A = arith.constant 0 : i32
    %gt3A_62 = arith.cmpi sgt, %select_n3A, %gt3A : i32
    %convert_element_type3A = arith.extui %gt3A_62 : i1 to i32
    %cond3A = arith.constant 0 : i32
    %cond3A_63 = arith.cmpi ne, %convert_element_type3A, %cond3A : i32
    scf.if %cond3A_63 {
      %run_scoped3A_76 = arith.constant 0 : i32
      "tpu.region"() ({
        %run_scoped3A_95 = tpu.sem_alloc : memref<!tpu.dma_semaphore, #tpu.memory_space<semaphore_mem>>
        %dma_start3A_96 = arith.constant 0 : i32
        %dma_start3A_97 = arith.constant 0 : i32
        %dma_start3A_98 = tpu.memref_slice %arg7[%run_scoped3A_76, %dma_start3A_96, %dma_start3A_97] : memref<2x8x128xi32, #tpu.memory_space<vmem>> -> memref<1x8x128xi32, #tpu.memory_space<vmem>>
        %dma_start3A_99 = tpu.memref_squeeze %dma_start3A_98 : memref<1x8x128xi32, #tpu.memory_space<vmem>> -> memref<8x128xi32, #tpu.memory_space<vmem>>
        %dma_start3A_100 = arith.constant 0 : i32
        %dma_start3A_101 = arith.constant 0 : i32
        %dma_start3A_102 = tpu.memref_slice %arg3[%arg0, %arg1, %dma_start3A_100, %dma_start3A_101] : memref<2x16x160x128xi32, #tpu.memory_space<hbm>> -> memref<1x1x8x128xi32, #tpu.memory_space<hbm>>
        %dma_start3A_103 = tpu.memref_squeeze %dma_start3A_102 : memref<1x1x8x128xi32, #tpu.memory_space<hbm>> -> memref<8x128xi32, #tpu.memory_space<hbm>>
        %dma_start3A_104 = arith.constant 0 : i32
        %dma_start3A_105 = arith.constant 0 : i32
        %dma_start3A_106 = tpu.memref_slice %arg7[%run_scoped3A_76, %dma_start3A_104, %dma_start3A_105] : memref<2x8x128xi32, #tpu.memory_space<vmem>> -> memref<1x8x128xi32, #tpu.memory_space<vmem>>
        %dma_start3A_107 = tpu.memref_squeeze %dma_start3A_106 : memref<1x8x128xi32, #tpu.memory_space<vmem>> -> memref<8x128xi32, #tpu.memory_space<vmem>>
        %dma_start3A_108 = arith.constant 0 : i32
        %dma_start3A_109 = arith.constant 0 : i32
        %dma_start3A_110 = tpu.memref_slice %arg3[%arg0, %arg1, %dma_start3A_108, %dma_start3A_109] : memref<2x16x160x128xi32, #tpu.memory_space<hbm>> -> memref<1x1x8x128xi32, #tpu.memory_space<hbm>>
        %dma_start3A_111 = tpu.memref_squeeze %dma_start3A_110 : memref<1x1x8x128xi32, #tpu.memory_space<hbm>> -> memref<8x128xi32, #tpu.memory_space<hbm>>
        tpu.enqueue_dma source(%dma_start3A_111 : memref<8x128xi32, #tpu.memory_space<hbm>>) target(%dma_start3A_107 : memref<8x128xi32, #tpu.memory_space<vmem>>) target_semaphore(%run_scoped3A_95 : memref<!tpu.dma_semaphore, #tpu.memory_space<semaphore_mem>>)
        %dma_wait3A = arith.constant 0 : i32
        %dma_wait3A_112 = arith.constant 0 : i32
        %dma_wait3A_113 = tpu.memref_slice %arg7[%run_scoped3A_76, %dma_wait3A, %dma_wait3A_112] : memref<2x8x128xi32, #tpu.memory_space<vmem>> -> memref<1x8x128xi32, #tpu.memory_space<vmem>>
        %dma_wait3A_114 = tpu.memref_squeeze %dma_wait3A_113 : memref<1x8x128xi32, #tpu.memory_space<vmem>> -> memref<8x128xi32, #tpu.memory_space<vmem>>
        %dma_wait3A_115 = arith.constant 0 : i32
        %dma_wait3A_116 = arith.constant 0 : i32
        %dma_wait3A_117 = tpu.memref_slice %arg3[%arg0, %arg1, %dma_wait3A_115, %dma_wait3A_116] : memref<2x16x160x128xi32, #tpu.memory_space<hbm>> -> memref<1x1x8x128xi32, #tpu.memory_space<hbm>>
        %dma_wait3A_118 = tpu.memref_squeeze %dma_wait3A_117 : memref<1x1x8x128xi32, #tpu.memory_space<hbm>> -> memref<8x128xi32, #tpu.memory_space<hbm>>
        %dma_wait3A_119 = arith.constant 0 : i32
        %dma_wait3A_120 = arith.constant 0 : i32
        %dma_wait3A_121 = tpu.memref_slice %arg7[%run_scoped3A_76, %dma_wait3A_119, %dma_wait3A_120] : memref<2x8x128xi32, #tpu.memory_space<vmem>> -> memref<1x8x128xi32, #tpu.memory_space<vmem>>
        %dma_wait3A_122 = tpu.memref_squeeze %dma_wait3A_121 : memref<1x8x128xi32, #tpu.memory_space<vmem>> -> memref<8x128xi32, #tpu.memory_space<vmem>>
        %dma_wait3A_123 = arith.constant 0 : i32
        %dma_wait3A_124 = arith.constant 0 : i32
        %dma_wait3A_125 = tpu.memref_slice %arg3[%arg0, %arg1, %dma_wait3A_123, %dma_wait3A_124] : memref<2x16x160x128xi32, #tpu.memory_space<hbm>> -> memref<1x1x8x128xi32, #tpu.memory_space<hbm>>
        %dma_wait3A_126 = tpu.memref_squeeze %dma_wait3A_125 : memref<1x1x8x128xi32, #tpu.memory_space<hbm>> -> memref<8x128xi32, #tpu.memory_space<hbm>>
        tpu.wait_dma2 semaphore(%run_scoped3A_95 : memref<!tpu.dma_semaphore, #tpu.memory_space<semaphore_mem>>) src(%dma_wait3A_126 : memref<8x128xi32, #tpu.memory_space<hbm>>) dst(%dma_wait3A_122 : memref<8x128xi32, #tpu.memory_space<vmem>>)
        tpu.yield
      }) : () -> ()
      %run_scoped3A_77 = arith.constant 0 : i32
      "tpu.region"() ({
        %run_scoped3A_95 = tpu.sem_alloc : memref<!tpu.dma_semaphore, #tpu.memory_space<semaphore_mem>>
        %dma_start3A_96 = arith.constant 0 : i32
        %dma_start3A_97 = arith.constant 0 : i32
        %dma_start3A_98 = tpu.memref_slice %arg8[%run_scoped3A_77, %dma_start3A_96, %dma_start3A_97] : memref<2x8x128xi32, #tpu.memory_space<vmem>> -> memref<1x8x128xi32, #tpu.memory_space<vmem>>
        %dma_start3A_99 = tpu.memref_squeeze %dma_start3A_98 : memref<1x8x128xi32, #tpu.memory_space<vmem>> -> memref<8x128xi32, #tpu.memory_space<vmem>>
        %dma_start3A_100 = arith.constant 0 : i32
        %dma_start3A_101 = arith.constant 0 : i32
        %dma_start3A_102 = tpu.memref_slice %arg4[%arg0, %arg1, %dma_start3A_100, %dma_start3A_101] : memref<2x16x160x128xi32, #tpu.memory_space<hbm>> -> memref<1x1x8x128xi32, #tpu.memory_space<hbm>>
        %dma_start3A_103 = tpu.memref_squeeze %dma_start3A_102 : memref<1x1x8x128xi32, #tpu.memory_space<hbm>> -> memref<8x128xi32, #tpu.memory_space<hbm>>
        %dma_start3A_104 = arith.constant 0 : i32
        %dma_start3A_105 = arith.constant 0 : i32
        %dma_start3A_106 = tpu.memref_slice %arg8[%run_scoped3A_77, %dma_start3A_104, %dma_start3A_105] : memref<2x8x128xi32, #tpu.memory_space<vmem>> -> memref<1x8x128xi32, #tpu.memory_space<vmem>>
        %dma_start3A_107 = tpu.memref_squeeze %dma_start3A_106 : memref<1x8x128xi32, #tpu.memory_space<vmem>> -> memref<8x128xi32, #tpu.memory_space<vmem>>
        %dma_start3A_108 = arith.constant 0 : i32
        %dma_start3A_109 = arith.constant 0 : i32
        %dma_start3A_110 = tpu.memref_slice %arg4[%arg0, %arg1, %dma_start3A_108, %dma_start3A_109] : memref<2x16x160x128xi32, #tpu.memory_space<hbm>> -> memref<1x1x8x128xi32, #tpu.memory_space<hbm>>
        %dma_start3A_111 = tpu.memref_squeeze %dma_start3A_110 : memref<1x1x8x128xi32, #tpu.memory_space<hbm>> -> memref<8x128xi32, #tpu.memory_space<hbm>>
        tpu.enqueue_dma source(%dma_start3A_111 : memref<8x128xi32, #tpu.memory_space<hbm>>) target(%dma_start3A_107 : memref<8x128xi32, #tpu.memory_space<vmem>>) target_semaphore(%run_scoped3A_95 : memref<!tpu.dma_semaphore, #tpu.memory_space<semaphore_mem>>)
        %dma_wait3A = arith.constant 0 : i32
        %dma_wait3A_112 = arith.constant 0 : i32
        %dma_wait3A_113 = tpu.memref_slice %arg8[%run_scoped3A_77, %dma_wait3A, %dma_wait3A_112] : memref<2x8x128xi32, #tpu.memory_space<vmem>> -> memref<1x8x128xi32, #tpu.memory_space<vmem>>
        %dma_wait3A_114 = tpu.memref_squeeze %dma_wait3A_113 : memref<1x8x128xi32, #tpu.memory_space<vmem>> -> memref<8x128xi32, #tpu.memory_space<vmem>>
        %dma_wait3A_115 = arith.constant 0 : i32
        %dma_wait3A_116 = arith.constant 0 : i32
        %dma_wait3A_117 = tpu.memref_slice %arg4[%arg0, %arg1, %dma_wait3A_115, %dma_wait3A_116] : memref<2x16x160x128xi32, #tpu.memory_space<hbm>> -> memref<1x1x8x128xi32, #tpu.memory_space<hbm>>
        %dma_wait3A_118 = tpu.memref_squeeze %dma_wait3A_117 : memref<1x1x8x128xi32, #tpu.memory_space<hbm>> -> memref<8x128xi32, #tpu.memory_space<hbm>>
        %dma_wait3A_119 = arith.constant 0 : i32
        %dma_wait3A_120 = arith.constant 0 : i32
        %dma_wait3A_121 = tpu.memref_slice %arg8[%run_scoped3A_77, %dma_wait3A_119, %dma_wait3A_120] : memref<2x8x128xi32, #tpu.memory_space<vmem>> -> memref<1x8x128xi32, #tpu.memory_space<vmem>>
        %dma_wait3A_122 = tpu.memref_squeeze %dma_wait3A_121 : memref<1x8x128xi32, #tpu.memory_space<vmem>> -> memref<8x128xi32, #tpu.memory_space<vmem>>
        %dma_wait3A_123 = arith.constant 0 : i32
        %dma_wait3A_124 = arith.constant 0 : i32
        %dma_wait3A_125 = tpu.memref_slice %arg4[%arg0, %arg1, %dma_wait3A_123, %dma_wait3A_124] : memref<2x16x160x128xi32, #tpu.memory_space<hbm>> -> memref<1x1x8x128xi32, #tpu.memory_space<hbm>>
        %dma_wait3A_126 = tpu.memref_squeeze %dma_wait3A_125 : memref<1x1x8x128xi32, #tpu.memory_space<hbm>> -> memref<8x128xi32, #tpu.memory_space<hbm>>
        tpu.wait_dma2 semaphore(%run_scoped3A_95 : memref<!tpu.dma_semaphore, #tpu.memory_space<semaphore_mem>>) src(%dma_wait3A_126 : memref<8x128xi32, #tpu.memory_space<hbm>>) dst(%dma_wait3A_122 : memref<8x128xi32, #tpu.memory_space<vmem>>)
        tpu.yield
      }) : () -> ()
      %div3A_78 = arith.constant 0 : i32
      %div3A_79 = arith.constant 8 : i32
      %div3A_80 = arith.divsi %div3A_78, %div3A_79 : i32
      %rem3A = arith.constant 2 : i32
      %rem3A_81 = arith.remsi %div3A_80, %rem3A : i32
      %rem3A_82 = arith.constant 0 : i32
      %rem3A_83 = arith.constant 8 : i32
      %rem3A_84 = arith.remsi %rem3A_82, %rem3A_83 : i32
      %dma_start3A = arith.constant 0 : i32
      %dma_start3A_85 = arith.constant 0 : i32
      %dma_start3A_86 = arith.constant 0 : i32
      %dma_start3A_87 = tpu.memref_slice %arg9[%dma_start3A, %dma_start3A_85, %dma_start3A_86] : memref<2x128x128xf32, #tpu.memory_space<vmem>> -> memref<1x128x128xf32, #tpu.memory_space<vmem>>
      %dma_start3A_88 = tpu.memref_squeeze %dma_start3A_87 : memref<1x128x128xf32, #tpu.memory_space<vmem>> -> memref<128x128xf32, #tpu.memory_space<vmem>>
      %dma_start3A_89 = arith.constant 0 : i32
      %dma_start3A_90 = tpu.memref_slice %arg7[%rem3A_81, %rem3A_84, %dma_start3A_89] : memref<2x8x128xi32, #tpu.memory_space<vmem>> -> memref<1x1x128xi32, #tpu.memory_space<vmem>>
      %dma_start3A_91 = tpu.memref_squeeze %dma_start3A_90 : memref<1x1x128xi32, #tpu.memory_space<vmem>> -> memref<128xi32, #tpu.memory_space<vmem>>
      %dma_start3A_92 = arith.constant 0 : i32
      %dma_start3A_93 = arith.constant 0 : i32
      %dma_start3A_94 = tpu.memref_slice %arg2[%dma_start3A_92, %dma_start3A_93] : memref<10240x128xf32, #tpu.memory_space<hbm>> -> memref<10240x128xf32, #tpu.memory_space<hbm>>
      tpu.enqueue_indirect_dma source(%dma_start3A_94 : memref<10240x128xf32, #tpu.memory_space<hbm>>) target(%dma_start3A_88 : memref<128x128xf32, #tpu.memory_space<vmem>>) offsets(%dma_start3A_91 : memref<128xi32, #tpu.memory_space<vmem>>) semaphore(%arg11 : memref<!tpu.dma_semaphore, #tpu.memory_space<semaphore_mem>>)
    } else {
    }
    %div3A_64 = arith.constant 2 : i32
    %div3A_65 = arith.divsi %select_n3A, %div3A_64 : i32
    %while3A = arith.constant 0 : i32
    %while3A_66 = arith.constant 0 : i32
    %while3A_67 = arith.subi %div3A_65, %while3A_66 : i32
    %while3A_68 = arith.addi %while3A_66, %while3A_67 : i32
    %while3A_69 = arith.constant 1 : i32
    %while3A_70 = arith.divsi %while3A_67, %while3A_69 : i32
    %while3A_71 = arith.muli %while3A_70, %while3A_69 : i32
    %while3A_72 = arith.addi %while3A_66, %while3A_71 : i32
    %while3A_73 = arith.constant 1 : i32
    scf.for %while3A_76 = %while3A_66 to %while3A_72 step %while3A_73  : i32 {
      %mul3A_77 = arith.constant 2 : i32
      %mul3A_78 = arith.muli %mul3A_77, %while3A_76 : i32
      %rem3A = arith.constant 8 : i32
      %rem3A_79 = arith.remsi %mul3A_78, %rem3A : i32
      %div3A_80 = arith.constant 8 : i32
      %div3A_81 = arith.divsi %mul3A_78, %div3A_80 : i32
      %add3A_82 = arith.constant 1 : i32
      %add3A_83 = arith.addi %mul3A_78, %add3A_82 : i32
      %div3A_84 = arith.constant 8 : i32
      %div3A_85 = arith.divsi %add3A_83, %div3A_84 : i32
      %rem3A_86 = arith.constant 2 : i32
      %rem3A_87 = arith.remsi %div3A_85, %rem3A_86 : i32
      %rem3A_88 = arith.constant 8 : i32
      %rem3A_89 = arith.remsi %add3A_83, %rem3A_88 : i32
      %dma_start3A = arith.constant 1 : i32
      %dma_start3A_90 = arith.constant 0 : i32
      %dma_start3A_91 = arith.constant 0 : i32
      %dma_start3A_92 = tpu.memref_slice %arg9[%dma_start3A, %dma_start3A_90, %dma_start3A_91] : memref<2x128x128xf32, #tpu.memory_space<vmem>> -> memref<1x128x128xf32, #tpu.memory_space<vmem>>
      %dma_start3A_93 = tpu.memref_squeeze %dma_start3A_92 : memref<1x128x128xf32, #tpu.memory_space<vmem>> -> memref<128x128xf32, #tpu.memory_space<vmem>>
      %dma_start3A_94 = arith.constant 0 : i32
      %dma_start3A_95 = tpu.memref_slice %arg7[%rem3A_87, %rem3A_89, %dma_start3A_94] : memref<2x8x128xi32, #tpu.memory_space<vmem>> -> memref<1x1x128xi32, #tpu.memory_space<vmem>>
      %dma_start3A_96 = tpu.memref_squeeze %dma_start3A_95 : memref<1x1x128xi32, #tpu.memory_space<vmem>> -> memref<128xi32, #tpu.memory_space<vmem>>
      %dma_start3A_97 = arith.constant 0 : i32
      %dma_start3A_98 = arith.constant 0 : i32
      %dma_start3A_99 = tpu.memref_slice %arg2[%dma_start3A_97, %dma_start3A_98] : memref<10240x128xf32, #tpu.memory_space<hbm>> -> memref<10240x128xf32, #tpu.memory_space<hbm>>
      tpu.enqueue_indirect_dma source(%dma_start3A_99 : memref<10240x128xf32, #tpu.memory_space<hbm>>) target(%dma_start3A_93 : memref<128x128xf32, #tpu.memory_space<vmem>>) offsets(%dma_start3A_96 : memref<128xi32, #tpu.memory_space<vmem>>) semaphore(%arg12 : memref<!tpu.dma_semaphore, #tpu.memory_space<semaphore_mem>>)
      %eq3A_100 = arith.constant 0 : i32
      %eq3A_101 = arith.cmpi eq, %rem3A_79, %eq3A_100 : i32
      %add3A_102 = arith.constant 1 : i32
      %add3A_103 = arith.addi %div3A_81, %add3A_102 : i32
      %lt3A = arith.cmpi slt, %add3A_103, %div3A_61 : i32
      %and3A = arith.andi %eq3A_101, %lt3A : i1
      %convert_element_type3A_104 = arith.extui %and3A : i1 to i32
      %cond3A_105 = arith.constant 0 : i32
      %cond3A_106 = arith.cmpi ne, %convert_element_type3A_104, %cond3A_105 : i32
      scf.if %cond3A_106 {
        %add3A_183 = arith.constant 1 : i32
        %add3A_184 = arith.addi %div3A_81, %add3A_183 : i32
        %add3A_185 = arith.constant 1 : i32
        %add3A_186 = arith.addi %div3A_81, %add3A_185 : i32
        %rem3A_187 = arith.constant 2 : i32
        %rem3A_188 = arith.remsi %add3A_186, %rem3A_187 : i32
        %mul3A_189 = arith.constant 8 : i32
        %mul3A_190 = arith.muli %add3A_184, %mul3A_189 : i32
        %dma_start3A_191 = arith.constant 0 : i32
        %dma_start3A_192 = arith.constant 0 : i32
        %dma_start3A_193 = tpu.memref_slice %arg7[%rem3A_188, %dma_start3A_191, %dma_start3A_192] : memref<2x8x128xi32, #tpu.memory_space<vmem>> -> memref<1x8x128xi32, #tpu.memory_space<vmem>>
        %dma_start3A_194 = tpu.memref_squeeze %dma_start3A_193 : memref<1x8x128xi32, #tpu.memory_space<vmem>> -> memref<8x128xi32, #tpu.memory_space<vmem>>
        %dma_start3A_195 = arith.constant 0 : i32
        %dma_start3A_196 = tpu.memref_slice %arg3[%arg0, %arg1, %mul3A_190, %dma_start3A_195] : memref<2x16x160x128xi32, #tpu.memory_space<hbm>> -> memref<1x1x8x128xi32, #tpu.memory_space<hbm>>
        %dma_start3A_197 = tpu.memref_squeeze %dma_start3A_196 : memref<1x1x8x128xi32, #tpu.memory_space<hbm>> -> memref<8x128xi32, #tpu.memory_space<hbm>>
        %dma_start3A_198 = arith.constant 0 : i32
        %dma_start3A_199 = arith.constant 0 : i32
        %dma_start3A_200 = tpu.memref_slice %arg7[%rem3A_188, %dma_start3A_198, %dma_start3A_199] : memref<2x8x128xi32, #tpu.memory_space<vmem>> -> memref<1x8x128xi32, #tpu.memory_space<vmem>>
        %dma_start3A_201 = tpu.memref_squeeze %dma_start3A_200 : memref<1x8x128xi32, #tpu.memory_space<vmem>> -> memref<8x128xi32, #tpu.memory_space<vmem>>
        %dma_start3A_202 = arith.constant 0 : i32
        %dma_start3A_203 = tpu.memref_slice %arg3[%arg0, %arg1, %mul3A_190, %dma_start3A_202] : memref<2x16x160x128xi32, #tpu.memory_space<hbm>> -> memref<1x1x8x128xi32, #tpu.memory_space<hbm>>
        %dma_start3A_204 = tpu.memref_squeeze %dma_start3A_203 : memref<1x1x8x128xi32, #tpu.memory_space<hbm>> -> memref<8x128xi32, #tpu.memory_space<hbm>>
        tpu.enqueue_dma source(%dma_start3A_204 : memref<8x128xi32, #tpu.memory_space<hbm>>) target(%dma_start3A_201 : memref<8x128xi32, #tpu.memory_space<vmem>>) target_semaphore(%arg13 : memref<!tpu.dma_semaphore, #tpu.memory_space<semaphore_mem>>)
        %dma_start3A_205 = arith.constant 0 : i32
        %dma_start3A_206 = arith.constant 0 : i32
        %dma_start3A_207 = tpu.memref_slice %arg8[%rem3A_188, %dma_start3A_205, %dma_start3A_206] : memref<2x8x128xi32, #tpu.memory_space<vmem>> -> memref<1x8x128xi32, #tpu.memory_space<vmem>>
        %dma_start3A_208 = tpu.memref_squeeze %dma_start3A_207 : memref<1x8x128xi32, #tpu.memory_space<vmem>> -> memref<8x128xi32, #tpu.memory_space<vmem>>
        %dma_start3A_209 = arith.constant 0 : i32
        %dma_start3A_210 = tpu.memref_slice %arg4[%arg0, %arg1, %mul3A_190, %dma_start3A_209] : memref<2x16x160x128xi32, #tpu.memory_space<hbm>> -> memref<1x1x8x128xi32, #tpu.memory_space<hbm>>
        %dma_start3A_211 = tpu.memref_squeeze %dma_start3A_210 : memref<1x1x8x128xi32, #tpu.memory_space<hbm>> -> memref<8x128xi32, #tpu.memory_space<hbm>>
        %dma_start3A_212 = arith.constant 0 : i32
        %dma_start3A_213 = arith.constant 0 : i32
        %dma_start3A_214 = tpu.memref_slice %arg8[%rem3A_188, %dma_start3A_212, %dma_start3A_213] : memref<2x8x128xi32, #tpu.memory_space<vmem>> -> memref<1x8x128xi32, #tpu.memory_space<vmem>>
        %dma_start3A_215 = tpu.memref_squeeze %dma_start3A_214 : memref<1x8x128xi32, #tpu.memory_space<vmem>> -> memref<8x128xi32, #tpu.memory_space<vmem>>
        %dma_start3A_216 = arith.constant 0 : i32
        %dma_start3A_217 = tpu.memref_slice %arg4[%arg0, %arg1, %mul3A_190, %dma_start3A_216] : memref<2x16x160x128xi32, #tpu.memory_space<hbm>> -> memref<1x1x8x128xi32, #tpu.memory_space<hbm>>
        %dma_start3A_218 = tpu.memref_squeeze %dma_start3A_217 : memref<1x1x8x128xi32, #tpu.memory_space<hbm>> -> memref<8x128xi32, #tpu.memory_space<hbm>>
        tpu.enqueue_dma source(%dma_start3A_218 : memref<8x128xi32, #tpu.memory_space<hbm>>) target(%dma_start3A_215 : memref<8x128xi32, #tpu.memory_space<vmem>>) target_semaphore(%arg14 : memref<!tpu.dma_semaphore, #tpu.memory_space<semaphore_mem>>)
      } else {
      }
      %div3A_107 = arith.constant 8 : i32
      %div3A_108 = arith.divsi %mul3A_78, %div3A_107 : i32
      %rem3A_109 = arith.constant 2 : i32
      %rem3A_110 = arith.remsi %div3A_108, %rem3A_109 : i32
      %rem3A_111 = arith.constant 8 : i32
      %rem3A_112 = arith.remsi %mul3A_78, %rem3A_111 : i32
      "tpu.region"() ({
        %run_scoped3A_183 = tpu.sem_alloc : memref<!tpu.dma_semaphore, #tpu.memory_space<semaphore_mem>>
        %dma_start3A_184 = arith.constant 0 : i32
        %dma_start3A_185 = tpu.memref_slice %arg8[%rem3A_110, %rem3A_112, %dma_start3A_184] : memref<2x8x128xi32, #tpu.memory_space<vmem>> -> memref<1x1x128xi32, #tpu.memory_space<vmem>>
        %dma_start3A_186 = tpu.memref_squeeze %dma_start3A_185 : memref<1x1x128xi32, #tpu.memory_space<vmem>> -> memref<128xi32, #tpu.memory_space<vmem>>
        %dma_start3A_187 = arith.constant 0 : i32
        %dma_start3A_188 = tpu.memref_slice %arg17[%dma_start3A_187] : memref<10240xf32, #tpu.memory_space<vmem_shared>> -> memref<10240xf32, #tpu.memory_space<vmem_shared>>
        tpu.enqueue_indirect_dma source(%arg15 : memref<128xf32, #tpu.memory_space<vmem>>) target(%dma_start3A_188 : memref<10240xf32, #tpu.memory_space<vmem_shared>>) offsets(%dma_start3A_186 : memref<128xi32, #tpu.memory_space<vmem>>) semaphore(%run_scoped3A_183 : memref<!tpu.dma_semaphore, #tpu.memory_space<semaphore_mem>>) {add = true}
        %dma_wait3A_189 = arith.constant 0 : i32
        %dma_wait3A_190 = tpu.memref_slice %arg8[%rem3A_110, %rem3A_112, %dma_wait3A_189] : memref<2x8x128xi32, #tpu.memory_space<vmem>> -> memref<1x1x128xi32, #tpu.memory_space<vmem>>
        %dma_wait3A_191 = tpu.memref_squeeze %dma_wait3A_190 : memref<1x1x128xi32, #tpu.memory_space<vmem>> -> memref<128xi32, #tpu.memory_space<vmem>>
        %dma_wait3A_192 = arith.constant 0 : i32
        %dma_wait3A_193 = tpu.memref_slice %arg17[%dma_wait3A_192] : memref<10240xf32, #tpu.memory_space<vmem_shared>> -> memref<10240xf32, #tpu.memory_space<vmem_shared>>
        tpu.wait_indirect_dma semaphore(%run_scoped3A_183 : memref<!tpu.dma_semaphore, #tpu.memory_space<semaphore_mem>>) src(%arg15 : memref<128xf32, #tpu.memory_space<vmem>>) dst(%dma_wait3A_193 : memref<10240xf32, #tpu.memory_space<vmem_shared>>)
        tpu.yield
      }) : () -> ()
      %add3A_113 = arith.constant 1 : i32
      %add3A_114 = arith.addi %mul3A_78, %add3A_113 : i32
      %div3A_115 = arith.constant 8 : i32
      %div3A_116 = arith.divsi %add3A_114, %div3A_115 : i32
      %rem3A_117 = arith.constant 2 : i32
      %rem3A_118 = arith.remsi %div3A_116, %rem3A_117 : i32
      %rem3A_119 = arith.constant 8 : i32
      %rem3A_120 = arith.remsi %add3A_114, %rem3A_119 : i32
      "tpu.region"() ({
        %run_scoped3A_183 = tpu.sem_alloc : memref<!tpu.dma_semaphore, #tpu.memory_space<semaphore_mem>>
        %dma_start3A_184 = arith.constant 0 : i32
        %dma_start3A_185 = tpu.memref_slice %arg8[%rem3A_118, %rem3A_120, %dma_start3A_184] : memref<2x8x128xi32, #tpu.memory_space<vmem>> -> memref<1x1x128xi32, #tpu.memory_space<vmem>>
        %dma_start3A_186 = tpu.memref_squeeze %dma_start3A_185 : memref<1x1x128xi32, #tpu.memory_space<vmem>> -> memref<128xi32, #tpu.memory_space<vmem>>
        %dma_start3A_187 = arith.constant 0 : i32
        %dma_start3A_188 = tpu.memref_slice %arg17[%dma_start3A_187] : memref<10240xf32, #tpu.memory_space<vmem_shared>> -> memref<10240xf32, #tpu.memory_space<vmem_shared>>
        tpu.enqueue_indirect_dma source(%arg15 : memref<128xf32, #tpu.memory_space<vmem>>) target(%dma_start3A_188 : memref<10240xf32, #tpu.memory_space<vmem_shared>>) offsets(%dma_start3A_186 : memref<128xi32, #tpu.memory_space<vmem>>) semaphore(%run_scoped3A_183 : memref<!tpu.dma_semaphore, #tpu.memory_space<semaphore_mem>>) {add = true}
        %dma_wait3A_189 = arith.constant 0 : i32
        %dma_wait3A_190 = tpu.memref_slice %arg8[%rem3A_118, %rem3A_120, %dma_wait3A_189] : memref<2x8x128xi32, #tpu.memory_space<vmem>> -> memref<1x1x128xi32, #tpu.memory_space<vmem>>
        %dma_wait3A_191 = tpu.memref_squeeze %dma_wait3A_190 : memref<1x1x128xi32, #tpu.memory_space<vmem>> -> memref<128xi32, #tpu.memory_space<vmem>>
        %dma_wait3A_192 = arith.constant 0 : i32
        %dma_wait3A_193 = tpu.memref_slice %arg17[%dma_wait3A_192] : memref<10240xf32, #tpu.memory_space<vmem_shared>> -> memref<10240xf32, #tpu.memory_space<vmem_shared>>
        tpu.wait_indirect_dma semaphore(%run_scoped3A_183 : memref<!tpu.dma_semaphore, #tpu.memory_space<semaphore_mem>>) src(%arg15 : memref<128xf32, #tpu.memory_space<vmem>>) dst(%dma_wait3A_193 : memref<10240xf32, #tpu.memory_space<vmem_shared>>)
        tpu.yield
      }) : () -> ()
      %div3A_121 = arith.constant 8 : i32
      %div3A_122 = arith.divsi %mul3A_78, %div3A_121 : i32
      %rem3A_123 = arith.constant 2 : i32
      %rem3A_124 = arith.remsi %div3A_122, %rem3A_123 : i32
      %rem3A_125 = arith.constant 8 : i32
      %rem3A_126 = arith.remsi %mul3A_78, %rem3A_125 : i32
      %dma_wait3A = arith.constant 0 : i32
      %dma_wait3A_127 = arith.constant 0 : i32
      %dma_wait3A_128 = arith.constant 0 : i32
      %dma_wait3A_129 = tpu.memref_slice %arg9[%dma_wait3A, %dma_wait3A_127, %dma_wait3A_128] : memref<2x128x128xf32, #tpu.memory_space<vmem>> -> memref<1x128x128xf32, #tpu.memory_space<vmem>>
      %dma_wait3A_130 = tpu.memref_squeeze %dma_wait3A_129 : memref<1x128x128xf32, #tpu.memory_space<vmem>> -> memref<128x128xf32, #tpu.memory_space<vmem>>
      %dma_wait3A_131 = arith.constant 0 : i32
      %dma_wait3A_132 = tpu.memref_slice %arg7[%rem3A_124, %rem3A_126, %dma_wait3A_131] : memref<2x8x128xi32, #tpu.memory_space<vmem>> -> memref<1x1x128xi32, #tpu.memory_space<vmem>>
      %dma_wait3A_133 = tpu.memref_squeeze %dma_wait3A_132 : memref<1x1x128xi32, #tpu.memory_space<vmem>> -> memref<128xi32, #tpu.memory_space<vmem>>
      %dma_wait3A_134 = arith.constant 0 : i32
      %dma_wait3A_135 = arith.constant 0 : i32
      %dma_wait3A_136 = tpu.memref_slice %arg2[%dma_wait3A_134, %dma_wait3A_135] : memref<10240x128xf32, #tpu.memory_space<hbm>> -> memref<10240x128xf32, #tpu.memory_space<hbm>>
      tpu.wait_indirect_dma semaphore(%arg11 : memref<!tpu.dma_semaphore, #tpu.memory_space<semaphore_mem>>) src(%dma_wait3A_136 : memref<10240x128xf32, #tpu.memory_space<hbm>>) dst(%dma_wait3A_130 : memref<128x128xf32, #tpu.memory_space<vmem>>)
      %div3A_137 = arith.constant 8 : i32
      %div3A_138 = arith.divsi %mul3A_78, %div3A_137 : i32
      %rem3A_139 = arith.constant 2 : i32
      %rem3A_140 = arith.remsi %div3A_138, %rem3A_139 : i32
      %rem3A_141 = arith.constant 8 : i32
      %rem3A_142 = arith.remsi %mul3A_78, %rem3A_141 : i32
      %run_scoped3A_143 = arith.constant 0 : i32
      "tpu.region"() ({
        %run_scoped3A_183 = tpu.sem_alloc : memref<!tpu.dma_semaphore, #tpu.memory_space<semaphore_mem>>
        %dma_start3A_184 = arith.constant 0 : i32
        %dma_start3A_185 = arith.constant 0 : i32
        %dma_start3A_186 = tpu.memref_slice %arg9[%run_scoped3A_143, %dma_start3A_184, %dma_start3A_185] : memref<2x128x128xf32, #tpu.memory_space<vmem>> -> memref<1x128x128xf32, #tpu.memory_space<vmem>>
        %dma_start3A_187 = tpu.memref_squeeze %dma_start3A_186 : memref<1x128x128xf32, #tpu.memory_space<vmem>> -> memref<128x128xf32, #tpu.memory_space<vmem>>
        %dma_start3A_188 = arith.constant 0 : i32
        %dma_start3A_189 = tpu.memref_slice %arg8[%rem3A_140, %rem3A_142, %dma_start3A_188] : memref<2x8x128xi32, #tpu.memory_space<vmem>> -> memref<1x1x128xi32, #tpu.memory_space<vmem>>
        %dma_start3A_190 = tpu.memref_squeeze %dma_start3A_189 : memref<1x1x128xi32, #tpu.memory_space<vmem>> -> memref<128xi32, #tpu.memory_space<vmem>>
        %dma_start3A_191 = arith.constant 0 : i32
        %dma_start3A_192 = arith.constant 0 : i32
        %dma_start3A_193 = tpu.memref_slice %arg10[%dma_start3A_191, %dma_start3A_192] : memref<10240x128xf32, #tpu.memory_space<vmem_shared>> -> memref<10240x128xf32, #tpu.memory_space<vmem_shared>>
        tpu.enqueue_indirect_dma source(%dma_start3A_187 : memref<128x128xf32, #tpu.memory_space<vmem>>) target(%dma_start3A_193 : memref<10240x128xf32, #tpu.memory_space<vmem_shared>>) offsets(%dma_start3A_190 : memref<128xi32, #tpu.memory_space<vmem>>) semaphore(%run_scoped3A_183 : memref<!tpu.dma_semaphore, #tpu.memory_space<semaphore_mem>>) {add = true}
        %dma_wait3A_194 = arith.constant 0 : i32
        %dma_wait3A_195 = arith.constant 0 : i32
        %dma_wait3A_196 = tpu.memref_slice %arg9[%run_scoped3A_143, %dma_wait3A_194, %dma_wait3A_195] : memref<2x128x128xf32, #tpu.memory_space<vmem>> -> memref<1x128x128xf32, #tpu.memory_space<vmem>>
        %dma_wait3A_197 = tpu.memref_squeeze %dma_wait3A_196 : memref<1x128x128xf32, #tpu.memory_space<vmem>> -> memref<128x128xf32, #tpu.memory_space<vmem>>
        %dma_wait3A_198 = arith.constant 0 : i32
        %dma_wait3A_199 = tpu.memref_slice %arg8[%rem3A_140, %rem3A_142, %dma_wait3A_198] : memref<2x8x128xi32, #tpu.memory_space<vmem>> -> memref<1x1x128xi32, #tpu.memory_space<vmem>>
        %dma_wait3A_200 = tpu.memref_squeeze %dma_wait3A_199 : memref<1x1x128xi32, #tpu.memory_space<vmem>> -> memref<128xi32, #tpu.memory_space<vmem>>
        %dma_wait3A_201 = arith.constant 0 : i32
        %dma_wait3A_202 = arith.constant 0 : i32
        %dma_wait3A_203 = tpu.memref_slice %arg10[%dma_wait3A_201, %dma_wait3A_202] : memref<10240x128xf32, #tpu.memory_space<vmem_shared>> -> memref<10240x128xf32, #tpu.memory_space<vmem_shared>>
        tpu.wait_indirect_dma semaphore(%run_scoped3A_183 : memref<!tpu.dma_semaphore, #tpu.memory_space<semaphore_mem>>) src(%dma_wait3A_197 : memref<128x128xf32, #tpu.memory_space<vmem>>) dst(%dma_wait3A_203 : memref<10240x128xf32, #tpu.memory_space<vmem_shared>>)
        tpu.yield
      }) : () -> ()
      %eq3A_144 = arith.constant 6 : i32
      %eq3A_145 = arith.cmpi eq, %rem3A_79, %eq3A_144 : i32
      %convert_element_type3A_146 = arith.extui %eq3A_145 : i1 to i32
      %cond3A_147 = arith.constant 0 : i32
      %cond3A_148 = arith.cmpi ne, %convert_element_type3A_146, %cond3A_147 : i32
      scf.if %cond3A_148 {
        %add3A_183 = arith.constant 2 : i32
        %add3A_184 = arith.addi %mul3A_78, %add3A_183 : i32
        %lt3A_185 = arith.cmpi slt, %add3A_184, %select_n3A : i32
        %convert_element_type3A_186 = arith.extui %lt3A_185 : i1 to i32
        %cond3A_187 = arith.constant 0 : i32
        %cond3A_188 = arith.cmpi ne, %convert_element_type3A_186, %cond3A_187 : i32
        scf.if %cond3A_188 {
          %dma_wait3A_189 = arith.constant 0 : i32
          %dma_wait3A_190 = arith.constant 0 : i32
          %dma_wait3A_191 = arith.constant 0 : i32
          %dma_wait3A_192 = tpu.memref_slice %arg7[%dma_wait3A_189, %dma_wait3A_190, %dma_wait3A_191] : memref<2x8x128xi32, #tpu.memory_space<vmem>> -> memref<1x8x128xi32, #tpu.memory_space<vmem>>
          %dma_wait3A_193 = tpu.memref_squeeze %dma_wait3A_192 : memref<1x8x128xi32, #tpu.memory_space<vmem>> -> memref<8x128xi32, #tpu.memory_space<vmem>>
          %dma_wait3A_194 = arith.constant 0 : i32
          %dma_wait3A_195 = arith.constant 0 : i32
          %dma_wait3A_196 = tpu.memref_slice %arg3[%arg0, %arg1, %dma_wait3A_194, %dma_wait3A_195] : memref<2x16x160x128xi32, #tpu.memory_space<hbm>> -> memref<1x1x8x128xi32, #tpu.memory_space<hbm>>
          %dma_wait3A_197 = tpu.memref_squeeze %dma_wait3A_196 : memref<1x1x8x128xi32, #tpu.memory_space<hbm>> -> memref<8x128xi32, #tpu.memory_space<hbm>>
          %dma_wait3A_198 = arith.constant 0 : i32
          %dma_wait3A_199 = arith.constant 0 : i32
          %dma_wait3A_200 = tpu.memref_slice %arg7[%dma_wait3A_189, %dma_wait3A_198, %dma_wait3A_199] : memref<2x8x128xi32, #tpu.memory_space<vmem>> -> memref<1x8x128xi32, #tpu.memory_space<vmem>>
          %dma_wait3A_201 = tpu.memref_squeeze %dma_wait3A_200 : memref<1x8x128xi32, #tpu.memory_space<vmem>> -> memref<8x128xi32, #tpu.memory_space<vmem>>
          %dma_wait3A_202 = arith.constant 0 : i32
          %dma_wait3A_203 = arith.constant 0 : i32
          %dma_wait3A_204 = tpu.memref_slice %arg3[%arg0, %arg1, %dma_wait3A_202, %dma_wait3A_203] : memref<2x16x160x128xi32, #tpu.memory_space<hbm>> -> memref<1x1x8x128xi32, #tpu.memory_space<hbm>>
          %dma_wait3A_205 = tpu.memref_squeeze %dma_wait3A_204 : memref<1x1x8x128xi32, #tpu.memory_space<hbm>> -> memref<8x128xi32, #tpu.memory_space<hbm>>
          tpu.wait_dma2 semaphore(%arg13 : memref<!tpu.dma_semaphore, #tpu.memory_space<semaphore_mem>>) src(%dma_wait3A_205 : memref<8x128xi32, #tpu.memory_space<hbm>>) dst(%dma_wait3A_201 : memref<8x128xi32, #tpu.memory_space<vmem>>)
          %dma_wait3A_206 = arith.constant 0 : i32
          %dma_wait3A_207 = arith.constant 0 : i32
          %dma_wait3A_208 = arith.constant 0 : i32
          %dma_wait3A_209 = tpu.memref_slice %arg8[%dma_wait3A_206, %dma_wait3A_207, %dma_wait3A_208] : memref<2x8x128xi32, #tpu.memory_space<vmem>> -> memref<1x8x128xi32, #tpu.memory_space<vmem>>
          %dma_wait3A_210 = tpu.memref_squeeze %dma_wait3A_209 : memref<1x8x128xi32, #tpu.memory_space<vmem>> -> memref<8x128xi32, #tpu.memory_space<vmem>>
          %dma_wait3A_211 = arith.constant 0 : i32
          %dma_wait3A_212 = arith.constant 0 : i32
          %dma_wait3A_213 = tpu.memref_slice %arg4[%arg0, %arg1, %dma_wait3A_211, %dma_wait3A_212] : memref<2x16x160x128xi32, #tpu.memory_space<hbm>> -> memref<1x1x8x128xi32, #tpu.memory_space<hbm>>
          %dma_wait3A_214 = tpu.memref_squeeze %dma_wait3A_213 : memref<1x1x8x128xi32, #tpu.memory_space<hbm>> -> memref<8x128xi32, #tpu.memory_space<hbm>>
          %dma_wait3A_215 = arith.constant 0 : i32
          %dma_wait3A_216 = arith.constant 0 : i32
          %dma_wait3A_217 = tpu.memref_slice %arg8[%dma_wait3A_206, %dma_wait3A_215, %dma_wait3A_216] : memref<2x8x128xi32, #tpu.memory_space<vmem>> -> memref<1x8x128xi32, #tpu.memory_space<vmem>>
          %dma_wait3A_218 = tpu.memref_squeeze %dma_wait3A_217 : memref<1x8x128xi32, #tpu.memory_space<vmem>> -> memref<8x128xi32, #tpu.memory_space<vmem>>
          %dma_wait3A_219 = arith.constant 0 : i32
          %dma_wait3A_220 = arith.constant 0 : i32
          %dma_wait3A_221 = tpu.memref_slice %arg4[%arg0, %arg1, %dma_wait3A_219, %dma_wait3A_220] : memref<2x16x160x128xi32, #tpu.memory_space<hbm>> -> memref<1x1x8x128xi32, #tpu.memory_space<hbm>>
          %dma_wait3A_222 = tpu.memref_squeeze %dma_wait3A_221 : memref<1x1x8x128xi32, #tpu.memory_space<hbm>> -> memref<8x128xi32, #tpu.memory_space<hbm>>
          tpu.wait_dma2 semaphore(%arg14 : memref<!tpu.dma_semaphore, #tpu.memory_space<semaphore_mem>>) src(%dma_wait3A_222 : memref<8x128xi32, #tpu.memory_space<hbm>>) dst(%dma_wait3A_218 : memref<8x128xi32, #tpu.memory_space<vmem>>)
        } else {
        }
      } else {
      }
      %add3A_149 = arith.constant 2 : i32
      %add3A_150 = arith.addi %mul3A_78, %add3A_149 : i32
      %lt3A_151 = arith.cmpi slt, %add3A_150, %select_n3A : i32
      %convert_element_type3A_152 = arith.extui %lt3A_151 : i1 to i32
      %cond3A_153 = arith.constant 0 : i32
      %cond3A_154 = arith.cmpi ne, %convert_element_type3A_152, %cond3A_153 : i32
      scf.if %cond3A_154 {
        %add3A_183 = arith.constant 2 : i32
        %add3A_184 = arith.addi %mul3A_78, %add3A_183 : i32
        %div3A_185 = arith.constant 8 : i32
        %div3A_186 = arith.divsi %add3A_184, %div3A_185 : i32
        %rem3A_187 = arith.constant 2 : i32
        %rem3A_188 = arith.remsi %div3A_186, %rem3A_187 : i32
        %rem3A_189 = arith.constant 8 : i32
        %rem3A_190 = arith.remsi %add3A_184, %rem3A_189 : i32
        %dma_start3A_191 = arith.constant 0 : i32
        %dma_start3A_192 = arith.constant 0 : i32
        %dma_start3A_193 = arith.constant 0 : i32
        %dma_start3A_194 = tpu.memref_slice %arg9[%dma_start3A_191, %dma_start3A_192, %dma_start3A_193] : memref<2x128x128xf32, #tpu.memory_space<vmem>> -> memref<1x128x128xf32, #tpu.memory_space<vmem>>
        %dma_start3A_195 = tpu.memref_squeeze %dma_start3A_194 : memref<1x128x128xf32, #tpu.memory_space<vmem>> -> memref<128x128xf32, #tpu.memory_space<vmem>>
        %dma_start3A_196 = arith.constant 0 : i32
        %dma_start3A_197 = tpu.memref_slice %arg7[%rem3A_188, %rem3A_190, %dma_start3A_196] : memref<2x8x128xi32, #tpu.memory_space<vmem>> -> memref<1x1x128xi32, #tpu.memory_space<vmem>>
        %dma_start3A_198 = tpu.memref_squeeze %dma_start3A_197 : memref<1x1x128xi32, #tpu.memory_space<vmem>> -> memref<128xi32, #tpu.memory_space<vmem>>
        %dma_start3A_199 = arith.constant 0 : i32
        %dma_start3A_200 = arith.constant 0 : i32
        %dma_start3A_201 = tpu.memref_slice %arg2[%dma_start3A_199, %dma_start3A_200] : memref<10240x128xf32, #tpu.memory_space<hbm>> -> memref<10240x128xf32, #tpu.memory_space<hbm>>
        tpu.enqueue_indirect_dma source(%dma_start3A_201 : memref<10240x128xf32, #tpu.memory_space<hbm>>) target(%dma_start3A_195 : memref<128x128xf32, #tpu.memory_space<vmem>>) offsets(%dma_start3A_198 : memref<128xi32, #tpu.memory_space<vmem>>) semaphore(%arg11 : memref<!tpu.dma_semaphore, #tpu.memory_space<semaphore_mem>>)
      } else {
      }
      %add3A_155 = arith.constant 1 : i32
      %add3A_156 = arith.addi %mul3A_78, %add3A_155 : i32
      %div3A_157 = arith.constant 8 : i32
      %div3A_158 = arith.divsi %add3A_156, %div3A_157 : i32
      %rem3A_159 = arith.constant 2 : i32
      %rem3A_160 = arith.remsi %div3A_158, %rem3A_159 : i32
      %rem3A_161 = arith.constant 8 : i32
      %rem3A_162 = arith.remsi %add3A_156, %rem3A_161 : i32
      %dma_wait3A_163 = arith.constant 1 : i32
      %dma_wait3A_164 = arith.constant 0 : i32
      %dma_wait3A_165 = arith.constant 0 : i32
      %dma_wait3A_166 = tpu.memref_slice %arg9[%dma_wait3A_163, %dma_wait3A_164, %dma_wait3A_165] : memref<2x128x128xf32, #tpu.memory_space<vmem>> -> memref<1x128x128xf32, #tpu.memory_space<vmem>>
      %dma_wait3A_167 = tpu.memref_squeeze %dma_wait3A_166 : memref<1x128x128xf32, #tpu.memory_space<vmem>> -> memref<128x128xf32, #tpu.memory_space<vmem>>
      %dma_wait3A_168 = arith.constant 0 : i32
      %dma_wait3A_169 = tpu.memref_slice %arg7[%rem3A_160, %rem3A_162, %dma_wait3A_168] : memref<2x8x128xi32, #tpu.memory_space<vmem>> -> memref<1x1x128xi32, #tpu.memory_space<vmem>>
      %dma_wait3A_170 = tpu.memref_squeeze %dma_wait3A_169 : memref<1x1x128xi32, #tpu.memory_space<vmem>> -> memref<128xi32, #tpu.memory_space<vmem>>
      %dma_wait3A_171 = arith.constant 0 : i32
      %dma_wait3A_172 = arith.constant 0 : i32
      %dma_wait3A_173 = tpu.memref_slice %arg2[%dma_wait3A_171, %dma_wait3A_172] : memref<10240x128xf32, #tpu.memory_space<hbm>> -> memref<10240x128xf32, #tpu.memory_space<hbm>>
      tpu.wait_indirect_dma semaphore(%arg12 : memref<!tpu.dma_semaphore, #tpu.memory_space<semaphore_mem>>) src(%dma_wait3A_173 : memref<10240x128xf32, #tpu.memory_space<hbm>>) dst(%dma_wait3A_167 : memref<128x128xf32, #tpu.memory_space<vmem>>)
      %add3A_174 = arith.constant 1 : i32
      %add3A_175 = arith.addi %mul3A_78, %add3A_174 : i32
      %div3A_176 = arith.constant 8 : i32
      %div3A_177 = arith.divsi %add3A_175, %div3A_176 : i32
      %rem3A_178 = arith.constant 2 : i32
      %rem3A_179 = arith.remsi %div3A_177, %rem3A_178 : i32
      %rem3A_180 = arith.constant 8 : i32
      %rem3A_181 = arith.remsi %add3A_175, %rem3A_180 : i32
      %run_scoped3A_182 = arith.constant 1 : i32
      "tpu.region"() ({
        %run_scoped3A_183 = tpu.sem_alloc : memref<!tpu.dma_semaphore, #tpu.memory_space<semaphore_mem>>
        %dma_start3A_184 = arith.constant 0 : i32
        %dma_start3A_185 = arith.constant 0 : i32
        %dma_start3A_186 = tpu.memref_slice %arg9[%run_scoped3A_182, %dma_start3A_184, %dma_start3A_185] : memref<2x128x128xf32, #tpu.memory_space<vmem>> -> memref<1x128x128xf32, #tpu.memory_space<vmem>>
        %dma_start3A_187 = tpu.memref_squeeze %dma_start3A_186 : memref<1x128x128xf32, #tpu.memory_space<vmem>> -> memref<128x128xf32, #tpu.memory_space<vmem>>
        %dma_start3A_188 = arith.constant 0 : i32
        %dma_start3A_189 = tpu.memref_slice %arg8[%rem3A_179, %rem3A_181, %dma_start3A_188] : memref<2x8x128xi32, #tpu.memory_space<vmem>> -> memref<1x1x128xi32, #tpu.memory_space<vmem>>
        %dma_start3A_190 = tpu.memref_squeeze %dma_start3A_189 : memref<1x1x128xi32, #tpu.memory_space<vmem>> -> memref<128xi32, #tpu.memory_space<vmem>>
        %dma_start3A_191 = arith.constant 0 : i32
        %dma_start3A_192 = arith.constant 0 : i32
        %dma_start3A_193 = tpu.memref_slice %arg10[%dma_start3A_191, %dma_start3A_192] : memref<10240x128xf32, #tpu.memory_space<vmem_shared>> -> memref<10240x128xf32, #tpu.memory_space<vmem_shared>>
        tpu.enqueue_indirect_dma source(%dma_start3A_187 : memref<128x128xf32, #tpu.memory_space<vmem>>) target(%dma_start3A_193 : memref<10240x128xf32, #tpu.memory_space<vmem_shared>>) offsets(%dma_start3A_190 : memref<128xi32, #tpu.memory_space<vmem>>) semaphore(%run_scoped3A_183 : memref<!tpu.dma_semaphore, #tpu.memory_space<semaphore_mem>>) {add = true}
        %dma_wait3A_194 = arith.constant 0 : i32
        %dma_wait3A_195 = arith.constant 0 : i32
        %dma_wait3A_196 = tpu.memref_slice %arg9[%run_scoped3A_182, %dma_wait3A_194, %dma_wait3A_195] : memref<2x128x128xf32, #tpu.memory_space<vmem>> -> memref<1x128x128xf32, #tpu.memory_space<vmem>>
        %dma_wait3A_197 = tpu.memref_squeeze %dma_wait3A_196 : memref<1x128x128xf32, #tpu.memory_space<vmem>> -> memref<128x128xf32, #tpu.memory_space<vmem>>
        %dma_wait3A_198 = arith.constant 0 : i32
        %dma_wait3A_199 = tpu.memref_slice %arg8[%rem3A_179, %rem3A_181, %dma_wait3A_198] : memref<2x8x128xi32, #tpu.memory_space<vmem>> -> memref<1x1x128xi32, #tpu.memory_space<vmem>>
        %dma_wait3A_200 = tpu.memref_squeeze %dma_wait3A_199 : memref<1x1x128xi32, #tpu.memory_space<vmem>> -> memref<128xi32, #tpu.memory_space<vmem>>
        %dma_wait3A_201 = arith.constant 0 : i32
        %dma_wait3A_202 = arith.constant 0 : i32
        %dma_wait3A_203 = tpu.memref_slice %arg10[%dma_wait3A_201, %dma_wait3A_202] : memref<10240x128xf32, #tpu.memory_space<vmem_shared>> -> memref<10240x128xf32, #tpu.memory_space<vmem_shared>>
        tpu.wait_indirect_dma semaphore(%run_scoped3A_183 : memref<!tpu.dma_semaphore, #tpu.memory_space<semaphore_mem>>) src(%dma_wait3A_197 : memref<128x128xf32, #tpu.memory_space<vmem>>) dst(%dma_wait3A_203 : memref<10240x128xf32, #tpu.memory_space<vmem_shared>>)
        tpu.yield
      }) : () -> ()
    }
    %while3A_74 = arith.constant 1 : i32
    scf.for %while3A_76 = %while3A_72 to %while3A_68 step %while3A_74  : i32 {
      %mul3A_77 = arith.constant 2 : i32
      %mul3A_78 = arith.muli %mul3A_77, %while3A_76 : i32
      %rem3A = arith.constant 8 : i32
      %rem3A_79 = arith.remsi %mul3A_78, %rem3A : i32
      %div3A_80 = arith.constant 8 : i32
      %div3A_81 = arith.divsi %mul3A_78, %div3A_80 : i32
      %add3A_82 = arith.constant 1 : i32
      %add3A_83 = arith.addi %mul3A_78, %add3A_82 : i32
      %div3A_84 = arith.constant 8 : i32
      %div3A_85 = arith.divsi %add3A_83, %div3A_84 : i32
      %rem3A_86 = arith.constant 2 : i32
      %rem3A_87 = arith.remsi %div3A_85, %rem3A_86 : i32
      %rem3A_88 = arith.constant 8 : i32
      %rem3A_89 = arith.remsi %add3A_83, %rem3A_88 : i32
      %dma_start3A = arith.constant 1 : i32
      %dma_start3A_90 = arith.constant 0 : i32
      %dma_start3A_91 = arith.constant 0 : i32
      %dma_start3A_92 = tpu.memref_slice %arg9[%dma_start3A, %dma_start3A_90, %dma_start3A_91] : memref<2x128x128xf32, #tpu.memory_space<vmem>> -> memref<1x128x128xf32, #tpu.memory_space<vmem>>
      %dma_start3A_93 = tpu.memref_squeeze %dma_start3A_92 : memref<1x128x128xf32, #tpu.memory_space<vmem>> -> memref<128x128xf32, #tpu.memory_space<vmem>>
      %dma_start3A_94 = arith.constant 0 : i32
      %dma_start3A_95 = tpu.memref_slice %arg7[%rem3A_87, %rem3A_89, %dma_start3A_94] : memref<2x8x128xi32, #tpu.memory_space<vmem>> -> memref<1x1x128xi32, #tpu.memory_space<vmem>>
      %dma_start3A_96 = tpu.memref_squeeze %dma_start3A_95 : memref<1x1x128xi32, #tpu.memory_space<vmem>> -> memref<128xi32, #tpu.memory_space<vmem>>
      %dma_start3A_97 = arith.constant 0 : i32
      %dma_start3A_98 = arith.constant 0 : i32
      %dma_start3A_99 = tpu.memref_slice %arg2[%dma_start3A_97, %dma_start3A_98] : memref<10240x128xf32, #tpu.memory_space<hbm>> -> memref<10240x128xf32, #tpu.memory_space<hbm>>
      tpu.enqueue_indirect_dma source(%dma_start3A_99 : memref<10240x128xf32, #tpu.memory_space<hbm>>) target(%dma_start3A_93 : memref<128x128xf32, #tpu.memory_space<vmem>>) offsets(%dma_start3A_96 : memref<128xi32, #tpu.memory_space<vmem>>) semaphore(%arg12 : memref<!tpu.dma_semaphore, #tpu.memory_space<semaphore_mem>>)
      %eq3A_100 = arith.constant 0 : i32
      %eq3A_101 = arith.cmpi eq, %rem3A_79, %eq3A_100 : i32
      %add3A_102 = arith.constant 1 : i32
      %add3A_103 = arith.addi %div3A_81, %add3A_102 : i32
      %lt3A = arith.cmpi slt, %add3A_103, %div3A_61 : i32
      %and3A = arith.andi %eq3A_101, %lt3A : i1
      %convert_element_type3A_104 = arith.extui %and3A : i1 to i32
      %cond3A_105 = arith.constant 0 : i32
      %cond3A_106 = arith.cmpi ne, %convert_element_type3A_104, %cond3A_105 : i32
      scf.if %cond3A_106 {
        %add3A_183 = arith.constant 1 : i32
        %add3A_184 = arith.addi %div3A_81, %add3A_183 : i32
        %add3A_185 = arith.constant 1 : i32
        %add3A_186 = arith.addi %div3A_81, %add3A_185 : i32
        %rem3A_187 = arith.constant 2 : i32
        %rem3A_188 = arith.remsi %add3A_186, %rem3A_187 : i32
        %mul3A_189 = arith.constant 8 : i32
        %mul3A_190 = arith.muli %add3A_184, %mul3A_189 : i32
        %dma_start3A_191 = arith.constant 0 : i32
        %dma_start3A_192 = arith.constant 0 : i32
        %dma_start3A_193 = tpu.memref_slice %arg7[%rem3A_188, %dma_start3A_191, %dma_start3A_192] : memref<2x8x128xi32, #tpu.memory_space<vmem>> -> memref<1x8x128xi32, #tpu.memory_space<vmem>>
        %dma_start3A_194 = tpu.memref_squeeze %dma_start3A_193 : memref<1x8x128xi32, #tpu.memory_space<vmem>> -> memref<8x128xi32, #tpu.memory_space<vmem>>
        %dma_start3A_195 = arith.constant 0 : i32
        %dma_start3A_196 = tpu.memref_slice %arg3[%arg0, %arg1, %mul3A_190, %dma_start3A_195] : memref<2x16x160x128xi32, #tpu.memory_space<hbm>> -> memref<1x1x8x128xi32, #tpu.memory_space<hbm>>
        %dma_start3A_197 = tpu.memref_squeeze %dma_start3A_196 : memref<1x1x8x128xi32, #tpu.memory_space<hbm>> -> memref<8x128xi32, #tpu.memory_space<hbm>>
        %dma_start3A_198 = arith.constant 0 : i32
        %dma_start3A_199 = arith.constant 0 : i32
        %dma_start3A_200 = tpu.memref_slice %arg7[%rem3A_188, %dma_start3A_198, %dma_start3A_199] : memref<2x8x128xi32, #tpu.memory_space<vmem>> -> memref<1x8x128xi32, #tpu.memory_space<vmem>>
        %dma_start3A_201 = tpu.memref_squeeze %dma_start3A_200 : memref<1x8x128xi32, #tpu.memory_space<vmem>> -> memref<8x128xi32, #tpu.memory_space<vmem>>
        %dma_start3A_202 = arith.constant 0 : i32
        %dma_start3A_203 = tpu.memref_slice %arg3[%arg0, %arg1, %mul3A_190, %dma_start3A_202] : memref<2x16x160x128xi32, #tpu.memory_space<hbm>> -> memref<1x1x8x128xi32, #tpu.memory_space<hbm>>
        %dma_start3A_204 = tpu.memref_squeeze %dma_start3A_203 : memref<1x1x8x128xi32, #tpu.memory_space<hbm>> -> memref<8x128xi32, #tpu.memory_space<hbm>>
        tpu.enqueue_dma source(%dma_start3A_204 : memref<8x128xi32, #tpu.memory_space<hbm>>) target(%dma_start3A_201 : memref<8x128xi32, #tpu.memory_space<vmem>>) target_semaphore(%arg13 : memref<!tpu.dma_semaphore, #tpu.memory_space<semaphore_mem>>)
        %dma_start3A_205 = arith.constant 0 : i32
        %dma_start3A_206 = arith.constant 0 : i32
        %dma_start3A_207 = tpu.memref_slice %arg8[%rem3A_188, %dma_start3A_205, %dma_start3A_206] : memref<2x8x128xi32, #tpu.memory_space<vmem>> -> memref<1x8x128xi32, #tpu.memory_space<vmem>>
        %dma_start3A_208 = tpu.memref_squeeze %dma_start3A_207 : memref<1x8x128xi32, #tpu.memory_space<vmem>> -> memref<8x128xi32, #tpu.memory_space<vmem>>
        %dma_start3A_209 = arith.constant 0 : i32
        %dma_start3A_210 = tpu.memref_slice %arg4[%arg0, %arg1, %mul3A_190, %dma_start3A_209] : memref<2x16x160x128xi32, #tpu.memory_space<hbm>> -> memref<1x1x8x128xi32, #tpu.memory_space<hbm>>
        %dma_start3A_211 = tpu.memref_squeeze %dma_start3A_210 : memref<1x1x8x128xi32, #tpu.memory_space<hbm>> -> memref<8x128xi32, #tpu.memory_space<hbm>>
        %dma_start3A_212 = arith.constant 0 : i32
        %dma_start3A_213 = arith.constant 0 : i32
        %dma_start3A_214 = tpu.memref_slice %arg8[%rem3A_188, %dma_start3A_212, %dma_start3A_213] : memref<2x8x128xi32, #tpu.memory_space<vmem>> -> memref<1x8x128xi32, #tpu.memory_space<vmem>>
        %dma_start3A_215 = tpu.memref_squeeze %dma_start3A_214 : memref<1x8x128xi32, #tpu.memory_space<vmem>> -> memref<8x128xi32, #tpu.memory_space<vmem>>
        %dma_start3A_216 = arith.constant 0 : i32
        %dma_start3A_217 = tpu.memref_slice %arg4[%arg0, %arg1, %mul3A_190, %dma_start3A_216] : memref<2x16x160x128xi32, #tpu.memory_space<hbm>> -> memref<1x1x8x128xi32, #tpu.memory_space<hbm>>
        %dma_start3A_218 = tpu.memref_squeeze %dma_start3A_217 : memref<1x1x8x128xi32, #tpu.memory_space<hbm>> -> memref<8x128xi32, #tpu.memory_space<hbm>>
        tpu.enqueue_dma source(%dma_start3A_218 : memref<8x128xi32, #tpu.memory_space<hbm>>) target(%dma_start3A_215 : memref<8x128xi32, #tpu.memory_space<vmem>>) target_semaphore(%arg14 : memref<!tpu.dma_semaphore, #tpu.memory_space<semaphore_mem>>)
      } else {
      }
      %div3A_107 = arith.constant 8 : i32
      %div3A_108 = arith.divsi %mul3A_78, %div3A_107 : i32
      %rem3A_109 = arith.constant 2 : i32
      %rem3A_110 = arith.remsi %div3A_108, %rem3A_109 : i32
      %rem3A_111 = arith.constant 8 : i32
      %rem3A_112 = arith.remsi %mul3A_78, %rem3A_111 : i32
      "tpu.region"() ({
        %run_scoped3A_183 = tpu.sem_alloc : memref<!tpu.dma_semaphore, #tpu.memory_space<semaphore_mem>>
        %dma_start3A_184 = arith.constant 0 : i32
        %dma_start3A_185 = tpu.memref_slice %arg8[%rem3A_110, %rem3A_112, %dma_start3A_184] : memref<2x8x128xi32, #tpu.memory_space<vmem>> -> memref<1x1x128xi32, #tpu.memory_space<vmem>>
        %dma_start3A_186 = tpu.memref_squeeze %dma_start3A_185 : memref<1x1x128xi32, #tpu.memory_space<vmem>> -> memref<128xi32, #tpu.memory_space<vmem>>
        %dma_start3A_187 = arith.constant 0 : i32
        %dma_start3A_188 = tpu.memref_slice %arg17[%dma_start3A_187] : memref<10240xf32, #tpu.memory_space<vmem_shared>> -> memref<10240xf32, #tpu.memory_space<vmem_shared>>
        tpu.enqueue_indirect_dma source(%arg15 : memref<128xf32, #tpu.memory_space<vmem>>) target(%dma_start3A_188 : memref<10240xf32, #tpu.memory_space<vmem_shared>>) offsets(%dma_start3A_186 : memref<128xi32, #tpu.memory_space<vmem>>) semaphore(%run_scoped3A_183 : memref<!tpu.dma_semaphore, #tpu.memory_space<semaphore_mem>>) {add = true}
        %dma_wait3A_189 = arith.constant 0 : i32
        %dma_wait3A_190 = tpu.memref_slice %arg8[%rem3A_110, %rem3A_112, %dma_wait3A_189] : memref<2x8x128xi32, #tpu.memory_space<vmem>> -> memref<1x1x128xi32, #tpu.memory_space<vmem>>
        %dma_wait3A_191 = tpu.memref_squeeze %dma_wait3A_190 : memref<1x1x128xi32, #tpu.memory_space<vmem>> -> memref<128xi32, #tpu.memory_space<vmem>>
        %dma_wait3A_192 = arith.constant 0 : i32
        %dma_wait3A_193 = tpu.memref_slice %arg17[%dma_wait3A_192] : memref<10240xf32, #tpu.memory_space<vmem_shared>> -> memref<10240xf32, #tpu.memory_space<vmem_shared>>
        tpu.wait_indirect_dma semaphore(%run_scoped3A_183 : memref<!tpu.dma_semaphore, #tpu.memory_space<semaphore_mem>>) src(%arg15 : memref<128xf32, #tpu.memory_space<vmem>>) dst(%dma_wait3A_193 : memref<10240xf32, #tpu.memory_space<vmem_shared>>)
        tpu.yield
      }) : () -> ()
      %add3A_113 = arith.constant 1 : i32
      %add3A_114 = arith.addi %mul3A_78, %add3A_113 : i32
      %div3A_115 = arith.constant 8 : i32
      %div3A_116 = arith.divsi %add3A_114, %div3A_115 : i32
      %rem3A_117 = arith.constant 2 : i32
      %rem3A_118 = arith.remsi %div3A_116, %rem3A_117 : i32
      %rem3A_119 = arith.constant 8 : i32
      %rem3A_120 = arith.remsi %add3A_114, %rem3A_119 : i32
      "tpu.region"() ({
        %run_scoped3A_183 = tpu.sem_alloc : memref<!tpu.dma_semaphore, #tpu.memory_space<semaphore_mem>>
        %dma_start3A_184 = arith.constant 0 : i32
        %dma_start3A_185 = tpu.memref_slice %arg8[%rem3A_118, %rem3A_120, %dma_start3A_184] : memref<2x8x128xi32, #tpu.memory_space<vmem>> -> memref<1x1x128xi32, #tpu.memory_space<vmem>>
        %dma_start3A_186 = tpu.memref_squeeze %dma_start3A_185 : memref<1x1x128xi32, #tpu.memory_space<vmem>> -> memref<128xi32, #tpu.memory_space<vmem>>
        %dma_start3A_187 = arith.constant 0 : i32
        %dma_start3A_188 = tpu.memref_slice %arg17[%dma_start3A_187] : memref<10240xf32, #tpu.memory_space<vmem_shared>> -> memref<10240xf32, #tpu.memory_space<vmem_shared>>
        tpu.enqueue_indirect_dma source(%arg15 : memref<128xf32, #tpu.memory_space<vmem>>) target(%dma_start3A_188 : memref<10240xf32, #tpu.memory_space<vmem_shared>>) offsets(%dma_start3A_186 : memref<128xi32, #tpu.memory_space<vmem>>) semaphore(%run_scoped3A_183 : memref<!tpu.dma_semaphore, #tpu.memory_space<semaphore_mem>>) {add = true}
        %dma_wait3A_189 = arith.constant 0 : i32
        %dma_wait3A_190 = tpu.memref_slice %arg8[%rem3A_118, %rem3A_120, %dma_wait3A_189] : memref<2x8x128xi32, #tpu.memory_space<vmem>> -> memref<1x1x128xi32, #tpu.memory_space<vmem>>
        %dma_wait3A_191 = tpu.memref_squeeze %dma_wait3A_190 : memref<1x1x128xi32, #tpu.memory_space<vmem>> -> memref<128xi32, #tpu.memory_space<vmem>>
        %dma_wait3A_192 = arith.constant 0 : i32
        %dma_wait3A_193 = tpu.memref_slice %arg17[%dma_wait3A_192] : memref<10240xf32, #tpu.memory_space<vmem_shared>> -> memref<10240xf32, #tpu.memory_space<vmem_shared>>
        tpu.wait_indirect_dma semaphore(%run_scoped3A_183 : memref<!tpu.dma_semaphore, #tpu.memory_space<semaphore_mem>>) src(%arg15 : memref<128xf32, #tpu.memory_space<vmem>>) dst(%dma_wait3A_193 : memref<10240xf32, #tpu.memory_space<vmem_shared>>)
        tpu.yield
      }) : () -> ()
      %div3A_121 = arith.constant 8 : i32
      %div3A_122 = arith.divsi %mul3A_78, %div3A_121 : i32
      %rem3A_123 = arith.constant 2 : i32
      %rem3A_124 = arith.remsi %div3A_122, %rem3A_123 : i32
      %rem3A_125 = arith.constant 8 : i32
      %rem3A_126 = arith.remsi %mul3A_78, %rem3A_125 : i32
      %dma_wait3A = arith.constant 0 : i32
      %dma_wait3A_127 = arith.constant 0 : i32
      %dma_wait3A_128 = arith.constant 0 : i32
      %dma_wait3A_129 = tpu.memref_slice %arg9[%dma_wait3A, %dma_wait3A_127, %dma_wait3A_128] : memref<2x128x128xf32, #tpu.memory_space<vmem>> -> memref<1x128x128xf32, #tpu.memory_space<vmem>>
      %dma_wait3A_130 = tpu.memref_squeeze %dma_wait3A_129 : memref<1x128x128xf32, #tpu.memory_space<vmem>> -> memref<128x128xf32, #tpu.memory_space<vmem>>
      %dma_wait3A_131 = arith.constant 0 : i32
      %dma_wait3A_132 = tpu.memref_slice %arg7[%rem3A_124, %rem3A_126, %dma_wait3A_131] : memref<2x8x128xi32, #tpu.memory_space<vmem>> -> memref<1x1x128xi32, #tpu.memory_space<vmem>>
      %dma_wait3A_133 = tpu.memref_squeeze %dma_wait3A_132 : memref<1x1x128xi32, #tpu.memory_space<vmem>> -> memref<128xi32, #tpu.memory_space<vmem>>
      %dma_wait3A_134 = arith.constant 0 : i32
      %dma_wait3A_135 = arith.constant 0 : i32
      %dma_wait3A_136 = tpu.memref_slice %arg2[%dma_wait3A_134, %dma_wait3A_135] : memref<10240x128xf32, #tpu.memory_space<hbm>> -> memref<10240x128xf32, #tpu.memory_space<hbm>>
      tpu.wait_indirect_dma semaphore(%arg11 : memref<!tpu.dma_semaphore, #tpu.memory_space<semaphore_mem>>) src(%dma_wait3A_136 : memref<10240x128xf32, #tpu.memory_space<hbm>>) dst(%dma_wait3A_130 : memref<128x128xf32, #tpu.memory_space<vmem>>)
      %div3A_137 = arith.constant 8 : i32
      %div3A_138 = arith.divsi %mul3A_78, %div3A_137 : i32
      %rem3A_139 = arith.constant 2 : i32
      %rem3A_140 = arith.remsi %div3A_138, %rem3A_139 : i32
      %rem3A_141 = arith.constant 8 : i32
      %rem3A_142 = arith.remsi %mul3A_78, %rem3A_141 : i32
      %run_scoped3A_143 = arith.constant 0 : i32
      "tpu.region"() ({
        %run_scoped3A_183 = tpu.sem_alloc : memref<!tpu.dma_semaphore, #tpu.memory_space<semaphore_mem>>
        %dma_start3A_184 = arith.constant 0 : i32
        %dma_start3A_185 = arith.constant 0 : i32
        %dma_start3A_186 = tpu.memref_slice %arg9[%run_scoped3A_143, %dma_start3A_184, %dma_start3A_185] : memref<2x128x128xf32, #tpu.memory_space<vmem>> -> memref<1x128x128xf32, #tpu.memory_space<vmem>>
        %dma_start3A_187 = tpu.memref_squeeze %dma_start3A_186 : memref<1x128x128xf32, #tpu.memory_space<vmem>> -> memref<128x128xf32, #tpu.memory_space<vmem>>
        %dma_start3A_188 = arith.constant 0 : i32
        %dma_start3A_189 = tpu.memref_slice %arg8[%rem3A_140, %rem3A_142, %dma_start3A_188] : memref<2x8x128xi32, #tpu.memory_space<vmem>> -> memref<1x1x128xi32, #tpu.memory_space<vmem>>
        %dma_start3A_190 = tpu.memref_squeeze %dma_start3A_189 : memref<1x1x128xi32, #tpu.memory_space<vmem>> -> memref<128xi32, #tpu.memory_space<vmem>>
        %dma_start3A_191 = arith.constant 0 : i32
        %dma_start3A_192 = arith.constant 0 : i32
        %dma_start3A_193 = tpu.memref_slice %arg10[%dma_start3A_191, %dma_start3A_192] : memref<10240x128xf32, #tpu.memory_space<vmem_shared>> -> memref<10240x128xf32, #tpu.memory_space<vmem_shared>>
        tpu.enqueue_indirect_dma source(%dma_start3A_187 : memref<128x128xf32, #tpu.memory_space<vmem>>) target(%dma_start3A_193 : memref<10240x128xf32, #tpu.memory_space<vmem_shared>>) offsets(%dma_start3A_190 : memref<128xi32, #tpu.memory_space<vmem>>) semaphore(%run_scoped3A_183 : memref<!tpu.dma_semaphore, #tpu.memory_space<semaphore_mem>>) {add = true}
        %dma_wait3A_194 = arith.constant 0 : i32
        %dma_wait3A_195 = arith.constant 0 : i32
        %dma_wait3A_196 = tpu.memref_slice %arg9[%run_scoped3A_143, %dma_wait3A_194, %dma_wait3A_195] : memref<2x128x128xf32, #tpu.memory_space<vmem>> -> memref<1x128x128xf32, #tpu.memory_space<vmem>>
        %dma_wait3A_197 = tpu.memref_squeeze %dma_wait3A_196 : memref<1x128x128xf32, #tpu.memory_space<vmem>> -> memref<128x128xf32, #tpu.memory_space<vmem>>
        %dma_wait3A_198 = arith.constant 0 : i32
        %dma_wait3A_199 = tpu.memref_slice %arg8[%rem3A_140, %rem3A_142, %dma_wait3A_198] : memref<2x8x128xi32, #tpu.memory_space<vmem>> -> memref<1x1x128xi32, #tpu.memory_space<vmem>>
        %dma_wait3A_200 = tpu.memref_squeeze %dma_wait3A_199 : memref<1x1x128xi32, #tpu.memory_space<vmem>> -> memref<128xi32, #tpu.memory_space<vmem>>
        %dma_wait3A_201 = arith.constant 0 : i32
        %dma_wait3A_202 = arith.constant 0 : i32
        %dma_wait3A_203 = tpu.memref_slice %arg10[%dma_wait3A_201, %dma_wait3A_202] : memref<10240x128xf32, #tpu.memory_space<vmem_shared>> -> memref<10240x128xf32, #tpu.memory_space<vmem_shared>>
        tpu.wait_indirect_dma semaphore(%run_scoped3A_183 : memref<!tpu.dma_semaphore, #tpu.memory_space<semaphore_mem>>) src(%dma_wait3A_197 : memref<128x128xf32, #tpu.memory_space<vmem>>) dst(%dma_wait3A_203 : memref<10240x128xf32, #tpu.memory_space<vmem_shared>>)
        tpu.yield
      }) : () -> ()
      %eq3A_144 = arith.constant 6 : i32
      %eq3A_145 = arith.cmpi eq, %rem3A_79, %eq3A_144 : i32
      %convert_element_type3A_146 = arith.extui %eq3A_145 : i1 to i32
      %cond3A_147 = arith.constant 0 : i32
      %cond3A_148 = arith.cmpi ne, %convert_element_type3A_146, %cond3A_147 : i32
      scf.if %cond3A_148 {
        %add3A_183 = arith.constant 2 : i32
        %add3A_184 = arith.addi %mul3A_78, %add3A_183 : i32
        %lt3A_185 = arith.cmpi slt, %add3A_184, %select_n3A : i32
        %convert_element_type3A_186 = arith.extui %lt3A_185 : i1 to i32
        %cond3A_187 = arith.constant 0 : i32
        %cond3A_188 = arith.cmpi ne, %convert_element_type3A_186, %cond3A_187 : i32
        scf.if %cond3A_188 {
          %dma_wait3A_189 = arith.constant 0 : i32
          %dma_wait3A_190 = arith.constant 0 : i32
          %dma_wait3A_191 = arith.constant 0 : i32
          %dma_wait3A_192 = tpu.memref_slice %arg7[%dma_wait3A_189, %dma_wait3A_190, %dma_wait3A_191] : memref<2x8x128xi32, #tpu.memory_space<vmem>> -> memref<1x8x128xi32, #tpu.memory_space<vmem>>
          %dma_wait3A_193 = tpu.memref_squeeze %dma_wait3A_192 : memref<1x8x128xi32, #tpu.memory_space<vmem>> -> memref<8x128xi32, #tpu.memory_space<vmem>>
          %dma_wait3A_194 = arith.constant 0 : i32
          %dma_wait3A_195 = arith.constant 0 : i32
          %dma_wait3A_196 = tpu.memref_slice %arg3[%arg0, %arg1, %dma_wait3A_194, %dma_wait3A_195] : memref<2x16x160x128xi32, #tpu.memory_space<hbm>> -> memref<1x1x8x128xi32, #tpu.memory_space<hbm>>
          %dma_wait3A_197 = tpu.memref_squeeze %dma_wait3A_196 : memref<1x1x8x128xi32, #tpu.memory_space<hbm>> -> memref<8x128xi32, #tpu.memory_space<hbm>>
          %dma_wait3A_198 = arith.constant 0 : i32
          %dma_wait3A_199 = arith.constant 0 : i32
          %dma_wait3A_200 = tpu.memref_slice %arg7[%dma_wait3A_189, %dma_wait3A_198, %dma_wait3A_199] : memref<2x8x128xi32, #tpu.memory_space<vmem>> -> memref<1x8x128xi32, #tpu.memory_space<vmem>>
          %dma_wait3A_201 = tpu.memref_squeeze %dma_wait3A_200 : memref<1x8x128xi32, #tpu.memory_space<vmem>> -> memref<8x128xi32, #tpu.memory_space<vmem>>
          %dma_wait3A_202 = arith.constant 0 : i32
          %dma_wait3A_203 = arith.constant 0 : i32
          %dma_wait3A_204 = tpu.memref_slice %arg3[%arg0, %arg1, %dma_wait3A_202, %dma_wait3A_203] : memref<2x16x160x128xi32, #tpu.memory_space<hbm>> -> memref<1x1x8x128xi32, #tpu.memory_space<hbm>>
          %dma_wait3A_205 = tpu.memref_squeeze %dma_wait3A_204 : memref<1x1x8x128xi32, #tpu.memory_space<hbm>> -> memref<8x128xi32, #tpu.memory_space<hbm>>
          tpu.wait_dma2 semaphore(%arg13 : memref<!tpu.dma_semaphore, #tpu.memory_space<semaphore_mem>>) src(%dma_wait3A_205 : memref<8x128xi32, #tpu.memory_space<hbm>>) dst(%dma_wait3A_201 : memref<8x128xi32, #tpu.memory_space<vmem>>)
          %dma_wait3A_206 = arith.constant 0 : i32
          %dma_wait3A_207 = arith.constant 0 : i32
          %dma_wait3A_208 = arith.constant 0 : i32
          %dma_wait3A_209 = tpu.memref_slice %arg8[%dma_wait3A_206, %dma_wait3A_207, %dma_wait3A_208] : memref<2x8x128xi32, #tpu.memory_space<vmem>> -> memref<1x8x128xi32, #tpu.memory_space<vmem>>
          %dma_wait3A_210 = tpu.memref_squeeze %dma_wait3A_209 : memref<1x8x128xi32, #tpu.memory_space<vmem>> -> memref<8x128xi32, #tpu.memory_space<vmem>>
          %dma_wait3A_211 = arith.constant 0 : i32
          %dma_wait3A_212 = arith.constant 0 : i32
          %dma_wait3A_213 = tpu.memref_slice %arg4[%arg0, %arg1, %dma_wait3A_211, %dma_wait3A_212] : memref<2x16x160x128xi32, #tpu.memory_space<hbm>> -> memref<1x1x8x128xi32, #tpu.memory_space<hbm>>
          %dma_wait3A_214 = tpu.memref_squeeze %dma_wait3A_213 : memref<1x1x8x128xi32, #tpu.memory_space<hbm>> -> memref<8x128xi32, #tpu.memory_space<hbm>>
          %dma_wait3A_215 = arith.constant 0 : i32
          %dma_wait3A_216 = arith.constant 0 : i32
          %dma_wait3A_217 = tpu.memref_slice %arg8[%dma_wait3A_206, %dma_wait3A_215, %dma_wait3A_216] : memref<2x8x128xi32, #tpu.memory_space<vmem>> -> memref<1x8x128xi32, #tpu.memory_space<vmem>>
          %dma_wait3A_218 = tpu.memref_squeeze %dma_wait3A_217 : memref<1x8x128xi32, #tpu.memory_space<vmem>> -> memref<8x128xi32, #tpu.memory_space<vmem>>
          %dma_wait3A_219 = arith.constant 0 : i32
          %dma_wait3A_220 = arith.constant 0 : i32
          %dma_wait3A_221 = tpu.memref_slice %arg4[%arg0, %arg1, %dma_wait3A_219, %dma_wait3A_220] : memref<2x16x160x128xi32, #tpu.memory_space<hbm>> -> memref<1x1x8x128xi32, #tpu.memory_space<hbm>>
          %dma_wait3A_222 = tpu.memref_squeeze %dma_wait3A_221 : memref<1x1x8x128xi32, #tpu.memory_space<hbm>> -> memref<8x128xi32, #tpu.memory_space<hbm>>
          tpu.wait_dma2 semaphore(%arg14 : memref<!tpu.dma_semaphore, #tpu.memory_space<semaphore_mem>>) src(%dma_wait3A_222 : memref<8x128xi32, #tpu.memory_space<hbm>>) dst(%dma_wait3A_218 : memref<8x128xi32, #tpu.memory_space<vmem>>)
        } else {
        }
      } else {
      }
      %add3A_149 = arith.constant 2 : i32
      %add3A_150 = arith.addi %mul3A_78, %add3A_149 : i32
      %lt3A_151 = arith.cmpi slt, %add3A_150, %select_n3A : i32
      %convert_element_type3A_152 = arith.extui %lt3A_151 : i1 to i32
      %cond3A_153 = arith.constant 0 : i32
      %cond3A_154 = arith.cmpi ne, %convert_element_type3A_152, %cond3A_153 : i32
      scf.if %cond3A_154 {
        %add3A_183 = arith.constant 2 : i32
        %add3A_184 = arith.addi %mul3A_78, %add3A_183 : i32
        %div3A_185 = arith.constant 8 : i32
        %div3A_186 = arith.divsi %add3A_184, %div3A_185 : i32
        %rem3A_187 = arith.constant 2 : i32
        %rem3A_188 = arith.remsi %div3A_186, %rem3A_187 : i32
        %rem3A_189 = arith.constant 8 : i32
        %rem3A_190 = arith.remsi %add3A_184, %rem3A_189 : i32
        %dma_start3A_191 = arith.constant 0 : i32
        %dma_start3A_192 = arith.constant 0 : i32
        %dma_start3A_193 = arith.constant 0 : i32
        %dma_start3A_194 = tpu.memref_slice %arg9[%dma_start3A_191, %dma_start3A_192, %dma_start3A_193] : memref<2x128x128xf32, #tpu.memory_space<vmem>> -> memref<1x128x128xf32, #tpu.memory_space<vmem>>
        %dma_start3A_195 = tpu.memref_squeeze %dma_start3A_194 : memref<1x128x128xf32, #tpu.memory_space<vmem>> -> memref<128x128xf32, #tpu.memory_space<vmem>>
        %dma_start3A_196 = arith.constant 0 : i32
        %dma_start3A_197 = tpu.memref_slice %arg7[%rem3A_188, %rem3A_190, %dma_start3A_196] : memref<2x8x128xi32, #tpu.memory_space<vmem>> -> memref<1x1x128xi32, #tpu.memory_space<vmem>>
        %dma_start3A_198 = tpu.memref_squeeze %dma_start3A_197 : memref<1x1x128xi32, #tpu.memory_space<vmem>> -> memref<128xi32, #tpu.memory_space<vmem>>
        %dma_start3A_199 = arith.constant 0 : i32
        %dma_start3A_200 = arith.constant 0 : i32
        %dma_start3A_201 = tpu.memref_slice %arg2[%dma_start3A_199, %dma_start3A_200] : memref<10240x128xf32, #tpu.memory_space<hbm>> -> memref<10240x128xf32, #tpu.memory_space<hbm>>
        tpu.enqueue_indirect_dma source(%dma_start3A_201 : memref<10240x128xf32, #tpu.memory_space<hbm>>) target(%dma_start3A_195 : memref<128x128xf32, #tpu.memory_space<vmem>>) offsets(%dma_start3A_198 : memref<128xi32, #tpu.memory_space<vmem>>) semaphore(%arg11 : memref<!tpu.dma_semaphore, #tpu.memory_space<semaphore_mem>>)
      } else {
      }
      %add3A_155 = arith.constant 1 : i32
      %add3A_156 = arith.addi %mul3A_78, %add3A_155 : i32
      %div3A_157 = arith.constant 8 : i32
      %div3A_158 = arith.divsi %add3A_156, %div3A_157 : i32
      %rem3A_159 = arith.constant 2 : i32
      %rem3A_160 = arith.remsi %div3A_158, %rem3A_159 : i32
      %rem3A_161 = arith.constant 8 : i32
      %rem3A_162 = arith.remsi %add3A_156, %rem3A_161 : i32
      %dma_wait3A_163 = arith.constant 1 : i32
      %dma_wait3A_164 = arith.constant 0 : i32
      %dma_wait3A_165 = arith.constant 0 : i32
      %dma_wait3A_166 = tpu.memref_slice %arg9[%dma_wait3A_163, %dma_wait3A_164, %dma_wait3A_165] : memref<2x128x128xf32, #tpu.memory_space<vmem>> -> memref<1x128x128xf32, #tpu.memory_space<vmem>>
      %dma_wait3A_167 = tpu.memref_squeeze %dma_wait3A_166 : memref<1x128x128xf32, #tpu.memory_space<vmem>> -> memref<128x128xf32, #tpu.memory_space<vmem>>
      %dma_wait3A_168 = arith.constant 0 : i32
      %dma_wait3A_169 = tpu.memref_slice %arg7[%rem3A_160, %rem3A_162, %dma_wait3A_168] : memref<2x8x128xi32, #tpu.memory_space<vmem>> -> memref<1x1x128xi32, #tpu.memory_space<vmem>>
      %dma_wait3A_170 = tpu.memref_squeeze %dma_wait3A_169 : memref<1x1x128xi32, #tpu.memory_space<vmem>> -> memref<128xi32, #tpu.memory_space<vmem>>
      %dma_wait3A_171 = arith.constant 0 : i32
      %dma_wait3A_172 = arith.constant 0 : i32
      %dma_wait3A_173 = tpu.memref_slice %arg2[%dma_wait3A_171, %dma_wait3A_172] : memref<10240x128xf32, #tpu.memory_space<hbm>> -> memref<10240x128xf32, #tpu.memory_space<hbm>>
      tpu.wait_indirect_dma semaphore(%arg12 : memref<!tpu.dma_semaphore, #tpu.memory_space<semaphore_mem>>) src(%dma_wait3A_173 : memref<10240x128xf32, #tpu.memory_space<hbm>>) dst(%dma_wait3A_167 : memref<128x128xf32, #tpu.memory_space<vmem>>)
      %add3A_174 = arith.constant 1 : i32
      %add3A_175 = arith.addi %mul3A_78, %add3A_174 : i32
      %div3A_176 = arith.constant 8 : i32
      %div3A_177 = arith.divsi %add3A_175, %div3A_176 : i32
      %rem3A_178 = arith.constant 2 : i32
      %rem3A_179 = arith.remsi %div3A_177, %rem3A_178 : i32
      %rem3A_180 = arith.constant 8 : i32
      %rem3A_181 = arith.remsi %add3A_175, %rem3A_180 : i32
      %run_scoped3A_182 = arith.constant 1 : i32
      "tpu.region"() ({
        %run_scoped3A_183 = tpu.sem_alloc : memref<!tpu.dma_semaphore, #tpu.memory_space<semaphore_mem>>
        %dma_start3A_184 = arith.constant 0 : i32
        %dma_start3A_185 = arith.constant 0 : i32
        %dma_start3A_186 = tpu.memref_slice %arg9[%run_scoped3A_182, %dma_start3A_184, %dma_start3A_185] : memref<2x128x128xf32, #tpu.memory_space<vmem>> -> memref<1x128x128xf32, #tpu.memory_space<vmem>>
        %dma_start3A_187 = tpu.memref_squeeze %dma_start3A_186 : memref<1x128x128xf32, #tpu.memory_space<vmem>> -> memref<128x128xf32, #tpu.memory_space<vmem>>
        %dma_start3A_188 = arith.constant 0 : i32
        %dma_start3A_189 = tpu.memref_slice %arg8[%rem3A_179, %rem3A_181, %dma_start3A_188] : memref<2x8x128xi32, #tpu.memory_space<vmem>> -> memref<1x1x128xi32, #tpu.memory_space<vmem>>
        %dma_start3A_190 = tpu.memref_squeeze %dma_start3A_189 : memref<1x1x128xi32, #tpu.memory_space<vmem>> -> memref<128xi32, #tpu.memory_space<vmem>>
        %dma_start3A_191 = arith.constant 0 : i32
        %dma_start3A_192 = arith.constant 0 : i32
        %dma_start3A_193 = tpu.memref_slice %arg10[%dma_start3A_191, %dma_start3A_192] : memref<10240x128xf32, #tpu.memory_space<vmem_shared>> -> memref<10240x128xf32, #tpu.memory_space<vmem_shared>>
        tpu.enqueue_indirect_dma source(%dma_start3A_187 : memref<128x128xf32, #tpu.memory_space<vmem>>) target(%dma_start3A_193 : memref<10240x128xf32, #tpu.memory_space<vmem_shared>>) offsets(%dma_start3A_190 : memref<128xi32, #tpu.memory_space<vmem>>) semaphore(%run_scoped3A_183 : memref<!tpu.dma_semaphore, #tpu.memory_space<semaphore_mem>>) {add = true}
        %dma_wait3A_194 = arith.constant 0 : i32
        %dma_wait3A_195 = arith.constant 0 : i32
        %dma_wait3A_196 = tpu.memref_slice %arg9[%run_scoped3A_182, %dma_wait3A_194, %dma_wait3A_195] : memref<2x128x128xf32, #tpu.memory_space<vmem>> -> memref<1x128x128xf32, #tpu.memory_space<vmem>>
        %dma_wait3A_197 = tpu.memref_squeeze %dma_wait3A_196 : memref<1x128x128xf32, #tpu.memory_space<vmem>> -> memref<128x128xf32, #tpu.memory_space<vmem>>
        %dma_wait3A_198 = arith.constant 0 : i32
        %dma_wait3A_199 = tpu.memref_slice %arg8[%rem3A_179, %rem3A_181, %dma_wait3A_198] : memref<2x8x128xi32, #tpu.memory_space<vmem>> -> memref<1x1x128xi32, #tpu.memory_space<vmem>>
        %dma_wait3A_200 = tpu.memref_squeeze %dma_wait3A_199 : memref<1x1x128xi32, #tpu.memory_space<vmem>> -> memref<128xi32, #tpu.memory_space<vmem>>
        %dma_wait3A_201 = arith.constant 0 : i32
        %dma_wait3A_202 = arith.constant 0 : i32
        %dma_wait3A_203 = tpu.memref_slice %arg10[%dma_wait3A_201, %dma_wait3A_202] : memref<10240x128xf32, #tpu.memory_space<vmem_shared>> -> memref<10240x128xf32, #tpu.memory_space<vmem_shared>>
        tpu.wait_indirect_dma semaphore(%run_scoped3A_183 : memref<!tpu.dma_semaphore, #tpu.memory_space<semaphore_mem>>) src(%dma_wait3A_197 : memref<128x128xf32, #tpu.memory_space<vmem>>) dst(%dma_wait3A_203 : memref<10240x128xf32, #tpu.memory_space<vmem_shared>>)
        tpu.yield
      }) : () -> ()
    }
    %barrier3A_75 = arith.constant 0 : index
    tpu.barrier barrier_id(%barrier3A_75)
    "tpu.region"() ({
      %run_scoped3A_76 = tpu.sem_alloc : memref<!tpu.dma_semaphore, #tpu.memory_space<semaphore_mem>>
      %dma_start3A = arith.constant 0 : i32
      %dma_start3A_77 = tpu.memref_slice %arg5[%arg0, %mul3A_0, %dma_start3A] : memref<2x10240x128xf32, #tpu.memory_space<hbm>> -> memref<1x640x128xf32, #tpu.memory_space<hbm>>
      %dma_start3A_78 = tpu.memref_squeeze %dma_start3A_77 : memref<1x640x128xf32, #tpu.memory_space<hbm>> -> memref<640x128xf32, #tpu.memory_space<hbm>>
      %dma_start3A_79 = arith.constant 0 : i32
      %dma_start3A_80 = tpu.memref_slice %arg10[%mul3A_0, %dma_start3A_79] : memref<10240x128xf32, #tpu.memory_space<vmem_shared>> -> memref<640x128xf32, #tpu.memory_space<vmem_shared>>
      tpu.enqueue_dma source(%dma_start3A_80 : memref<640x128xf32, #tpu.memory_space<vmem_shared>>) target(%dma_start3A_78 : memref<640x128xf32, #tpu.memory_space<hbm>>) target_semaphore(%run_scoped3A_76 : memref<!tpu.dma_semaphore, #tpu.memory_space<semaphore_mem>>)
      %dma_wait3A = arith.constant 0 : i32
      %dma_wait3A_81 = tpu.memref_slice %arg5[%arg0, %mul3A_0, %dma_wait3A] : memref<2x10240x128xf32, #tpu.memory_space<hbm>> -> memref<1x640x128xf32, #tpu.memory_space<hbm>>
      %dma_wait3A_82 = tpu.memref_squeeze %dma_wait3A_81 : memref<1x640x128xf32, #tpu.memory_space<hbm>> -> memref<640x128xf32, #tpu.memory_space<hbm>>
      %dma_wait3A_83 = arith.constant 0 : i32
      %dma_wait3A_84 = tpu.memref_slice %arg10[%mul3A_0, %dma_wait3A_83] : memref<10240x128xf32, #tpu.memory_space<vmem_shared>> -> memref<640x128xf32, #tpu.memory_space<vmem_shared>>
      tpu.wait_dma2 semaphore(%run_scoped3A_76 : memref<!tpu.dma_semaphore, #tpu.memory_space<semaphore_mem>>) src(%dma_wait3A_84 : memref<640x128xf32, #tpu.memory_space<vmem_shared>>) dst(%dma_wait3A_82 : memref<640x128xf32, #tpu.memory_space<hbm>>)
      tpu.yield
    }) : () -> ()
    "tpu.region"() ({
      %run_scoped3A_76 = tpu.sem_alloc : memref<!tpu.dma_semaphore, #tpu.memory_space<semaphore_mem>>
      %dma_start3A = tpu.memref_slice %arg6[%arg0, %mul3A_0] : memref<2x10240xf32, #tpu.memory_space<hbm>> -> memref<1x640xf32, #tpu.memory_space<hbm>>
      %dma_start3A_77 = tpu.memref_squeeze %dma_start3A : memref<1x640xf32, #tpu.memory_space<hbm>> -> memref<640xf32, #tpu.memory_space<hbm>>
      %dma_start3A_78 = tpu.memref_slice %arg17[%mul3A_0] : memref<10240xf32, #tpu.memory_space<vmem_shared>> -> memref<640xf32, #tpu.memory_space<vmem_shared>>
      tpu.enqueue_dma source(%dma_start3A_78 : memref<640xf32, #tpu.memory_space<vmem_shared>>) target(%dma_start3A_77 : memref<640xf32, #tpu.memory_space<hbm>>) target_semaphore(%run_scoped3A_76 : memref<!tpu.dma_semaphore, #tpu.memory_space<semaphore_mem>>)
      %dma_wait3A = tpu.memref_slice %arg6[%arg0, %mul3A_0] : memref<2x10240xf32, #tpu.memory_space<hbm>> -> memref<1x640xf32, #tpu.memory_space<hbm>>
      %dma_wait3A_79 = tpu.memref_squeeze %dma_wait3A : memref<1x640xf32, #tpu.memory_space<hbm>> -> memref<640xf32, #tpu.memory_space<hbm>>
      %dma_wait3A_80 = tpu.memref_slice %arg17[%mul3A_0] : memref<10240xf32, #tpu.memory_space<vmem_shared>> -> memref<640xf32, #tpu.memory_space<vmem_shared>>
      tpu.wait_dma2 semaphore(%run_scoped3A_76 : memref<!tpu.dma_semaphore, #tpu.memory_space<semaphore_mem>>) src(%dma_wait3A_80 : memref<640xf32, #tpu.memory_space<vmem_shared>>) dst(%dma_wait3A_79 : memref<640xf32, #tpu.memory_space<hbm>>)
      tpu.yield
    }) : () -> ()
    return
  }
}

#map = affine_map<(d0, d1) -> (0, 0)>
#map1 = affine_map<(d0, d1) -> (0, 0, 0, 0)>
#map2 = affine_map<(d0, d1) -> (0, 0, 0)>
module attributes {stable_mosaic.version = 14 : i64} {
  func.func @body(%arg0: i32, %arg1: i32, %arg2: memref<10240x128xf32, #tpu.memory_space<hbm>>, %arg3: memref<2x16x160x128xi32, #tpu.memory_space<hbm>>, %arg4: memref<2x16x160x128xi32, #tpu.memory_space<hbm>>, %arg5: memref<2x10240x128xf32, #tpu.memory_space<hbm>>, %arg6: memref<2x8x128xi32, #tpu.memory_space<vmem>>, %arg7: memref<2x8x128xi32, #tpu.memory_space<vmem>>, %arg8: memref<2x128x128xf32, #tpu.memory_space<vmem>>, %arg9: memref<10240x128xf32, #tpu.memory_space<vmem_shared>>, %arg10: memref<!tpu.dma_semaphore, #tpu.memory_space<semaphore_mem>>, %arg11: memref<!tpu.dma_semaphore, #tpu.memory_space<semaphore_mem>>, %arg12: memref<!tpu.dma_semaphore, #tpu.memory_space<semaphore_mem>>, %arg13: memref<!tpu.dma_semaphore, #tpu.memory_space<semaphore_mem>>) attributes {dimension_semantics = [#tpu.dimension_semantics<core_parallel>, #tpu.dimension_semantics<subcore_parallel>], iteration_bounds = array<i64: 2, 16>, scalar_prefetch = 0 : i64, scratch_operands = 8 : i64, tpu.core_type = #tpu.core_type<sc_vector_subcore>, window_params = [{transform_indices = #map}, {transform_indices = #map1}, {transform_indices = #map1}, {transform_indices = #map2}]} {
    %mul3A = arith.constant 640 : i32
    %mul3A_0 = arith.muli %arg1, %mul3A : i32
    %broadcast_in_dim3A = arith.constant 0.000000e+00 : f32
    %broadcast_in_dim3A_1 = vector.broadcast %broadcast_in_dim3A : f32 to vector<16xf32>
    %scan3A = arith.constant 0 : i32
    %scan3A_2 = arith.constant 0 : i32
    %scan3A_3 = arith.constant 128 : i32
    %scan3A_4 = arith.addi %scan3A_2, %scan3A_3 : i32
    %scan3A_5 = arith.constant 1 : i32
    scf.for %scan3A_37 = %scan3A_2 to %scan3A_4 step %scan3A_5  : i32 {
      %swap3A = arith.constant 0 : i32
      %swap3A_38 = arith.index_cast %swap3A : i32 to index
      %swap3A_39 = arith.index_cast %scan3A_37 : i32 to index
      %swap3A_40 = arith.constant 0 : index
      %swap3A_41 = tpu.vector_load %arg8[%swap3A_38, %swap3A_39, %swap3A_40] {strides = array<i32>} : memref<2x128x128xf32, #tpu.memory_space<vmem>>, vector<1x1x16xf32>,
      %swap3A_42 = vector.shape_cast %swap3A_41 : vector<1x1x16xf32> to vector<16xf32>
      %swap3A_43 = vector.shape_cast %broadcast_in_dim3A_1 : vector<16xf32> to vector<1x1x16xf32>
      tpu.vector_store %arg8[%swap3A_38, %swap3A_39, %swap3A_40], %swap3A_43 {strides = array<i32>} : memref<2x128x128xf32, #tpu.memory_space<vmem>>, vector<1x1x16xf32>,
      %swap3A_44 = arith.constant 0 : i32
      %swap3A_45 = arith.index_cast %swap3A_44 : i32 to index
      %swap3A_46 = arith.index_cast %scan3A_37 : i32 to index
      %swap3A_47 = arith.constant 16 : index
      %swap3A_48 = tpu.vector_load %arg8[%swap3A_45, %swap3A_46, %swap3A_47] {strides = array<i32>} : memref<2x128x128xf32, #tpu.memory_space<vmem>>, vector<1x1x16xf32>,
      %swap3A_49 = vector.shape_cast %swap3A_48 : vector<1x1x16xf32> to vector<16xf32>
      %swap3A_50 = vector.shape_cast %broadcast_in_dim3A_1 : vector<16xf32> to vector<1x1x16xf32>
      tpu.vector_store %arg8[%swap3A_45, %swap3A_46, %swap3A_47], %swap3A_50 {strides = array<i32>} : memref<2x128x128xf32, #tpu.memory_space<vmem>>, vector<1x1x16xf32>,
      %swap3A_51 = arith.constant 0 : i32
      %swap3A_52 = arith.index_cast %swap3A_51 : i32 to index
      %swap3A_53 = arith.index_cast %scan3A_37 : i32 to index
      %swap3A_54 = arith.constant 32 : index
      %swap3A_55 = tpu.vector_load %arg8[%swap3A_52, %swap3A_53, %swap3A_54] {strides = array<i32>} : memref<2x128x128xf32, #tpu.memory_space<vmem>>, vector<1x1x16xf32>,
      %swap3A_56 = vector.shape_cast %swap3A_55 : vector<1x1x16xf32> to vector<16xf32>
      %swap3A_57 = vector.shape_cast %broadcast_in_dim3A_1 : vector<16xf32> to vector<1x1x16xf32>
      tpu.vector_store %arg8[%swap3A_52, %swap3A_53, %swap3A_54], %swap3A_57 {strides = array<i32>} : memref<2x128x128xf32, #tpu.memory_space<vmem>>, vector<1x1x16xf32>,
      %swap3A_58 = arith.constant 0 : i32
      %swap3A_59 = arith.index_cast %swap3A_58 : i32 to index
      %swap3A_60 = arith.index_cast %scan3A_37 : i32 to index
      %swap3A_61 = arith.constant 48 : index
      %swap3A_62 = tpu.vector_load %arg8[%swap3A_59, %swap3A_60, %swap3A_61] {strides = array<i32>} : memref<2x128x128xf32, #tpu.memory_space<vmem>>, vector<1x1x16xf32>,
      %swap3A_63 = vector.shape_cast %swap3A_62 : vector<1x1x16xf32> to vector<16xf32>
      %swap3A_64 = vector.shape_cast %broadcast_in_dim3A_1 : vector<16xf32> to vector<1x1x16xf32>
      tpu.vector_store %arg8[%swap3A_59, %swap3A_60, %swap3A_61], %swap3A_64 {strides = array<i32>} : memref<2x128x128xf32, #tpu.memory_space<vmem>>, vector<1x1x16xf32>,
      %swap3A_65 = arith.constant 0 : i32
      %swap3A_66 = arith.index_cast %swap3A_65 : i32 to index
      %swap3A_67 = arith.index_cast %scan3A_37 : i32 to index
      %swap3A_68 = arith.constant 64 : index
      %swap3A_69 = tpu.vector_load %arg8[%swap3A_66, %swap3A_67, %swap3A_68] {strides = array<i32>} : memref<2x128x128xf32, #tpu.memory_space<vmem>>, vector<1x1x16xf32>,
      %swap3A_70 = vector.shape_cast %swap3A_69 : vector<1x1x16xf32> to vector<16xf32>
      %swap3A_71 = vector.shape_cast %broadcast_in_dim3A_1 : vector<16xf32> to vector<1x1x16xf32>
      tpu.vector_store %arg8[%swap3A_66, %swap3A_67, %swap3A_68], %swap3A_71 {strides = array<i32>} : memref<2x128x128xf32, #tpu.memory_space<vmem>>, vector<1x1x16xf32>,
      %swap3A_72 = arith.constant 0 : i32
      %swap3A_73 = arith.index_cast %swap3A_72 : i32 to index
      %swap3A_74 = arith.index_cast %scan3A_37 : i32 to index
      %swap3A_75 = arith.constant 80 : index
      %swap3A_76 = tpu.vector_load %arg8[%swap3A_73, %swap3A_74, %swap3A_75] {strides = array<i32>} : memref<2x128x128xf32, #tpu.memory_space<vmem>>, vector<1x1x16xf32>,
      %swap3A_77 = vector.shape_cast %swap3A_76 : vector<1x1x16xf32> to vector<16xf32>
      %swap3A_78 = vector.shape_cast %broadcast_in_dim3A_1 : vector<16xf32> to vector<1x1x16xf32>
      tpu.vector_store %arg8[%swap3A_73, %swap3A_74, %swap3A_75], %swap3A_78 {strides = array<i32>} : memref<2x128x128xf32, #tpu.memory_space<vmem>>, vector<1x1x16xf32>,
      %swap3A_79 = arith.constant 0 : i32
      %swap3A_80 = arith.index_cast %swap3A_79 : i32 to index
      %swap3A_81 = arith.index_cast %scan3A_37 : i32 to index
      %swap3A_82 = arith.constant 96 : index
      %swap3A_83 = tpu.vector_load %arg8[%swap3A_80, %swap3A_81, %swap3A_82] {strides = array<i32>} : memref<2x128x128xf32, #tpu.memory_space<vmem>>, vector<1x1x16xf32>,
      %swap3A_84 = vector.shape_cast %swap3A_83 : vector<1x1x16xf32> to vector<16xf32>
      %swap3A_85 = vector.shape_cast %broadcast_in_dim3A_1 : vector<16xf32> to vector<1x1x16xf32>
      tpu.vector_store %arg8[%swap3A_80, %swap3A_81, %swap3A_82], %swap3A_85 {strides = array<i32>} : memref<2x128x128xf32, #tpu.memory_space<vmem>>, vector<1x1x16xf32>,
      %swap3A_86 = arith.constant 0 : i32
      %swap3A_87 = arith.index_cast %swap3A_86 : i32 to index
      %swap3A_88 = arith.index_cast %scan3A_37 : i32 to index
      %swap3A_89 = arith.constant 112 : index
      %swap3A_90 = tpu.vector_load %arg8[%swap3A_87, %swap3A_88, %swap3A_89] {strides = array<i32>} : memref<2x128x128xf32, #tpu.memory_space<vmem>>, vector<1x1x16xf32>,
      %swap3A_91 = vector.shape_cast %swap3A_90 : vector<1x1x16xf32> to vector<16xf32>
      %swap3A_92 = vector.shape_cast %broadcast_in_dim3A_1 : vector<16xf32> to vector<1x1x16xf32>
      tpu.vector_store %arg8[%swap3A_87, %swap3A_88, %swap3A_89], %swap3A_92 {strides = array<i32>} : memref<2x128x128xf32, #tpu.memory_space<vmem>>, vector<1x1x16xf32>,
    }
    %scan3A_6 = arith.constant 128 : i32
    %add3A = arith.constant 0 : i32
    %add3A_7 = arith.addi %mul3A_0, %add3A : i32
    %run_scoped3A = arith.constant 0 : i32
    "tpu.region"() ({
      %run_scoped3A_37 = tpu.sem_alloc : memref<!tpu.dma_semaphore, #tpu.memory_space<semaphore_mem>>
      %dma_start3A = arith.constant 0 : i32
      %dma_start3A_38 = arith.constant 0 : i32
      %dma_start3A_39 = tpu.memref_slice %arg8[%run_scoped3A, %dma_start3A, %dma_start3A_38] : memref<2x128x128xf32, #tpu.memory_space<vmem>> -> memref<1x128x128xf32, #tpu.memory_space<vmem>>
      %dma_start3A_40 = tpu.memref_squeeze %dma_start3A_39 : memref<1x128x128xf32, #tpu.memory_space<vmem>> -> memref<128x128xf32, #tpu.memory_space<vmem>>
      %dma_start3A_41 = arith.constant 0 : i32
      %dma_start3A_42 = tpu.memref_slice %arg9[%add3A_7, %dma_start3A_41] : memref<10240x128xf32, #tpu.memory_space<vmem_shared>> -> memref<128x128xf32, #tpu.memory_space<vmem_shared>>
      %dma_start3A_43 = arith.constant 0 : i32
      %dma_start3A_44 = tpu.memref_slice %arg9[%add3A_7, %dma_start3A_43] : memref<10240x128xf32, #tpu.memory_space<vmem_shared>> -> memref<128x128xf32, #tpu.memory_space<vmem_shared>>
      %dma_start3A_45 = arith.constant 0 : i32
      %dma_start3A_46 = arith.constant 0 : i32
      %dma_start3A_47 = tpu.memref_slice %arg8[%run_scoped3A, %dma_start3A_45, %dma_start3A_46] : memref<2x128x128xf32, #tpu.memory_space<vmem>> -> memref<1x128x128xf32, #tpu.memory_space<vmem>>
      %dma_start3A_48 = tpu.memref_squeeze %dma_start3A_47 : memref<1x128x128xf32, #tpu.memory_space<vmem>> -> memref<128x128xf32, #tpu.memory_space<vmem>>
      tpu.enqueue_dma source(%dma_start3A_48 : memref<128x128xf32, #tpu.memory_space<vmem>>) target(%dma_start3A_44 : memref<128x128xf32, #tpu.memory_space<vmem_shared>>) target_semaphore(%run_scoped3A_37 : memref<!tpu.dma_semaphore, #tpu.memory_space<semaphore_mem>>)
      %dma_wait3A = arith.constant 0 : i32
      %dma_wait3A_49 = arith.constant 0 : i32
      %dma_wait3A_50 = tpu.memref_slice %arg8[%run_scoped3A, %dma_wait3A, %dma_wait3A_49] : memref<2x128x128xf32, #tpu.memory_space<vmem>> -> memref<1x128x128xf32, #tpu.memory_space<vmem>>
      %dma_wait3A_51 = tpu.memref_squeeze %dma_wait3A_50 : memref<1x128x128xf32, #tpu.memory_space<vmem>> -> memref<128x128xf32, #tpu.memory_space<vmem>>
      %dma_wait3A_52 = arith.constant 0 : i32
      %dma_wait3A_53 = tpu.memref_slice %arg9[%add3A_7, %dma_wait3A_52] : memref<10240x128xf32, #tpu.memory_space<vmem_shared>> -> memref<128x128xf32, #tpu.memory_space<vmem_shared>>
      %dma_wait3A_54 = arith.constant 0 : i32
      %dma_wait3A_55 = tpu.memref_slice %arg9[%add3A_7, %dma_wait3A_54] : memref<10240x128xf32, #tpu.memory_space<vmem_shared>> -> memref<128x128xf32, #tpu.memory_space<vmem_shared>>
      %dma_wait3A_56 = arith.constant 0 : i32
      %dma_wait3A_57 = arith.constant 0 : i32
      %dma_wait3A_58 = tpu.memref_slice %arg8[%run_scoped3A, %dma_wait3A_56, %dma_wait3A_57] : memref<2x128x128xf32, #tpu.memory_space<vmem>> -> memref<1x128x128xf32, #tpu.memory_space<vmem>>
      %dma_wait3A_59 = tpu.memref_squeeze %dma_wait3A_58 : memref<1x128x128xf32, #tpu.memory_space<vmem>> -> memref<128x128xf32, #tpu.memory_space<vmem>>
      tpu.wait_dma2 semaphore(%run_scoped3A_37 : memref<!tpu.dma_semaphore, #tpu.memory_space<semaphore_mem>>) src(%dma_wait3A_59 : memref<128x128xf32, #tpu.memory_space<vmem>>) dst(%dma_wait3A_55 : memref<128x128xf32, #tpu.memory_space<vmem_shared>>)
      tpu.yield
    }) : () -> ()
    %add3A_8 = arith.constant 128 : i32
    %add3A_9 = arith.addi %mul3A_0, %add3A_8 : i32
    %run_scoped3A_10 = arith.constant 0 : i32
    "tpu.region"() ({
      %run_scoped3A_37 = tpu.sem_alloc : memref<!tpu.dma_semaphore, #tpu.memory_space<semaphore_mem>>
      %dma_start3A = arith.constant 0 : i32
      %dma_start3A_38 = arith.constant 0 : i32
      %dma_start3A_39 = tpu.memref_slice %arg8[%run_scoped3A_10, %dma_start3A, %dma_start3A_38] : memref<2x128x128xf32, #tpu.memory_space<vmem>> -> memref<1x128x128xf32, #tpu.memory_space<vmem>>
      %dma_start3A_40 = tpu.memref_squeeze %dma_start3A_39 : memref<1x128x128xf32, #tpu.memory_space<vmem>> -> memref<128x128xf32, #tpu.memory_space<vmem>>
      %dma_start3A_41 = arith.constant 0 : i32
      %dma_start3A_42 = tpu.memref_slice %arg9[%add3A_9, %dma_start3A_41] : memref<10240x128xf32, #tpu.memory_space<vmem_shared>> -> memref<128x128xf32, #tpu.memory_space<vmem_shared>>
      %dma_start3A_43 = arith.constant 0 : i32
      %dma_start3A_44 = tpu.memref_slice %arg9[%add3A_9, %dma_start3A_43] : memref<10240x128xf32, #tpu.memory_space<vmem_shared>> -> memref<128x128xf32, #tpu.memory_space<vmem_shared>>
      %dma_start3A_45 = arith.constant 0 : i32
      %dma_start3A_46 = arith.constant 0 : i32
      %dma_start3A_47 = tpu.memref_slice %arg8[%run_scoped3A_10, %dma_start3A_45, %dma_start3A_46] : memref<2x128x128xf32, #tpu.memory_space<vmem>> -> memref<1x128x128xf32, #tpu.memory_space<vmem>>
      %dma_start3A_48 = tpu.memref_squeeze %dma_start3A_47 : memref<1x128x128xf32, #tpu.memory_space<vmem>> -> memref<128x128xf32, #tpu.memory_space<vmem>>
      tpu.enqueue_dma source(%dma_start3A_48 : memref<128x128xf32, #tpu.memory_space<vmem>>) target(%dma_start3A_44 : memref<128x128xf32, #tpu.memory_space<vmem_shared>>) target_semaphore(%run_scoped3A_37 : memref<!tpu.dma_semaphore, #tpu.memory_space<semaphore_mem>>)
      %dma_wait3A = arith.constant 0 : i32
      %dma_wait3A_49 = arith.constant 0 : i32
      %dma_wait3A_50 = tpu.memref_slice %arg8[%run_scoped3A_10, %dma_wait3A, %dma_wait3A_49] : memref<2x128x128xf32, #tpu.memory_space<vmem>> -> memref<1x128x128xf32, #tpu.memory_space<vmem>>
      %dma_wait3A_51 = tpu.memref_squeeze %dma_wait3A_50 : memref<1x128x128xf32, #tpu.memory_space<vmem>> -> memref<128x128xf32, #tpu.memory_space<vmem>>
      %dma_wait3A_52 = arith.constant 0 : i32
      %dma_wait3A_53 = tpu.memref_slice %arg9[%add3A_9, %dma_wait3A_52] : memref<10240x128xf32, #tpu.memory_space<vmem_shared>> -> memref<128x128xf32, #tpu.memory_space<vmem_shared>>
      %dma_wait3A_54 = arith.constant 0 : i32
      %dma_wait3A_55 = tpu.memref_slice %arg9[%add3A_9, %dma_wait3A_54] : memref<10240x128xf32, #tpu.memory_space<vmem_shared>> -> memref<128x128xf32, #tpu.memory_space<vmem_shared>>
      %dma_wait3A_56 = arith.constant 0 : i32
      %dma_wait3A_57 = arith.constant 0 : i32
      %dma_wait3A_58 = tpu.memref_slice %arg8[%run_scoped3A_10, %dma_wait3A_56, %dma_wait3A_57] : memref<2x128x128xf32, #tpu.memory_space<vmem>> -> memref<1x128x128xf32, #tpu.memory_space<vmem>>
      %dma_wait3A_59 = tpu.memref_squeeze %dma_wait3A_58 : memref<1x128x128xf32, #tpu.memory_space<vmem>> -> memref<128x128xf32, #tpu.memory_space<vmem>>
      tpu.wait_dma2 semaphore(%run_scoped3A_37 : memref<!tpu.dma_semaphore, #tpu.memory_space<semaphore_mem>>) src(%dma_wait3A_59 : memref<128x128xf32, #tpu.memory_space<vmem>>) dst(%dma_wait3A_55 : memref<128x128xf32, #tpu.memory_space<vmem_shared>>)
      tpu.yield
    }) : () -> ()
    %add3A_11 = arith.constant 256 : i32
    %add3A_12 = arith.addi %mul3A_0, %add3A_11 : i32
    %run_scoped3A_13 = arith.constant 0 : i32
    "tpu.region"() ({
      %run_scoped3A_37 = tpu.sem_alloc : memref<!tpu.dma_semaphore, #tpu.memory_space<semaphore_mem>>
      %dma_start3A = arith.constant 0 : i32
      %dma_start3A_38 = arith.constant 0 : i32
      %dma_start3A_39 = tpu.memref_slice %arg8[%run_scoped3A_13, %dma_start3A, %dma_start3A_38] : memref<2x128x128xf32, #tpu.memory_space<vmem>> -> memref<1x128x128xf32, #tpu.memory_space<vmem>>
      %dma_start3A_40 = tpu.memref_squeeze %dma_start3A_39 : memref<1x128x128xf32, #tpu.memory_space<vmem>> -> memref<128x128xf32, #tpu.memory_space<vmem>>
      %dma_start3A_41 = arith.constant 0 : i32
      %dma_start3A_42 = tpu.memref_slice %arg9[%add3A_12, %dma_start3A_41] : memref<10240x128xf32, #tpu.memory_space<vmem_shared>> -> memref<128x128xf32, #tpu.memory_space<vmem_shared>>
      %dma_start3A_43 = arith.constant 0 : i32
      %dma_start3A_44 = tpu.memref_slice %arg9[%add3A_12, %dma_start3A_43] : memref<10240x128xf32, #tpu.memory_space<vmem_shared>> -> memref<128x128xf32, #tpu.memory_space<vmem_shared>>
      %dma_start3A_45 = arith.constant 0 : i32
      %dma_start3A_46 = arith.constant 0 : i32
      %dma_start3A_47 = tpu.memref_slice %arg8[%run_scoped3A_13, %dma_start3A_45, %dma_start3A_46] : memref<2x128x128xf32, #tpu.memory_space<vmem>> -> memref<1x128x128xf32, #tpu.memory_space<vmem>>
      %dma_start3A_48 = tpu.memref_squeeze %dma_start3A_47 : memref<1x128x128xf32, #tpu.memory_space<vmem>> -> memref<128x128xf32, #tpu.memory_space<vmem>>
      tpu.enqueue_dma source(%dma_start3A_48 : memref<128x128xf32, #tpu.memory_space<vmem>>) target(%dma_start3A_44 : memref<128x128xf32, #tpu.memory_space<vmem_shared>>) target_semaphore(%run_scoped3A_37 : memref<!tpu.dma_semaphore, #tpu.memory_space<semaphore_mem>>)
      %dma_wait3A = arith.constant 0 : i32
      %dma_wait3A_49 = arith.constant 0 : i32
      %dma_wait3A_50 = tpu.memref_slice %arg8[%run_scoped3A_13, %dma_wait3A, %dma_wait3A_49] : memref<2x128x128xf32, #tpu.memory_space<vmem>> -> memref<1x128x128xf32, #tpu.memory_space<vmem>>
      %dma_wait3A_51 = tpu.memref_squeeze %dma_wait3A_50 : memref<1x128x128xf32, #tpu.memory_space<vmem>> -> memref<128x128xf32, #tpu.memory_space<vmem>>
      %dma_wait3A_52 = arith.constant 0 : i32
      %dma_wait3A_53 = tpu.memref_slice %arg9[%add3A_12, %dma_wait3A_52] : memref<10240x128xf32, #tpu.memory_space<vmem_shared>> -> memref<128x128xf32, #tpu.memory_space<vmem_shared>>
      %dma_wait3A_54 = arith.constant 0 : i32
      %dma_wait3A_55 = tpu.memref_slice %arg9[%add3A_12, %dma_wait3A_54] : memref<10240x128xf32, #tpu.memory_space<vmem_shared>> -> memref<128x128xf32, #tpu.memory_space<vmem_shared>>
      %dma_wait3A_56 = arith.constant 0 : i32
      %dma_wait3A_57 = arith.constant 0 : i32
      %dma_wait3A_58 = tpu.memref_slice %arg8[%run_scoped3A_13, %dma_wait3A_56, %dma_wait3A_57] : memref<2x128x128xf32, #tpu.memory_space<vmem>> -> memref<1x128x128xf32, #tpu.memory_space<vmem>>
      %dma_wait3A_59 = tpu.memref_squeeze %dma_wait3A_58 : memref<1x128x128xf32, #tpu.memory_space<vmem>> -> memref<128x128xf32, #tpu.memory_space<vmem>>
      tpu.wait_dma2 semaphore(%run_scoped3A_37 : memref<!tpu.dma_semaphore, #tpu.memory_space<semaphore_mem>>) src(%dma_wait3A_59 : memref<128x128xf32, #tpu.memory_space<vmem>>) dst(%dma_wait3A_55 : memref<128x128xf32, #tpu.memory_space<vmem_shared>>)
      tpu.yield
    }) : () -> ()
    %add3A_14 = arith.constant 384 : i32
    %add3A_15 = arith.addi %mul3A_0, %add3A_14 : i32
    %run_scoped3A_16 = arith.constant 0 : i32
    "tpu.region"() ({
      %run_scoped3A_37 = tpu.sem_alloc : memref<!tpu.dma_semaphore, #tpu.memory_space<semaphore_mem>>
      %dma_start3A = arith.constant 0 : i32
      %dma_start3A_38 = arith.constant 0 : i32
      %dma_start3A_39 = tpu.memref_slice %arg8[%run_scoped3A_16, %dma_start3A, %dma_start3A_38] : memref<2x128x128xf32, #tpu.memory_space<vmem>> -> memref<1x128x128xf32, #tpu.memory_space<vmem>>
      %dma_start3A_40 = tpu.memref_squeeze %dma_start3A_39 : memref<1x128x128xf32, #tpu.memory_space<vmem>> -> memref<128x128xf32, #tpu.memory_space<vmem>>
      %dma_start3A_41 = arith.constant 0 : i32
      %dma_start3A_42 = tpu.memref_slice %arg9[%add3A_15, %dma_start3A_41] : memref<10240x128xf32, #tpu.memory_space<vmem_shared>> -> memref<128x128xf32, #tpu.memory_space<vmem_shared>>
      %dma_start3A_43 = arith.constant 0 : i32
      %dma_start3A_44 = tpu.memref_slice %arg9[%add3A_15, %dma_start3A_43] : memref<10240x128xf32, #tpu.memory_space<vmem_shared>> -> memref<128x128xf32, #tpu.memory_space<vmem_shared>>
      %dma_start3A_45 = arith.constant 0 : i32
      %dma_start3A_46 = arith.constant 0 : i32
      %dma_start3A_47 = tpu.memref_slice %arg8[%run_scoped3A_16, %dma_start3A_45, %dma_start3A_46] : memref<2x128x128xf32, #tpu.memory_space<vmem>> -> memref<1x128x128xf32, #tpu.memory_space<vmem>>
      %dma_start3A_48 = tpu.memref_squeeze %dma_start3A_47 : memref<1x128x128xf32, #tpu.memory_space<vmem>> -> memref<128x128xf32, #tpu.memory_space<vmem>>
      tpu.enqueue_dma source(%dma_start3A_48 : memref<128x128xf32, #tpu.memory_space<vmem>>) target(%dma_start3A_44 : memref<128x128xf32, #tpu.memory_space<vmem_shared>>) target_semaphore(%run_scoped3A_37 : memref<!tpu.dma_semaphore, #tpu.memory_space<semaphore_mem>>)
      %dma_wait3A = arith.constant 0 : i32
      %dma_wait3A_49 = arith.constant 0 : i32
      %dma_wait3A_50 = tpu.memref_slice %arg8[%run_scoped3A_16, %dma_wait3A, %dma_wait3A_49] : memref<2x128x128xf32, #tpu.memory_space<vmem>> -> memref<1x128x128xf32, #tpu.memory_space<vmem>>
      %dma_wait3A_51 = tpu.memref_squeeze %dma_wait3A_50 : memref<1x128x128xf32, #tpu.memory_space<vmem>> -> memref<128x128xf32, #tpu.memory_space<vmem>>
      %dma_wait3A_52 = arith.constant 0 : i32
      %dma_wait3A_53 = tpu.memref_slice %arg9[%add3A_15, %dma_wait3A_52] : memref<10240x128xf32, #tpu.memory_space<vmem_shared>> -> memref<128x128xf32, #tpu.memory_space<vmem_shared>>
      %dma_wait3A_54 = arith.constant 0 : i32
      %dma_wait3A_55 = tpu.memref_slice %arg9[%add3A_15, %dma_wait3A_54] : memref<10240x128xf32, #tpu.memory_space<vmem_shared>> -> memref<128x128xf32, #tpu.memory_space<vmem_shared>>
      %dma_wait3A_56 = arith.constant 0 : i32
      %dma_wait3A_57 = arith.constant 0 : i32
      %dma_wait3A_58 = tpu.memref_slice %arg8[%run_scoped3A_16, %dma_wait3A_56, %dma_wait3A_57] : memref<2x128x128xf32, #tpu.memory_space<vmem>> -> memref<1x128x128xf32, #tpu.memory_space<vmem>>
      %dma_wait3A_59 = tpu.memref_squeeze %dma_wait3A_58 : memref<1x128x128xf32, #tpu.memory_space<vmem>> -> memref<128x128xf32, #tpu.memory_space<vmem>>
      tpu.wait_dma2 semaphore(%run_scoped3A_37 : memref<!tpu.dma_semaphore, #tpu.memory_space<semaphore_mem>>) src(%dma_wait3A_59 : memref<128x128xf32, #tpu.memory_space<vmem>>) dst(%dma_wait3A_55 : memref<128x128xf32, #tpu.memory_space<vmem_shared>>)
      tpu.yield
    }) : () -> ()
    %add3A_17 = arith.constant 512 : i32
    %add3A_18 = arith.addi %mul3A_0, %add3A_17 : i32
    %run_scoped3A_19 = arith.constant 0 : i32
    "tpu.region"() ({
      %run_scoped3A_37 = tpu.sem_alloc : memref<!tpu.dma_semaphore, #tpu.memory_space<semaphore_mem>>
      %dma_start3A = arith.constant 0 : i32
      %dma_start3A_38 = arith.constant 0 : i32
      %dma_start3A_39 = tpu.memref_slice %arg8[%run_scoped3A_19, %dma_start3A, %dma_start3A_38] : memref<2x128x128xf32, #tpu.memory_space<vmem>> -> memref<1x128x128xf32, #tpu.memory_space<vmem>>
      %dma_start3A_40 = tpu.memref_squeeze %dma_start3A_39 : memref<1x128x128xf32, #tpu.memory_space<vmem>> -> memref<128x128xf32, #tpu.memory_space<vmem>>
      %dma_start3A_41 = arith.constant 0 : i32
      %dma_start3A_42 = tpu.memref_slice %arg9[%add3A_18, %dma_start3A_41] : memref<10240x128xf32, #tpu.memory_space<vmem_shared>> -> memref<128x128xf32, #tpu.memory_space<vmem_shared>>
      %dma_start3A_43 = arith.constant 0 : i32
      %dma_start3A_44 = tpu.memref_slice %arg9[%add3A_18, %dma_start3A_43] : memref<10240x128xf32, #tpu.memory_space<vmem_shared>> -> memref<128x128xf32, #tpu.memory_space<vmem_shared>>
      %dma_start3A_45 = arith.constant 0 : i32
      %dma_start3A_46 = arith.constant 0 : i32
      %dma_start3A_47 = tpu.memref_slice %arg8[%run_scoped3A_19, %dma_start3A_45, %dma_start3A_46] : memref<2x128x128xf32, #tpu.memory_space<vmem>> -> memref<1x128x128xf32, #tpu.memory_space<vmem>>
      %dma_start3A_48 = tpu.memref_squeeze %dma_start3A_47 : memref<1x128x128xf32, #tpu.memory_space<vmem>> -> memref<128x128xf32, #tpu.memory_space<vmem>>
      tpu.enqueue_dma source(%dma_start3A_48 : memref<128x128xf32, #tpu.memory_space<vmem>>) target(%dma_start3A_44 : memref<128x128xf32, #tpu.memory_space<vmem_shared>>) target_semaphore(%run_scoped3A_37 : memref<!tpu.dma_semaphore, #tpu.memory_space<semaphore_mem>>)
      %dma_wait3A = arith.constant 0 : i32
      %dma_wait3A_49 = arith.constant 0 : i32
      %dma_wait3A_50 = tpu.memref_slice %arg8[%run_scoped3A_19, %dma_wait3A, %dma_wait3A_49] : memref<2x128x128xf32, #tpu.memory_space<vmem>> -> memref<1x128x128xf32, #tpu.memory_space<vmem>>
      %dma_wait3A_51 = tpu.memref_squeeze %dma_wait3A_50 : memref<1x128x128xf32, #tpu.memory_space<vmem>> -> memref<128x128xf32, #tpu.memory_space<vmem>>
      %dma_wait3A_52 = arith.constant 0 : i32
      %dma_wait3A_53 = tpu.memref_slice %arg9[%add3A_18, %dma_wait3A_52] : memref<10240x128xf32, #tpu.memory_space<vmem_shared>> -> memref<128x128xf32, #tpu.memory_space<vmem_shared>>
      %dma_wait3A_54 = arith.constant 0 : i32
      %dma_wait3A_55 = tpu.memref_slice %arg9[%add3A_18, %dma_wait3A_54] : memref<10240x128xf32, #tpu.memory_space<vmem_shared>> -> memref<128x128xf32, #tpu.memory_space<vmem_shared>>
      %dma_wait3A_56 = arith.constant 0 : i32
      %dma_wait3A_57 = arith.constant 0 : i32
      %dma_wait3A_58 = tpu.memref_slice %arg8[%run_scoped3A_19, %dma_wait3A_56, %dma_wait3A_57] : memref<2x128x128xf32, #tpu.memory_space<vmem>> -> memref<1x128x128xf32, #tpu.memory_space<vmem>>
      %dma_wait3A_59 = tpu.memref_squeeze %dma_wait3A_58 : memref<1x128x128xf32, #tpu.memory_space<vmem>> -> memref<128x128xf32, #tpu.memory_space<vmem>>
      tpu.wait_dma2 semaphore(%run_scoped3A_37 : memref<!tpu.dma_semaphore, #tpu.memory_space<semaphore_mem>>) src(%dma_wait3A_59 : memref<128x128xf32, #tpu.memory_space<vmem>>) dst(%dma_wait3A_55 : memref<128x128xf32, #tpu.memory_space<vmem_shared>>)
      tpu.yield
    }) : () -> ()
    %barrier3A = arith.constant 0 : index
    tpu.barrier barrier_id(%barrier3A)
    %eq3A = arith.constant 0 : i32
    %eq3A_20 = arith.cmpi eq, %arg0, %eq3A : i32
    %jit3A = arith.constant 160 : i32
    %jit3A_21 = arith.constant 0 : i32
    %select_n3A = arith.select %eq3A_20, %jit3A, %jit3A_21 : i32
    %div3A = arith.constant 8 : i32
    %div3A_22 = arith.divsi %select_n3A, %div3A : i32
    %gt3A = arith.constant 0 : i32
    %gt3A_23 = arith.cmpi sgt, %select_n3A, %gt3A : i32
    %convert_element_type3A = arith.extui %gt3A_23 : i1 to i32
    %cond3A = arith.constant 0 : i32
    %cond3A_24 = arith.cmpi ne, %convert_element_type3A, %cond3A : i32
    scf.if %cond3A_24 {
      %run_scoped3A_37 = arith.constant 0 : i32
      "tpu.region"() ({
        %run_scoped3A_56 = tpu.sem_alloc : memref<!tpu.dma_semaphore, #tpu.memory_space<semaphore_mem>>
        %dma_start3A_57 = arith.constant 0 : i32
        %dma_start3A_58 = arith.constant 0 : i32
        %dma_start3A_59 = tpu.memref_slice %arg6[%run_scoped3A_37, %dma_start3A_57, %dma_start3A_58] : memref<2x8x128xi32, #tpu.memory_space<vmem>> -> memref<1x8x128xi32, #tpu.memory_space<vmem>>
        %dma_start3A_60 = tpu.memref_squeeze %dma_start3A_59 : memref<1x8x128xi32, #tpu.memory_space<vmem>> -> memref<8x128xi32, #tpu.memory_space<vmem>>
        %dma_start3A_61 = arith.constant 0 : i32
        %dma_start3A_62 = arith.constant 0 : i32
        %dma_start3A_63 = tpu.memref_slice %arg3[%arg0, %arg1, %dma_start3A_61, %dma_start3A_62] : memref<2x16x160x128xi32, #tpu.memory_space<hbm>> -> memref<1x1x8x128xi32, #tpu.memory_space<hbm>>
        %dma_start3A_64 = tpu.memref_squeeze %dma_start3A_63 : memref<1x1x8x128xi32, #tpu.memory_space<hbm>> -> memref<8x128xi32, #tpu.memory_space<hbm>>
        %dma_start3A_65 = arith.constant 0 : i32
        %dma_start3A_66 = arith.constant 0 : i32
        %dma_start3A_67 = tpu.memref_slice %arg6[%run_scoped3A_37, %dma_start3A_65, %dma_start3A_66] : memref<2x8x128xi32, #tpu.memory_space<vmem>> -> memref<1x8x128xi32, #tpu.memory_space<vmem>>
        %dma_start3A_68 = tpu.memref_squeeze %dma_start3A_67 : memref<1x8x128xi32, #tpu.memory_space<vmem>> -> memref<8x128xi32, #tpu.memory_space<vmem>>
        %dma_start3A_69 = arith.constant 0 : i32
        %dma_start3A_70 = arith.constant 0 : i32
        %dma_start3A_71 = tpu.memref_slice %arg3[%arg0, %arg1, %dma_start3A_69, %dma_start3A_70] : memref<2x16x160x128xi32, #tpu.memory_space<hbm>> -> memref<1x1x8x128xi32, #tpu.memory_space<hbm>>
        %dma_start3A_72 = tpu.memref_squeeze %dma_start3A_71 : memref<1x1x8x128xi32, #tpu.memory_space<hbm>> -> memref<8x128xi32, #tpu.memory_space<hbm>>
        tpu.enqueue_dma source(%dma_start3A_72 : memref<8x128xi32, #tpu.memory_space<hbm>>) target(%dma_start3A_68 : memref<8x128xi32, #tpu.memory_space<vmem>>) target_semaphore(%run_scoped3A_56 : memref<!tpu.dma_semaphore, #tpu.memory_space<semaphore_mem>>)
        %dma_wait3A = arith.constant 0 : i32
        %dma_wait3A_73 = arith.constant 0 : i32
        %dma_wait3A_74 = tpu.memref_slice %arg6[%run_scoped3A_37, %dma_wait3A, %dma_wait3A_73] : memref<2x8x128xi32, #tpu.memory_space<vmem>> -> memref<1x8x128xi32, #tpu.memory_space<vmem>>
        %dma_wait3A_75 = tpu.memref_squeeze %dma_wait3A_74 : memref<1x8x128xi32, #tpu.memory_space<vmem>> -> memref<8x128xi32, #tpu.memory_space<vmem>>
        %dma_wait3A_76 = arith.constant 0 : i32
        %dma_wait3A_77 = arith.constant 0 : i32
        %dma_wait3A_78 = tpu.memref_slice %arg3[%arg0, %arg1, %dma_wait3A_76, %dma_wait3A_77] : memref<2x16x160x128xi32, #tpu.memory_space<hbm>> -> memref<1x1x8x128xi32, #tpu.memory_space<hbm>>
        %dma_wait3A_79 = tpu.memref_squeeze %dma_wait3A_78 : memref<1x1x8x128xi32, #tpu.memory_space<hbm>> -> memref<8x128xi32, #tpu.memory_space<hbm>>
        %dma_wait3A_80 = arith.constant 0 : i32
        %dma_wait3A_81 = arith.constant 0 : i32
        %dma_wait3A_82 = tpu.memref_slice %arg6[%run_scoped3A_37, %dma_wait3A_80, %dma_wait3A_81] : memref<2x8x128xi32, #tpu.memory_space<vmem>> -> memref<1x8x128xi32, #tpu.memory_space<vmem>>
        %dma_wait3A_83 = tpu.memref_squeeze %dma_wait3A_82 : memref<1x8x128xi32, #tpu.memory_space<vmem>> -> memref<8x128xi32, #tpu.memory_space<vmem>>
        %dma_wait3A_84 = arith.constant 0 : i32
        %dma_wait3A_85 = arith.constant 0 : i32
        %dma_wait3A_86 = tpu.memref_slice %arg3[%arg0, %arg1, %dma_wait3A_84, %dma_wait3A_85] : memref<2x16x160x128xi32, #tpu.memory_space<hbm>> -> memref<1x1x8x128xi32, #tpu.memory_space<hbm>>
        %dma_wait3A_87 = tpu.memref_squeeze %dma_wait3A_86 : memref<1x1x8x128xi32, #tpu.memory_space<hbm>> -> memref<8x128xi32, #tpu.memory_space<hbm>>
        tpu.wait_dma2 semaphore(%run_scoped3A_56 : memref<!tpu.dma_semaphore, #tpu.memory_space<semaphore_mem>>) src(%dma_wait3A_87 : memref<8x128xi32, #tpu.memory_space<hbm>>) dst(%dma_wait3A_83 : memref<8x128xi32, #tpu.memory_space<vmem>>)
        tpu.yield
      }) : () -> ()
      %run_scoped3A_38 = arith.constant 0 : i32
      "tpu.region"() ({
        %run_scoped3A_56 = tpu.sem_alloc : memref<!tpu.dma_semaphore, #tpu.memory_space<semaphore_mem>>
        %dma_start3A_57 = arith.constant 0 : i32
        %dma_start3A_58 = arith.constant 0 : i32
        %dma_start3A_59 = tpu.memref_slice %arg7[%run_scoped3A_38, %dma_start3A_57, %dma_start3A_58] : memref<2x8x128xi32, #tpu.memory_space<vmem>> -> memref<1x8x128xi32, #tpu.memory_space<vmem>>
        %dma_start3A_60 = tpu.memref_squeeze %dma_start3A_59 : memref<1x8x128xi32, #tpu.memory_space<vmem>> -> memref<8x128xi32, #tpu.memory_space<vmem>>
        %dma_start3A_61 = arith.constant 0 : i32
        %dma_start3A_62 = arith.constant 0 : i32
        %dma_start3A_63 = tpu.memref_slice %arg4[%arg0, %arg1, %dma_start3A_61, %dma_start3A_62] : memref<2x16x160x128xi32, #tpu.memory_space<hbm>> -> memref<1x1x8x128xi32, #tpu.memory_space<hbm>>
        %dma_start3A_64 = tpu.memref_squeeze %dma_start3A_63 : memref<1x1x8x128xi32, #tpu.memory_space<hbm>> -> memref<8x128xi32, #tpu.memory_space<hbm>>
        %dma_start3A_65 = arith.constant 0 : i32
        %dma_start3A_66 = arith.constant 0 : i32
        %dma_start3A_67 = tpu.memref_slice %arg7[%run_scoped3A_38, %dma_start3A_65, %dma_start3A_66] : memref<2x8x128xi32, #tpu.memory_space<vmem>> -> memref<1x8x128xi32, #tpu.memory_space<vmem>>
        %dma_start3A_68 = tpu.memref_squeeze %dma_start3A_67 : memref<1x8x128xi32, #tpu.memory_space<vmem>> -> memref<8x128xi32, #tpu.memory_space<vmem>>
        %dma_start3A_69 = arith.constant 0 : i32
        %dma_start3A_70 = arith.constant 0 : i32
        %dma_start3A_71 = tpu.memref_slice %arg4[%arg0, %arg1, %dma_start3A_69, %dma_start3A_70] : memref<2x16x160x128xi32, #tpu.memory_space<hbm>> -> memref<1x1x8x128xi32, #tpu.memory_space<hbm>>
        %dma_start3A_72 = tpu.memref_squeeze %dma_start3A_71 : memref<1x1x8x128xi32, #tpu.memory_space<hbm>> -> memref<8x128xi32, #tpu.memory_space<hbm>>
        tpu.enqueue_dma source(%dma_start3A_72 : memref<8x128xi32, #tpu.memory_space<hbm>>) target(%dma_start3A_68 : memref<8x128xi32, #tpu.memory_space<vmem>>) target_semaphore(%run_scoped3A_56 : memref<!tpu.dma_semaphore, #tpu.memory_space<semaphore_mem>>)
        %dma_wait3A = arith.constant 0 : i32
        %dma_wait3A_73 = arith.constant 0 : i32
        %dma_wait3A_74 = tpu.memref_slice %arg7[%run_scoped3A_38, %dma_wait3A, %dma_wait3A_73] : memref<2x8x128xi32, #tpu.memory_space<vmem>> -> memref<1x8x128xi32, #tpu.memory_space<vmem>>
        %dma_wait3A_75 = tpu.memref_squeeze %dma_wait3A_74 : memref<1x8x128xi32, #tpu.memory_space<vmem>> -> memref<8x128xi32, #tpu.memory_space<vmem>>
        %dma_wait3A_76 = arith.constant 0 : i32
        %dma_wait3A_77 = arith.constant 0 : i32
        %dma_wait3A_78 = tpu.memref_slice %arg4[%arg0, %arg1, %dma_wait3A_76, %dma_wait3A_77] : memref<2x16x160x128xi32, #tpu.memory_space<hbm>> -> memref<1x1x8x128xi32, #tpu.memory_space<hbm>>
        %dma_wait3A_79 = tpu.memref_squeeze %dma_wait3A_78 : memref<1x1x8x128xi32, #tpu.memory_space<hbm>> -> memref<8x128xi32, #tpu.memory_space<hbm>>
        %dma_wait3A_80 = arith.constant 0 : i32
        %dma_wait3A_81 = arith.constant 0 : i32
        %dma_wait3A_82 = tpu.memref_slice %arg7[%run_scoped3A_38, %dma_wait3A_80, %dma_wait3A_81] : memref<2x8x128xi32, #tpu.memory_space<vmem>> -> memref<1x8x128xi32, #tpu.memory_space<vmem>>
        %dma_wait3A_83 = tpu.memref_squeeze %dma_wait3A_82 : memref<1x8x128xi32, #tpu.memory_space<vmem>> -> memref<8x128xi32, #tpu.memory_space<vmem>>
        %dma_wait3A_84 = arith.constant 0 : i32
        %dma_wait3A_85 = arith.constant 0 : i32
        %dma_wait3A_86 = tpu.memref_slice %arg4[%arg0, %arg1, %dma_wait3A_84, %dma_wait3A_85] : memref<2x16x160x128xi32, #tpu.memory_space<hbm>> -> memref<1x1x8x128xi32, #tpu.memory_space<hbm>>
        %dma_wait3A_87 = tpu.memref_squeeze %dma_wait3A_86 : memref<1x1x8x128xi32, #tpu.memory_space<hbm>> -> memref<8x128xi32, #tpu.memory_space<hbm>>
        tpu.wait_dma2 semaphore(%run_scoped3A_56 : memref<!tpu.dma_semaphore, #tpu.memory_space<semaphore_mem>>) src(%dma_wait3A_87 : memref<8x128xi32, #tpu.memory_space<hbm>>) dst(%dma_wait3A_83 : memref<8x128xi32, #tpu.memory_space<vmem>>)
        tpu.yield
      }) : () -> ()
      %div3A_39 = arith.constant 0 : i32
      %div3A_40 = arith.constant 8 : i32
      %div3A_41 = arith.divsi %div3A_39, %div3A_40 : i32
      %rem3A = arith.constant 2 : i32
      %rem3A_42 = arith.remsi %div3A_41, %rem3A : i32
      %rem3A_43 = arith.constant 0 : i32
      %rem3A_44 = arith.constant 8 : i32
      %rem3A_45 = arith.remsi %rem3A_43, %rem3A_44 : i32
      %dma_start3A = arith.constant 0 : i32
      %dma_start3A_46 = arith.constant 0 : i32
      %dma_start3A_47 = arith.constant 0 : i32
      %dma_start3A_48 = tpu.memref_slice %arg8[%dma_start3A, %dma_start3A_46, %dma_start3A_47] : memref<2x128x128xf32, #tpu.memory_space<vmem>> -> memref<1x128x128xf32, #tpu.memory_space<vmem>>
      %dma_start3A_49 = tpu.memref_squeeze %dma_start3A_48 : memref<1x128x128xf32, #tpu.memory_space<vmem>> -> memref<128x128xf32, #tpu.memory_space<vmem>>
      %dma_start3A_50 = arith.constant 0 : i32
      %dma_start3A_51 = tpu.memref_slice %arg6[%rem3A_42, %rem3A_45, %dma_start3A_50] : memref<2x8x128xi32, #tpu.memory_space<vmem>> -> memref<1x1x128xi32, #tpu.memory_space<vmem>>
      %dma_start3A_52 = tpu.memref_squeeze %dma_start3A_51 : memref<1x1x128xi32, #tpu.memory_space<vmem>> -> memref<128xi32, #tpu.memory_space<vmem>>
      %dma_start3A_53 = arith.constant 0 : i32
      %dma_start3A_54 = arith.constant 0 : i32
      %dma_start3A_55 = tpu.memref_slice %arg2[%dma_start3A_53, %dma_start3A_54] : memref<10240x128xf32, #tpu.memory_space<hbm>> -> memref<10240x128xf32, #tpu.memory_space<hbm>>
      tpu.enqueue_indirect_dma source(%dma_start3A_55 : memref<10240x128xf32, #tpu.memory_space<hbm>>) target(%dma_start3A_49 : memref<128x128xf32, #tpu.memory_space<vmem>>) offsets(%dma_start3A_52 : memref<128xi32, #tpu.memory_space<vmem>>) semaphore(%arg10 : memref<!tpu.dma_semaphore, #tpu.memory_space<semaphore_mem>>)
    } else {
    }
    %div3A_25 = arith.constant 2 : i32
    %div3A_26 = arith.divsi %select_n3A, %div3A_25 : i32
    %while3A = arith.constant 0 : i32
    %while3A_27 = arith.constant 0 : i32
    %while3A_28 = arith.subi %div3A_26, %while3A_27 : i32
    %while3A_29 = arith.addi %while3A_27, %while3A_28 : i32
    %while3A_30 = arith.constant 1 : i32
    %while3A_31 = arith.divsi %while3A_28, %while3A_30 : i32
    %while3A_32 = arith.muli %while3A_31, %while3A_30 : i32
    %while3A_33 = arith.addi %while3A_27, %while3A_32 : i32
    %while3A_34 = arith.constant 1 : i32
    scf.for %while3A_37 = %while3A_27 to %while3A_33 step %while3A_34  : i32 {
      %mul3A_38 = arith.constant 2 : i32
      %mul3A_39 = arith.muli %mul3A_38, %while3A_37 : i32
      %rem3A = arith.constant 8 : i32
      %rem3A_40 = arith.remsi %mul3A_39, %rem3A : i32
      %div3A_41 = arith.constant 8 : i32
      %div3A_42 = arith.divsi %mul3A_39, %div3A_41 : i32
      %add3A_43 = arith.constant 1 : i32
      %add3A_44 = arith.addi %mul3A_39, %add3A_43 : i32
      %div3A_45 = arith.constant 8 : i32
      %div3A_46 = arith.divsi %add3A_44, %div3A_45 : i32
      %rem3A_47 = arith.constant 2 : i32
      %rem3A_48 = arith.remsi %div3A_46, %rem3A_47 : i32
      %rem3A_49 = arith.constant 8 : i32
      %rem3A_50 = arith.remsi %add3A_44, %rem3A_49 : i32
      %dma_start3A = arith.constant 1 : i32
      %dma_start3A_51 = arith.constant 0 : i32
      %dma_start3A_52 = arith.constant 0 : i32
      %dma_start3A_53 = tpu.memref_slice %arg8[%dma_start3A, %dma_start3A_51, %dma_start3A_52] : memref<2x128x128xf32, #tpu.memory_space<vmem>> -> memref<1x128x128xf32, #tpu.memory_space<vmem>>
      %dma_start3A_54 = tpu.memref_squeeze %dma_start3A_53 : memref<1x128x128xf32, #tpu.memory_space<vmem>> -> memref<128x128xf32, #tpu.memory_space<vmem>>
      %dma_start3A_55 = arith.constant 0 : i32
      %dma_start3A_56 = tpu.memref_slice %arg6[%rem3A_48, %rem3A_50, %dma_start3A_55] : memref<2x8x128xi32, #tpu.memory_space<vmem>> -> memref<1x1x128xi32, #tpu.memory_space<vmem>>
      %dma_start3A_57 = tpu.memref_squeeze %dma_start3A_56 : memref<1x1x128xi32, #tpu.memory_space<vmem>> -> memref<128xi32, #tpu.memory_space<vmem>>
      %dma_start3A_58 = arith.constant 0 : i32
      %dma_start3A_59 = arith.constant 0 : i32
      %dma_start3A_60 = tpu.memref_slice %arg2[%dma_start3A_58, %dma_start3A_59] : memref<10240x128xf32, #tpu.memory_space<hbm>> -> memref<10240x128xf32, #tpu.memory_space<hbm>>
      tpu.enqueue_indirect_dma source(%dma_start3A_60 : memref<10240x128xf32, #tpu.memory_space<hbm>>) target(%dma_start3A_54 : memref<128x128xf32, #tpu.memory_space<vmem>>) offsets(%dma_start3A_57 : memref<128xi32, #tpu.memory_space<vmem>>) semaphore(%arg11 : memref<!tpu.dma_semaphore, #tpu.memory_space<semaphore_mem>>)
      %eq3A_61 = arith.constant 0 : i32
      %eq3A_62 = arith.cmpi eq, %rem3A_40, %eq3A_61 : i32
      %add3A_63 = arith.constant 1 : i32
      %add3A_64 = arith.addi %div3A_42, %add3A_63 : i32
      %lt3A = arith.cmpi slt, %add3A_64, %div3A_22 : i32
      %and3A = arith.andi %eq3A_62, %lt3A : i1
      %convert_element_type3A_65 = arith.extui %and3A : i1 to i32
      %cond3A_66 = arith.constant 0 : i32
      %cond3A_67 = arith.cmpi ne, %convert_element_type3A_65, %cond3A_66 : i32
      scf.if %cond3A_67 {
        %add3A_130 = arith.constant 1 : i32
        %add3A_131 = arith.addi %div3A_42, %add3A_130 : i32
        %add3A_132 = arith.constant 1 : i32
        %add3A_133 = arith.addi %div3A_42, %add3A_132 : i32
        %rem3A_134 = arith.constant 2 : i32
        %rem3A_135 = arith.remsi %add3A_133, %rem3A_134 : i32
        %mul3A_136 = arith.constant 8 : i32
        %mul3A_137 = arith.muli %add3A_131, %mul3A_136 : i32
        %dma_start3A_138 = arith.constant 0 : i32
        %dma_start3A_139 = arith.constant 0 : i32
        %dma_start3A_140 = tpu.memref_slice %arg6[%rem3A_135, %dma_start3A_138, %dma_start3A_139] : memref<2x8x128xi32, #tpu.memory_space<vmem>> -> memref<1x8x128xi32, #tpu.memory_space<vmem>>
        %dma_start3A_141 = tpu.memref_squeeze %dma_start3A_140 : memref<1x8x128xi32, #tpu.memory_space<vmem>> -> memref<8x128xi32, #tpu.memory_space<vmem>>
        %dma_start3A_142 = arith.constant 0 : i32
        %dma_start3A_143 = tpu.memref_slice %arg3[%arg0, %arg1, %mul3A_137, %dma_start3A_142] : memref<2x16x160x128xi32, #tpu.memory_space<hbm>> -> memref<1x1x8x128xi32, #tpu.memory_space<hbm>>
        %dma_start3A_144 = tpu.memref_squeeze %dma_start3A_143 : memref<1x1x8x128xi32, #tpu.memory_space<hbm>> -> memref<8x128xi32, #tpu.memory_space<hbm>>
        %dma_start3A_145 = arith.constant 0 : i32
        %dma_start3A_146 = arith.constant 0 : i32
        %dma_start3A_147 = tpu.memref_slice %arg6[%rem3A_135, %dma_start3A_145, %dma_start3A_146] : memref<2x8x128xi32, #tpu.memory_space<vmem>> -> memref<1x8x128xi32, #tpu.memory_space<vmem>>
        %dma_start3A_148 = tpu.memref_squeeze %dma_start3A_147 : memref<1x8x128xi32, #tpu.memory_space<vmem>> -> memref<8x128xi32, #tpu.memory_space<vmem>>
        %dma_start3A_149 = arith.constant 0 : i32
        %dma_start3A_150 = tpu.memref_slice %arg3[%arg0, %arg1, %mul3A_137, %dma_start3A_149] : memref<2x16x160x128xi32, #tpu.memory_space<hbm>> -> memref<1x1x8x128xi32, #tpu.memory_space<hbm>>
        %dma_start3A_151 = tpu.memref_squeeze %dma_start3A_150 : memref<1x1x8x128xi32, #tpu.memory_space<hbm>> -> memref<8x128xi32, #tpu.memory_space<hbm>>
        tpu.enqueue_dma source(%dma_start3A_151 : memref<8x128xi32, #tpu.memory_space<hbm>>) target(%dma_start3A_148 : memref<8x128xi32, #tpu.memory_space<vmem>>) target_semaphore(%arg12 : memref<!tpu.dma_semaphore, #tpu.memory_space<semaphore_mem>>)
        %dma_start3A_152 = arith.constant 0 : i32
        %dma_start3A_153 = arith.constant 0 : i32
        %dma_start3A_154 = tpu.memref_slice %arg7[%rem3A_135, %dma_start3A_152, %dma_start3A_153] : memref<2x8x128xi32, #tpu.memory_space<vmem>> -> memref<1x8x128xi32, #tpu.memory_space<vmem>>
        %dma_start3A_155 = tpu.memref_squeeze %dma_start3A_154 : memref<1x8x128xi32, #tpu.memory_space<vmem>> -> memref<8x128xi32, #tpu.memory_space<vmem>>
        %dma_start3A_156 = arith.constant 0 : i32
        %dma_start3A_157 = tpu.memref_slice %arg4[%arg0, %arg1, %mul3A_137, %dma_start3A_156] : memref<2x16x160x128xi32, #tpu.memory_space<hbm>> -> memref<1x1x8x128xi32, #tpu.memory_space<hbm>>
        %dma_start3A_158 = tpu.memref_squeeze %dma_start3A_157 : memref<1x1x8x128xi32, #tpu.memory_space<hbm>> -> memref<8x128xi32, #tpu.memory_space<hbm>>
        %dma_start3A_159 = arith.constant 0 : i32
        %dma_start3A_160 = arith.constant 0 : i32
        %dma_start3A_161 = tpu.memref_slice %arg7[%rem3A_135, %dma_start3A_159, %dma_start3A_160] : memref<2x8x128xi32, #tpu.memory_space<vmem>> -> memref<1x8x128xi32, #tpu.memory_space<vmem>>
        %dma_start3A_162 = tpu.memref_squeeze %dma_start3A_161 : memref<1x8x128xi32, #tpu.memory_space<vmem>> -> memref<8x128xi32, #tpu.memory_space<vmem>>
        %dma_start3A_163 = arith.constant 0 : i32
        %dma_start3A_164 = tpu.memref_slice %arg4[%arg0, %arg1, %mul3A_137, %dma_start3A_163] : memref<2x16x160x128xi32, #tpu.memory_space<hbm>> -> memref<1x1x8x128xi32, #tpu.memory_space<hbm>>
        %dma_start3A_165 = tpu.memref_squeeze %dma_start3A_164 : memref<1x1x8x128xi32, #tpu.memory_space<hbm>> -> memref<8x128xi32, #tpu.memory_space<hbm>>
        tpu.enqueue_dma source(%dma_start3A_165 : memref<8x128xi32, #tpu.memory_space<hbm>>) target(%dma_start3A_162 : memref<8x128xi32, #tpu.memory_space<vmem>>) target_semaphore(%arg13 : memref<!tpu.dma_semaphore, #tpu.memory_space<semaphore_mem>>)
      } else {
      }
      %div3A_68 = arith.constant 8 : i32
      %div3A_69 = arith.divsi %mul3A_39, %div3A_68 : i32
      %rem3A_70 = arith.constant 2 : i32
      %rem3A_71 = arith.remsi %div3A_69, %rem3A_70 : i32
      %rem3A_72 = arith.constant 8 : i32
      %rem3A_73 = arith.remsi %mul3A_39, %rem3A_72 : i32
      %dma_wait3A = arith.constant 0 : i32
      %dma_wait3A_74 = arith.constant 0 : i32
      %dma_wait3A_75 = arith.constant 0 : i32
      %dma_wait3A_76 = tpu.memref_slice %arg8[%dma_wait3A, %dma_wait3A_74, %dma_wait3A_75] : memref<2x128x128xf32, #tpu.memory_space<vmem>> -> memref<1x128x128xf32, #tpu.memory_space<vmem>>
      %dma_wait3A_77 = tpu.memref_squeeze %dma_wait3A_76 : memref<1x128x128xf32, #tpu.memory_space<vmem>> -> memref<128x128xf32, #tpu.memory_space<vmem>>
      %dma_wait3A_78 = arith.constant 0 : i32
      %dma_wait3A_79 = tpu.memref_slice %arg6[%rem3A_71, %rem3A_73, %dma_wait3A_78] : memref<2x8x128xi32, #tpu.memory_space<vmem>> -> memref<1x1x128xi32, #tpu.memory_space<vmem>>
      %dma_wait3A_80 = tpu.memref_squeeze %dma_wait3A_79 : memref<1x1x128xi32, #tpu.memory_space<vmem>> -> memref<128xi32, #tpu.memory_space<vmem>>
      %dma_wait3A_81 = arith.constant 0 : i32
      %dma_wait3A_82 = arith.constant 0 : i32
      %dma_wait3A_83 = tpu.memref_slice %arg2[%dma_wait3A_81, %dma_wait3A_82] : memref<10240x128xf32, #tpu.memory_space<hbm>> -> memref<10240x128xf32, #tpu.memory_space<hbm>>
      tpu.wait_indirect_dma semaphore(%arg10 : memref<!tpu.dma_semaphore, #tpu.memory_space<semaphore_mem>>) src(%dma_wait3A_83 : memref<10240x128xf32, #tpu.memory_space<hbm>>) dst(%dma_wait3A_77 : memref<128x128xf32, #tpu.memory_space<vmem>>)
      %div3A_84 = arith.constant 8 : i32
      %div3A_85 = arith.divsi %mul3A_39, %div3A_84 : i32
      %rem3A_86 = arith.constant 2 : i32
      %rem3A_87 = arith.remsi %div3A_85, %rem3A_86 : i32
      %rem3A_88 = arith.constant 8 : i32
      %rem3A_89 = arith.remsi %mul3A_39, %rem3A_88 : i32
      %run_scoped3A_90 = arith.constant 0 : i32
      "tpu.region"() ({
        %run_scoped3A_130 = tpu.sem_alloc : memref<!tpu.dma_semaphore, #tpu.memory_space<semaphore_mem>>
        %dma_start3A_131 = arith.constant 0 : i32
        %dma_start3A_132 = arith.constant 0 : i32
        %dma_start3A_133 = tpu.memref_slice %arg8[%run_scoped3A_90, %dma_start3A_131, %dma_start3A_132] : memref<2x128x128xf32, #tpu.memory_space<vmem>> -> memref<1x128x128xf32, #tpu.memory_space<vmem>>
        %dma_start3A_134 = tpu.memref_squeeze %dma_start3A_133 : memref<1x128x128xf32, #tpu.memory_space<vmem>> -> memref<128x128xf32, #tpu.memory_space<vmem>>
        %dma_start3A_135 = arith.constant 0 : i32
        %dma_start3A_136 = tpu.memref_slice %arg7[%rem3A_87, %rem3A_89, %dma_start3A_135] : memref<2x8x128xi32, #tpu.memory_space<vmem>> -> memref<1x1x128xi32, #tpu.memory_space<vmem>>
        %dma_start3A_137 = tpu.memref_squeeze %dma_start3A_136 : memref<1x1x128xi32, #tpu.memory_space<vmem>> -> memref<128xi32, #tpu.memory_space<vmem>>
        %dma_start3A_138 = arith.constant 0 : i32
        %dma_start3A_139 = arith.constant 0 : i32
        %dma_start3A_140 = tpu.memref_slice %arg9[%dma_start3A_138, %dma_start3A_139] : memref<10240x128xf32, #tpu.memory_space<vmem_shared>> -> memref<10240x128xf32, #tpu.memory_space<vmem_shared>>
        tpu.enqueue_indirect_dma source(%dma_start3A_134 : memref<128x128xf32, #tpu.memory_space<vmem>>) target(%dma_start3A_140 : memref<10240x128xf32, #tpu.memory_space<vmem_shared>>) offsets(%dma_start3A_137 : memref<128xi32, #tpu.memory_space<vmem>>) semaphore(%run_scoped3A_130 : memref<!tpu.dma_semaphore, #tpu.memory_space<semaphore_mem>>) {add = true}
        %dma_wait3A_141 = arith.constant 0 : i32
        %dma_wait3A_142 = arith.constant 0 : i32
        %dma_wait3A_143 = tpu.memref_slice %arg8[%run_scoped3A_90, %dma_wait3A_141, %dma_wait3A_142] : memref<2x128x128xf32, #tpu.memory_space<vmem>> -> memref<1x128x128xf32, #tpu.memory_space<vmem>>
        %dma_wait3A_144 = tpu.memref_squeeze %dma_wait3A_143 : memref<1x128x128xf32, #tpu.memory_space<vmem>> -> memref<128x128xf32, #tpu.memory_space<vmem>>
        %dma_wait3A_145 = arith.constant 0 : i32
        %dma_wait3A_146 = tpu.memref_slice %arg7[%rem3A_87, %rem3A_89, %dma_wait3A_145] : memref<2x8x128xi32, #tpu.memory_space<vmem>> -> memref<1x1x128xi32, #tpu.memory_space<vmem>>
        %dma_wait3A_147 = tpu.memref_squeeze %dma_wait3A_146 : memref<1x1x128xi32, #tpu.memory_space<vmem>> -> memref<128xi32, #tpu.memory_space<vmem>>
        %dma_wait3A_148 = arith.constant 0 : i32
        %dma_wait3A_149 = arith.constant 0 : i32
        %dma_wait3A_150 = tpu.memref_slice %arg9[%dma_wait3A_148, %dma_wait3A_149] : memref<10240x128xf32, #tpu.memory_space<vmem_shared>> -> memref<10240x128xf32, #tpu.memory_space<vmem_shared>>
        tpu.wait_indirect_dma semaphore(%run_scoped3A_130 : memref<!tpu.dma_semaphore, #tpu.memory_space<semaphore_mem>>) src(%dma_wait3A_144 : memref<128x128xf32, #tpu.memory_space<vmem>>) dst(%dma_wait3A_150 : memref<10240x128xf32, #tpu.memory_space<vmem_shared>>)
        tpu.yield
      }) : () -> ()
      %eq3A_91 = arith.constant 6 : i32
      %eq3A_92 = arith.cmpi eq, %rem3A_40, %eq3A_91 : i32
      %convert_element_type3A_93 = arith.extui %eq3A_92 : i1 to i32
      %cond3A_94 = arith.constant 0 : i32
      %cond3A_95 = arith.cmpi ne, %convert_element_type3A_93, %cond3A_94 : i32
      scf.if %cond3A_95 {
        %add3A_130 = arith.constant 2 : i32
        %add3A_131 = arith.addi %mul3A_39, %add3A_130 : i32
        %lt3A_132 = arith.cmpi slt, %add3A_131, %select_n3A : i32
        %convert_element_type3A_133 = arith.extui %lt3A_132 : i1 to i32
        %cond3A_134 = arith.constant 0 : i32
        %cond3A_135 = arith.cmpi ne, %convert_element_type3A_133, %cond3A_134 : i32
        scf.if %cond3A_135 {
          %dma_wait3A_136 = arith.constant 0 : i32
          %dma_wait3A_137 = arith.constant 0 : i32
          %dma_wait3A_138 = arith.constant 0 : i32
          %dma_wait3A_139 = tpu.memref_slice %arg6[%dma_wait3A_136, %dma_wait3A_137, %dma_wait3A_138] : memref<2x8x128xi32, #tpu.memory_space<vmem>> -> memref<1x8x128xi32, #tpu.memory_space<vmem>>
          %dma_wait3A_140 = tpu.memref_squeeze %dma_wait3A_139 : memref<1x8x128xi32, #tpu.memory_space<vmem>> -> memref<8x128xi32, #tpu.memory_space<vmem>>
          %dma_wait3A_141 = arith.constant 0 : i32
          %dma_wait3A_142 = arith.constant 0 : i32
          %dma_wait3A_143 = tpu.memref_slice %arg3[%arg0, %arg1, %dma_wait3A_141, %dma_wait3A_142] : memref<2x16x160x128xi32, #tpu.memory_space<hbm>> -> memref<1x1x8x128xi32, #tpu.memory_space<hbm>>
          %dma_wait3A_144 = tpu.memref_squeeze %dma_wait3A_143 : memref<1x1x8x128xi32, #tpu.memory_space<hbm>> -> memref<8x128xi32, #tpu.memory_space<hbm>>
          %dma_wait3A_145 = arith.constant 0 : i32
          %dma_wait3A_146 = arith.constant 0 : i32
          %dma_wait3A_147 = tpu.memref_slice %arg6[%dma_wait3A_136, %dma_wait3A_145, %dma_wait3A_146] : memref<2x8x128xi32, #tpu.memory_space<vmem>> -> memref<1x8x128xi32, #tpu.memory_space<vmem>>
          %dma_wait3A_148 = tpu.memref_squeeze %dma_wait3A_147 : memref<1x8x128xi32, #tpu.memory_space<vmem>> -> memref<8x128xi32, #tpu.memory_space<vmem>>
          %dma_wait3A_149 = arith.constant 0 : i32
          %dma_wait3A_150 = arith.constant 0 : i32
          %dma_wait3A_151 = tpu.memref_slice %arg3[%arg0, %arg1, %dma_wait3A_149, %dma_wait3A_150] : memref<2x16x160x128xi32, #tpu.memory_space<hbm>> -> memref<1x1x8x128xi32, #tpu.memory_space<hbm>>
          %dma_wait3A_152 = tpu.memref_squeeze %dma_wait3A_151 : memref<1x1x8x128xi32, #tpu.memory_space<hbm>> -> memref<8x128xi32, #tpu.memory_space<hbm>>
          tpu.wait_dma2 semaphore(%arg12 : memref<!tpu.dma_semaphore, #tpu.memory_space<semaphore_mem>>) src(%dma_wait3A_152 : memref<8x128xi32, #tpu.memory_space<hbm>>) dst(%dma_wait3A_148 : memref<8x128xi32, #tpu.memory_space<vmem>>)
          %dma_wait3A_153 = arith.constant 0 : i32
          %dma_wait3A_154 = arith.constant 0 : i32
          %dma_wait3A_155 = arith.constant 0 : i32
          %dma_wait3A_156 = tpu.memref_slice %arg7[%dma_wait3A_153, %dma_wait3A_154, %dma_wait3A_155] : memref<2x8x128xi32, #tpu.memory_space<vmem>> -> memref<1x8x128xi32, #tpu.memory_space<vmem>>
          %dma_wait3A_157 = tpu.memref_squeeze %dma_wait3A_156 : memref<1x8x128xi32, #tpu.memory_space<vmem>> -> memref<8x128xi32, #tpu.memory_space<vmem>>
          %dma_wait3A_158 = arith.constant 0 : i32
          %dma_wait3A_159 = arith.constant 0 : i32
          %dma_wait3A_160 = tpu.memref_slice %arg4[%arg0, %arg1, %dma_wait3A_158, %dma_wait3A_159] : memref<2x16x160x128xi32, #tpu.memory_space<hbm>> -> memref<1x1x8x128xi32, #tpu.memory_space<hbm>>
          %dma_wait3A_161 = tpu.memref_squeeze %dma_wait3A_160 : memref<1x1x8x128xi32, #tpu.memory_space<hbm>> -> memref<8x128xi32, #tpu.memory_space<hbm>>
          %dma_wait3A_162 = arith.constant 0 : i32
          %dma_wait3A_163 = arith.constant 0 : i32
          %dma_wait3A_164 = tpu.memref_slice %arg7[%dma_wait3A_153, %dma_wait3A_162, %dma_wait3A_163] : memref<2x8x128xi32, #tpu.memory_space<vmem>> -> memref<1x8x128xi32, #tpu.memory_space<vmem>>
          %dma_wait3A_165 = tpu.memref_squeeze %dma_wait3A_164 : memref<1x8x128xi32, #tpu.memory_space<vmem>> -> memref<8x128xi32, #tpu.memory_space<vmem>>
          %dma_wait3A_166 = arith.constant 0 : i32
          %dma_wait3A_167 = arith.constant 0 : i32
          %dma_wait3A_168 = tpu.memref_slice %arg4[%arg0, %arg1, %dma_wait3A_166, %dma_wait3A_167] : memref<2x16x160x128xi32, #tpu.memory_space<hbm>> -> memref<1x1x8x128xi32, #tpu.memory_space<hbm>>
          %dma_wait3A_169 = tpu.memref_squeeze %dma_wait3A_168 : memref<1x1x8x128xi32, #tpu.memory_space<hbm>> -> memref<8x128xi32, #tpu.memory_space<hbm>>
          tpu.wait_dma2 semaphore(%arg13 : memref<!tpu.dma_semaphore, #tpu.memory_space<semaphore_mem>>) src(%dma_wait3A_169 : memref<8x128xi32, #tpu.memory_space<hbm>>) dst(%dma_wait3A_165 : memref<8x128xi32, #tpu.memory_space<vmem>>)
        } else {
        }
      } else {
      }
      %add3A_96 = arith.constant 2 : i32
      %add3A_97 = arith.addi %mul3A_39, %add3A_96 : i32
      %lt3A_98 = arith.cmpi slt, %add3A_97, %select_n3A : i32
      %convert_element_type3A_99 = arith.extui %lt3A_98 : i1 to i32
      %cond3A_100 = arith.constant 0 : i32
      %cond3A_101 = arith.cmpi ne, %convert_element_type3A_99, %cond3A_100 : i32
      scf.if %cond3A_101 {
        %add3A_130 = arith.constant 2 : i32
        %add3A_131 = arith.addi %mul3A_39, %add3A_130 : i32
        %div3A_132 = arith.constant 8 : i32
        %div3A_133 = arith.divsi %add3A_131, %div3A_132 : i32
        %rem3A_134 = arith.constant 2 : i32
        %rem3A_135 = arith.remsi %div3A_133, %rem3A_134 : i32
        %rem3A_136 = arith.constant 8 : i32
        %rem3A_137 = arith.remsi %add3A_131, %rem3A_136 : i32
        %dma_start3A_138 = arith.constant 0 : i32
        %dma_start3A_139 = arith.constant 0 : i32
        %dma_start3A_140 = arith.constant 0 : i32
        %dma_start3A_141 = tpu.memref_slice %arg8[%dma_start3A_138, %dma_start3A_139, %dma_start3A_140] : memref<2x128x128xf32, #tpu.memory_space<vmem>> -> memref<1x128x128xf32, #tpu.memory_space<vmem>>
        %dma_start3A_142 = tpu.memref_squeeze %dma_start3A_141 : memref<1x128x128xf32, #tpu.memory_space<vmem>> -> memref<128x128xf32, #tpu.memory_space<vmem>>
        %dma_start3A_143 = arith.constant 0 : i32
        %dma_start3A_144 = tpu.memref_slice %arg6[%rem3A_135, %rem3A_137, %dma_start3A_143] : memref<2x8x128xi32, #tpu.memory_space<vmem>> -> memref<1x1x128xi32, #tpu.memory_space<vmem>>
        %dma_start3A_145 = tpu.memref_squeeze %dma_start3A_144 : memref<1x1x128xi32, #tpu.memory_space<vmem>> -> memref<128xi32, #tpu.memory_space<vmem>>
        %dma_start3A_146 = arith.constant 0 : i32
        %dma_start3A_147 = arith.constant 0 : i32
        %dma_start3A_148 = tpu.memref_slice %arg2[%dma_start3A_146, %dma_start3A_147] : memref<10240x128xf32, #tpu.memory_space<hbm>> -> memref<10240x128xf32, #tpu.memory_space<hbm>>
        tpu.enqueue_indirect_dma source(%dma_start3A_148 : memref<10240x128xf32, #tpu.memory_space<hbm>>) target(%dma_start3A_142 : memref<128x128xf32, #tpu.memory_space<vmem>>) offsets(%dma_start3A_145 : memref<128xi32, #tpu.memory_space<vmem>>) semaphore(%arg10 : memref<!tpu.dma_semaphore, #tpu.memory_space<semaphore_mem>>)
      } else {
      }
      %add3A_102 = arith.constant 1 : i32
      %add3A_103 = arith.addi %mul3A_39, %add3A_102 : i32
      %div3A_104 = arith.constant 8 : i32
      %div3A_105 = arith.divsi %add3A_103, %div3A_104 : i32
      %rem3A_106 = arith.constant 2 : i32
      %rem3A_107 = arith.remsi %div3A_105, %rem3A_106 : i32
      %rem3A_108 = arith.constant 8 : i32
      %rem3A_109 = arith.remsi %add3A_103, %rem3A_108 : i32
      %dma_wait3A_110 = arith.constant 1 : i32
      %dma_wait3A_111 = arith.constant 0 : i32
      %dma_wait3A_112 = arith.constant 0 : i32
      %dma_wait3A_113 = tpu.memref_slice %arg8[%dma_wait3A_110, %dma_wait3A_111, %dma_wait3A_112] : memref<2x128x128xf32, #tpu.memory_space<vmem>> -> memref<1x128x128xf32, #tpu.memory_space<vmem>>
      %dma_wait3A_114 = tpu.memref_squeeze %dma_wait3A_113 : memref<1x128x128xf32, #tpu.memory_space<vmem>> -> memref<128x128xf32, #tpu.memory_space<vmem>>
      %dma_wait3A_115 = arith.constant 0 : i32
      %dma_wait3A_116 = tpu.memref_slice %arg6[%rem3A_107, %rem3A_109, %dma_wait3A_115] : memref<2x8x128xi32, #tpu.memory_space<vmem>> -> memref<1x1x128xi32, #tpu.memory_space<vmem>>
      %dma_wait3A_117 = tpu.memref_squeeze %dma_wait3A_116 : memref<1x1x128xi32, #tpu.memory_space<vmem>> -> memref<128xi32, #tpu.memory_space<vmem>>
      %dma_wait3A_118 = arith.constant 0 : i32
      %dma_wait3A_119 = arith.constant 0 : i32
      %dma_wait3A_120 = tpu.memref_slice %arg2[%dma_wait3A_118, %dma_wait3A_119] : memref<10240x128xf32, #tpu.memory_space<hbm>> -> memref<10240x128xf32, #tpu.memory_space<hbm>>
      tpu.wait_indirect_dma semaphore(%arg11 : memref<!tpu.dma_semaphore, #tpu.memory_space<semaphore_mem>>) src(%dma_wait3A_120 : memref<10240x128xf32, #tpu.memory_space<hbm>>) dst(%dma_wait3A_114 : memref<128x128xf32, #tpu.memory_space<vmem>>)
      %add3A_121 = arith.constant 1 : i32
      %add3A_122 = arith.addi %mul3A_39, %add3A_121 : i32
      %div3A_123 = arith.constant 8 : i32
      %div3A_124 = arith.divsi %add3A_122, %div3A_123 : i32
      %rem3A_125 = arith.constant 2 : i32
      %rem3A_126 = arith.remsi %div3A_124, %rem3A_125 : i32
      %rem3A_127 = arith.constant 8 : i32
      %rem3A_128 = arith.remsi %add3A_122, %rem3A_127 : i32
      %run_scoped3A_129 = arith.constant 1 : i32
      "tpu.region"() ({
        %run_scoped3A_130 = tpu.sem_alloc : memref<!tpu.dma_semaphore, #tpu.memory_space<semaphore_mem>>
        %dma_start3A_131 = arith.constant 0 : i32
        %dma_start3A_132 = arith.constant 0 : i32
        %dma_start3A_133 = tpu.memref_slice %arg8[%run_scoped3A_129, %dma_start3A_131, %dma_start3A_132] : memref<2x128x128xf32, #tpu.memory_space<vmem>> -> memref<1x128x128xf32, #tpu.memory_space<vmem>>
        %dma_start3A_134 = tpu.memref_squeeze %dma_start3A_133 : memref<1x128x128xf32, #tpu.memory_space<vmem>> -> memref<128x128xf32, #tpu.memory_space<vmem>>
        %dma_start3A_135 = arith.constant 0 : i32
        %dma_start3A_136 = tpu.memref_slice %arg7[%rem3A_126, %rem3A_128, %dma_start3A_135] : memref<2x8x128xi32, #tpu.memory_space<vmem>> -> memref<1x1x128xi32, #tpu.memory_space<vmem>>
        %dma_start3A_137 = tpu.memref_squeeze %dma_start3A_136 : memref<1x1x128xi32, #tpu.memory_space<vmem>> -> memref<128xi32, #tpu.memory_space<vmem>>
        %dma_start3A_138 = arith.constant 0 : i32
        %dma_start3A_139 = arith.constant 0 : i32
        %dma_start3A_140 = tpu.memref_slice %arg9[%dma_start3A_138, %dma_start3A_139] : memref<10240x128xf32, #tpu.memory_space<vmem_shared>> -> memref<10240x128xf32, #tpu.memory_space<vmem_shared>>
        tpu.enqueue_indirect_dma source(%dma_start3A_134 : memref<128x128xf32, #tpu.memory_space<vmem>>) target(%dma_start3A_140 : memref<10240x128xf32, #tpu.memory_space<vmem_shared>>) offsets(%dma_start3A_137 : memref<128xi32, #tpu.memory_space<vmem>>) semaphore(%run_scoped3A_130 : memref<!tpu.dma_semaphore, #tpu.memory_space<semaphore_mem>>) {add = true}
        %dma_wait3A_141 = arith.constant 0 : i32
        %dma_wait3A_142 = arith.constant 0 : i32
        %dma_wait3A_143 = tpu.memref_slice %arg8[%run_scoped3A_129, %dma_wait3A_141, %dma_wait3A_142] : memref<2x128x128xf32, #tpu.memory_space<vmem>> -> memref<1x128x128xf32, #tpu.memory_space<vmem>>
        %dma_wait3A_144 = tpu.memref_squeeze %dma_wait3A_143 : memref<1x128x128xf32, #tpu.memory_space<vmem>> -> memref<128x128xf32, #tpu.memory_space<vmem>>
        %dma_wait3A_145 = arith.constant 0 : i32
        %dma_wait3A_146 = tpu.memref_slice %arg7[%rem3A_126, %rem3A_128, %dma_wait3A_145] : memref<2x8x128xi32, #tpu.memory_space<vmem>> -> memref<1x1x128xi32, #tpu.memory_space<vmem>>
        %dma_wait3A_147 = tpu.memref_squeeze %dma_wait3A_146 : memref<1x1x128xi32, #tpu.memory_space<vmem>> -> memref<128xi32, #tpu.memory_space<vmem>>
        %dma_wait3A_148 = arith.constant 0 : i32
        %dma_wait3A_149 = arith.constant 0 : i32
        %dma_wait3A_150 = tpu.memref_slice %arg9[%dma_wait3A_148, %dma_wait3A_149] : memref<10240x128xf32, #tpu.memory_space<vmem_shared>> -> memref<10240x128xf32, #tpu.memory_space<vmem_shared>>
        tpu.wait_indirect_dma semaphore(%run_scoped3A_130 : memref<!tpu.dma_semaphore, #tpu.memory_space<semaphore_mem>>) src(%dma_wait3A_144 : memref<128x128xf32, #tpu.memory_space<vmem>>) dst(%dma_wait3A_150 : memref<10240x128xf32, #tpu.memory_space<vmem_shared>>)
        tpu.yield
      }) : () -> ()
    }
    %while3A_35 = arith.constant 1 : i32
    scf.for %while3A_37 = %while3A_33 to %while3A_29 step %while3A_35  : i32 {
      %mul3A_38 = arith.constant 2 : i32
      %mul3A_39 = arith.muli %mul3A_38, %while3A_37 : i32
      %rem3A = arith.constant 8 : i32
      %rem3A_40 = arith.remsi %mul3A_39, %rem3A : i32
      %div3A_41 = arith.constant 8 : i32
      %div3A_42 = arith.divsi %mul3A_39, %div3A_41 : i32
      %add3A_43 = arith.constant 1 : i32
      %add3A_44 = arith.addi %mul3A_39, %add3A_43 : i32
      %div3A_45 = arith.constant 8 : i32
      %div3A_46 = arith.divsi %add3A_44, %div3A_45 : i32
      %rem3A_47 = arith.constant 2 : i32
      %rem3A_48 = arith.remsi %div3A_46, %rem3A_47 : i32
      %rem3A_49 = arith.constant 8 : i32
      %rem3A_50 = arith.remsi %add3A_44, %rem3A_49 : i32
      %dma_start3A = arith.constant 1 : i32
      %dma_start3A_51 = arith.constant 0 : i32
      %dma_start3A_52 = arith.constant 0 : i32
      %dma_start3A_53 = tpu.memref_slice %arg8[%dma_start3A, %dma_start3A_51, %dma_start3A_52] : memref<2x128x128xf32, #tpu.memory_space<vmem>> -> memref<1x128x128xf32, #tpu.memory_space<vmem>>
      %dma_start3A_54 = tpu.memref_squeeze %dma_start3A_53 : memref<1x128x128xf32, #tpu.memory_space<vmem>> -> memref<128x128xf32, #tpu.memory_space<vmem>>
      %dma_start3A_55 = arith.constant 0 : i32
      %dma_start3A_56 = tpu.memref_slice %arg6[%rem3A_48, %rem3A_50, %dma_start3A_55] : memref<2x8x128xi32, #tpu.memory_space<vmem>> -> memref<1x1x128xi32, #tpu.memory_space<vmem>>
      %dma_start3A_57 = tpu.memref_squeeze %dma_start3A_56 : memref<1x1x128xi32, #tpu.memory_space<vmem>> -> memref<128xi32, #tpu.memory_space<vmem>>
      %dma_start3A_58 = arith.constant 0 : i32
      %dma_start3A_59 = arith.constant 0 : i32
      %dma_start3A_60 = tpu.memref_slice %arg2[%dma_start3A_58, %dma_start3A_59] : memref<10240x128xf32, #tpu.memory_space<hbm>> -> memref<10240x128xf32, #tpu.memory_space<hbm>>
      tpu.enqueue_indirect_dma source(%dma_start3A_60 : memref<10240x128xf32, #tpu.memory_space<hbm>>) target(%dma_start3A_54 : memref<128x128xf32, #tpu.memory_space<vmem>>) offsets(%dma_start3A_57 : memref<128xi32, #tpu.memory_space<vmem>>) semaphore(%arg11 : memref<!tpu.dma_semaphore, #tpu.memory_space<semaphore_mem>>)
      %eq3A_61 = arith.constant 0 : i32
      %eq3A_62 = arith.cmpi eq, %rem3A_40, %eq3A_61 : i32
      %add3A_63 = arith.constant 1 : i32
      %add3A_64 = arith.addi %div3A_42, %add3A_63 : i32
      %lt3A = arith.cmpi slt, %add3A_64, %div3A_22 : i32
      %and3A = arith.andi %eq3A_62, %lt3A : i1
      %convert_element_type3A_65 = arith.extui %and3A : i1 to i32
      %cond3A_66 = arith.constant 0 : i32
      %cond3A_67 = arith.cmpi ne, %convert_element_type3A_65, %cond3A_66 : i32
      scf.if %cond3A_67 {
        %add3A_130 = arith.constant 1 : i32
        %add3A_131 = arith.addi %div3A_42, %add3A_130 : i32
        %add3A_132 = arith.constant 1 : i32
        %add3A_133 = arith.addi %div3A_42, %add3A_132 : i32
        %rem3A_134 = arith.constant 2 : i32
        %rem3A_135 = arith.remsi %add3A_133, %rem3A_134 : i32
        %mul3A_136 = arith.constant 8 : i32
        %mul3A_137 = arith.muli %add3A_131, %mul3A_136 : i32
        %dma_start3A_138 = arith.constant 0 : i32
        %dma_start3A_139 = arith.constant 0 : i32
        %dma_start3A_140 = tpu.memref_slice %arg6[%rem3A_135, %dma_start3A_138, %dma_start3A_139] : memref<2x8x128xi32, #tpu.memory_space<vmem>> -> memref<1x8x128xi32, #tpu.memory_space<vmem>>
        %dma_start3A_141 = tpu.memref_squeeze %dma_start3A_140 : memref<1x8x128xi32, #tpu.memory_space<vmem>> -> memref<8x128xi32, #tpu.memory_space<vmem>>
        %dma_start3A_142 = arith.constant 0 : i32
        %dma_start3A_143 = tpu.memref_slice %arg3[%arg0, %arg1, %mul3A_137, %dma_start3A_142] : memref<2x16x160x128xi32, #tpu.memory_space<hbm>> -> memref<1x1x8x128xi32, #tpu.memory_space<hbm>>
        %dma_start3A_144 = tpu.memref_squeeze %dma_start3A_143 : memref<1x1x8x128xi32, #tpu.memory_space<hbm>> -> memref<8x128xi32, #tpu.memory_space<hbm>>
        %dma_start3A_145 = arith.constant 0 : i32
        %dma_start3A_146 = arith.constant 0 : i32
        %dma_start3A_147 = tpu.memref_slice %arg6[%rem3A_135, %dma_start3A_145, %dma_start3A_146] : memref<2x8x128xi32, #tpu.memory_space<vmem>> -> memref<1x8x128xi32, #tpu.memory_space<vmem>>
        %dma_start3A_148 = tpu.memref_squeeze %dma_start3A_147 : memref<1x8x128xi32, #tpu.memory_space<vmem>> -> memref<8x128xi32, #tpu.memory_space<vmem>>
        %dma_start3A_149 = arith.constant 0 : i32
        %dma_start3A_150 = tpu.memref_slice %arg3[%arg0, %arg1, %mul3A_137, %dma_start3A_149] : memref<2x16x160x128xi32, #tpu.memory_space<hbm>> -> memref<1x1x8x128xi32, #tpu.memory_space<hbm>>
        %dma_start3A_151 = tpu.memref_squeeze %dma_start3A_150 : memref<1x1x8x128xi32, #tpu.memory_space<hbm>> -> memref<8x128xi32, #tpu.memory_space<hbm>>
        tpu.enqueue_dma source(%dma_start3A_151 : memref<8x128xi32, #tpu.memory_space<hbm>>) target(%dma_start3A_148 : memref<8x128xi32, #tpu.memory_space<vmem>>) target_semaphore(%arg12 : memref<!tpu.dma_semaphore, #tpu.memory_space<semaphore_mem>>)
        %dma_start3A_152 = arith.constant 0 : i32
        %dma_start3A_153 = arith.constant 0 : i32
        %dma_start3A_154 = tpu.memref_slice %arg7[%rem3A_135, %dma_start3A_152, %dma_start3A_153] : memref<2x8x128xi32, #tpu.memory_space<vmem>> -> memref<1x8x128xi32, #tpu.memory_space<vmem>>
        %dma_start3A_155 = tpu.memref_squeeze %dma_start3A_154 : memref<1x8x128xi32, #tpu.memory_space<vmem>> -> memref<8x128xi32, #tpu.memory_space<vmem>>
        %dma_start3A_156 = arith.constant 0 : i32
        %dma_start3A_157 = tpu.memref_slice %arg4[%arg0, %arg1, %mul3A_137, %dma_start3A_156] : memref<2x16x160x128xi32, #tpu.memory_space<hbm>> -> memref<1x1x8x128xi32, #tpu.memory_space<hbm>>
        %dma_start3A_158 = tpu.memref_squeeze %dma_start3A_157 : memref<1x1x8x128xi32, #tpu.memory_space<hbm>> -> memref<8x128xi32, #tpu.memory_space<hbm>>
        %dma_start3A_159 = arith.constant 0 : i32
        %dma_start3A_160 = arith.constant 0 : i32
        %dma_start3A_161 = tpu.memref_slice %arg7[%rem3A_135, %dma_start3A_159, %dma_start3A_160] : memref<2x8x128xi32, #tpu.memory_space<vmem>> -> memref<1x8x128xi32, #tpu.memory_space<vmem>>
        %dma_start3A_162 = tpu.memref_squeeze %dma_start3A_161 : memref<1x8x128xi32, #tpu.memory_space<vmem>> -> memref<8x128xi32, #tpu.memory_space<vmem>>
        %dma_start3A_163 = arith.constant 0 : i32
        %dma_start3A_164 = tpu.memref_slice %arg4[%arg0, %arg1, %mul3A_137, %dma_start3A_163] : memref<2x16x160x128xi32, #tpu.memory_space<hbm>> -> memref<1x1x8x128xi32, #tpu.memory_space<hbm>>
        %dma_start3A_165 = tpu.memref_squeeze %dma_start3A_164 : memref<1x1x8x128xi32, #tpu.memory_space<hbm>> -> memref<8x128xi32, #tpu.memory_space<hbm>>
        tpu.enqueue_dma source(%dma_start3A_165 : memref<8x128xi32, #tpu.memory_space<hbm>>) target(%dma_start3A_162 : memref<8x128xi32, #tpu.memory_space<vmem>>) target_semaphore(%arg13 : memref<!tpu.dma_semaphore, #tpu.memory_space<semaphore_mem>>)
      } else {
      }
      %div3A_68 = arith.constant 8 : i32
      %div3A_69 = arith.divsi %mul3A_39, %div3A_68 : i32
      %rem3A_70 = arith.constant 2 : i32
      %rem3A_71 = arith.remsi %div3A_69, %rem3A_70 : i32
      %rem3A_72 = arith.constant 8 : i32
      %rem3A_73 = arith.remsi %mul3A_39, %rem3A_72 : i32
      %dma_wait3A = arith.constant 0 : i32
      %dma_wait3A_74 = arith.constant 0 : i32
      %dma_wait3A_75 = arith.constant 0 : i32
      %dma_wait3A_76 = tpu.memref_slice %arg8[%dma_wait3A, %dma_wait3A_74, %dma_wait3A_75] : memref<2x128x128xf32, #tpu.memory_space<vmem>> -> memref<1x128x128xf32, #tpu.memory_space<vmem>>
      %dma_wait3A_77 = tpu.memref_squeeze %dma_wait3A_76 : memref<1x128x128xf32, #tpu.memory_space<vmem>> -> memref<128x128xf32, #tpu.memory_space<vmem>>
      %dma_wait3A_78 = arith.constant 0 : i32
      %dma_wait3A_79 = tpu.memref_slice %arg6[%rem3A_71, %rem3A_73, %dma_wait3A_78] : memref<2x8x128xi32, #tpu.memory_space<vmem>> -> memref<1x1x128xi32, #tpu.memory_space<vmem>>
      %dma_wait3A_80 = tpu.memref_squeeze %dma_wait3A_79 : memref<1x1x128xi32, #tpu.memory_space<vmem>> -> memref<128xi32, #tpu.memory_space<vmem>>
      %dma_wait3A_81 = arith.constant 0 : i32
      %dma_wait3A_82 = arith.constant 0 : i32
      %dma_wait3A_83 = tpu.memref_slice %arg2[%dma_wait3A_81, %dma_wait3A_82] : memref<10240x128xf32, #tpu.memory_space<hbm>> -> memref<10240x128xf32, #tpu.memory_space<hbm>>
      tpu.wait_indirect_dma semaphore(%arg10 : memref<!tpu.dma_semaphore, #tpu.memory_space<semaphore_mem>>) src(%dma_wait3A_83 : memref<10240x128xf32, #tpu.memory_space<hbm>>) dst(%dma_wait3A_77 : memref<128x128xf32, #tpu.memory_space<vmem>>)
      %div3A_84 = arith.constant 8 : i32
      %div3A_85 = arith.divsi %mul3A_39, %div3A_84 : i32
      %rem3A_86 = arith.constant 2 : i32
      %rem3A_87 = arith.remsi %div3A_85, %rem3A_86 : i32
      %rem3A_88 = arith.constant 8 : i32
      %rem3A_89 = arith.remsi %mul3A_39, %rem3A_88 : i32
      %run_scoped3A_90 = arith.constant 0 : i32
      "tpu.region"() ({
        %run_scoped3A_130 = tpu.sem_alloc : memref<!tpu.dma_semaphore, #tpu.memory_space<semaphore_mem>>
        %dma_start3A_131 = arith.constant 0 : i32
        %dma_start3A_132 = arith.constant 0 : i32
        %dma_start3A_133 = tpu.memref_slice %arg8[%run_scoped3A_90, %dma_start3A_131, %dma_start3A_132] : memref<2x128x128xf32, #tpu.memory_space<vmem>> -> memref<1x128x128xf32, #tpu.memory_space<vmem>>
        %dma_start3A_134 = tpu.memref_squeeze %dma_start3A_133 : memref<1x128x128xf32, #tpu.memory_space<vmem>> -> memref<128x128xf32, #tpu.memory_space<vmem>>
        %dma_start3A_135 = arith.constant 0 : i32
        %dma_start3A_136 = tpu.memref_slice %arg7[%rem3A_87, %rem3A_89, %dma_start3A_135] : memref<2x8x128xi32, #tpu.memory_space<vmem>> -> memref<1x1x128xi32, #tpu.memory_space<vmem>>
        %dma_start3A_137 = tpu.memref_squeeze %dma_start3A_136 : memref<1x1x128xi32, #tpu.memory_space<vmem>> -> memref<128xi32, #tpu.memory_space<vmem>>
        %dma_start3A_138 = arith.constant 0 : i32
        %dma_start3A_139 = arith.constant 0 : i32
        %dma_start3A_140 = tpu.memref_slice %arg9[%dma_start3A_138, %dma_start3A_139] : memref<10240x128xf32, #tpu.memory_space<vmem_shared>> -> memref<10240x128xf32, #tpu.memory_space<vmem_shared>>
        tpu.enqueue_indirect_dma source(%dma_start3A_134 : memref<128x128xf32, #tpu.memory_space<vmem>>) target(%dma_start3A_140 : memref<10240x128xf32, #tpu.memory_space<vmem_shared>>) offsets(%dma_start3A_137 : memref<128xi32, #tpu.memory_space<vmem>>) semaphore(%run_scoped3A_130 : memref<!tpu.dma_semaphore, #tpu.memory_space<semaphore_mem>>) {add = true}
        %dma_wait3A_141 = arith.constant 0 : i32
        %dma_wait3A_142 = arith.constant 0 : i32
        %dma_wait3A_143 = tpu.memref_slice %arg8[%run_scoped3A_90, %dma_wait3A_141, %dma_wait3A_142] : memref<2x128x128xf32, #tpu.memory_space<vmem>> -> memref<1x128x128xf32, #tpu.memory_space<vmem>>
        %dma_wait3A_144 = tpu.memref_squeeze %dma_wait3A_143 : memref<1x128x128xf32, #tpu.memory_space<vmem>> -> memref<128x128xf32, #tpu.memory_space<vmem>>
        %dma_wait3A_145 = arith.constant 0 : i32
        %dma_wait3A_146 = tpu.memref_slice %arg7[%rem3A_87, %rem3A_89, %dma_wait3A_145] : memref<2x8x128xi32, #tpu.memory_space<vmem>> -> memref<1x1x128xi32, #tpu.memory_space<vmem>>
        %dma_wait3A_147 = tpu.memref_squeeze %dma_wait3A_146 : memref<1x1x128xi32, #tpu.memory_space<vmem>> -> memref<128xi32, #tpu.memory_space<vmem>>
        %dma_wait3A_148 = arith.constant 0 : i32
        %dma_wait3A_149 = arith.constant 0 : i32
        %dma_wait3A_150 = tpu.memref_slice %arg9[%dma_wait3A_148, %dma_wait3A_149] : memref<10240x128xf32, #tpu.memory_space<vmem_shared>> -> memref<10240x128xf32, #tpu.memory_space<vmem_shared>>
        tpu.wait_indirect_dma semaphore(%run_scoped3A_130 : memref<!tpu.dma_semaphore, #tpu.memory_space<semaphore_mem>>) src(%dma_wait3A_144 : memref<128x128xf32, #tpu.memory_space<vmem>>) dst(%dma_wait3A_150 : memref<10240x128xf32, #tpu.memory_space<vmem_shared>>)
        tpu.yield
      }) : () -> ()
      %eq3A_91 = arith.constant 6 : i32
      %eq3A_92 = arith.cmpi eq, %rem3A_40, %eq3A_91 : i32
      %convert_element_type3A_93 = arith.extui %eq3A_92 : i1 to i32
      %cond3A_94 = arith.constant 0 : i32
      %cond3A_95 = arith.cmpi ne, %convert_element_type3A_93, %cond3A_94 : i32
      scf.if %cond3A_95 {
        %add3A_130 = arith.constant 2 : i32
        %add3A_131 = arith.addi %mul3A_39, %add3A_130 : i32
        %lt3A_132 = arith.cmpi slt, %add3A_131, %select_n3A : i32
        %convert_element_type3A_133 = arith.extui %lt3A_132 : i1 to i32
        %cond3A_134 = arith.constant 0 : i32
        %cond3A_135 = arith.cmpi ne, %convert_element_type3A_133, %cond3A_134 : i32
        scf.if %cond3A_135 {
          %dma_wait3A_136 = arith.constant 0 : i32
          %dma_wait3A_137 = arith.constant 0 : i32
          %dma_wait3A_138 = arith.constant 0 : i32
          %dma_wait3A_139 = tpu.memref_slice %arg6[%dma_wait3A_136, %dma_wait3A_137, %dma_wait3A_138] : memref<2x8x128xi32, #tpu.memory_space<vmem>> -> memref<1x8x128xi32, #tpu.memory_space<vmem>>
          %dma_wait3A_140 = tpu.memref_squeeze %dma_wait3A_139 : memref<1x8x128xi32, #tpu.memory_space<vmem>> -> memref<8x128xi32, #tpu.memory_space<vmem>>
          %dma_wait3A_141 = arith.constant 0 : i32
          %dma_wait3A_142 = arith.constant 0 : i32
          %dma_wait3A_143 = tpu.memref_slice %arg3[%arg0, %arg1, %dma_wait3A_141, %dma_wait3A_142] : memref<2x16x160x128xi32, #tpu.memory_space<hbm>> -> memref<1x1x8x128xi32, #tpu.memory_space<hbm>>
          %dma_wait3A_144 = tpu.memref_squeeze %dma_wait3A_143 : memref<1x1x8x128xi32, #tpu.memory_space<hbm>> -> memref<8x128xi32, #tpu.memory_space<hbm>>
          %dma_wait3A_145 = arith.constant 0 : i32
          %dma_wait3A_146 = arith.constant 0 : i32
          %dma_wait3A_147 = tpu.memref_slice %arg6[%dma_wait3A_136, %dma_wait3A_145, %dma_wait3A_146] : memref<2x8x128xi32, #tpu.memory_space<vmem>> -> memref<1x8x128xi32, #tpu.memory_space<vmem>>
          %dma_wait3A_148 = tpu.memref_squeeze %dma_wait3A_147 : memref<1x8x128xi32, #tpu.memory_space<vmem>> -> memref<8x128xi32, #tpu.memory_space<vmem>>
          %dma_wait3A_149 = arith.constant 0 : i32
          %dma_wait3A_150 = arith.constant 0 : i32
          %dma_wait3A_151 = tpu.memref_slice %arg3[%arg0, %arg1, %dma_wait3A_149, %dma_wait3A_150] : memref<2x16x160x128xi32, #tpu.memory_space<hbm>> -> memref<1x1x8x128xi32, #tpu.memory_space<hbm>>
          %dma_wait3A_152 = tpu.memref_squeeze %dma_wait3A_151 : memref<1x1x8x128xi32, #tpu.memory_space<hbm>> -> memref<8x128xi32, #tpu.memory_space<hbm>>
          tpu.wait_dma2 semaphore(%arg12 : memref<!tpu.dma_semaphore, #tpu.memory_space<semaphore_mem>>) src(%dma_wait3A_152 : memref<8x128xi32, #tpu.memory_space<hbm>>) dst(%dma_wait3A_148 : memref<8x128xi32, #tpu.memory_space<vmem>>)
          %dma_wait3A_153 = arith.constant 0 : i32
          %dma_wait3A_154 = arith.constant 0 : i32
          %dma_wait3A_155 = arith.constant 0 : i32
          %dma_wait3A_156 = tpu.memref_slice %arg7[%dma_wait3A_153, %dma_wait3A_154, %dma_wait3A_155] : memref<2x8x128xi32, #tpu.memory_space<vmem>> -> memref<1x8x128xi32, #tpu.memory_space<vmem>>
          %dma_wait3A_157 = tpu.memref_squeeze %dma_wait3A_156 : memref<1x8x128xi32, #tpu.memory_space<vmem>> -> memref<8x128xi32, #tpu.memory_space<vmem>>
          %dma_wait3A_158 = arith.constant 0 : i32
          %dma_wait3A_159 = arith.constant 0 : i32
          %dma_wait3A_160 = tpu.memref_slice %arg4[%arg0, %arg1, %dma_wait3A_158, %dma_wait3A_159] : memref<2x16x160x128xi32, #tpu.memory_space<hbm>> -> memref<1x1x8x128xi32, #tpu.memory_space<hbm>>
          %dma_wait3A_161 = tpu.memref_squeeze %dma_wait3A_160 : memref<1x1x8x128xi32, #tpu.memory_space<hbm>> -> memref<8x128xi32, #tpu.memory_space<hbm>>
          %dma_wait3A_162 = arith.constant 0 : i32
          %dma_wait3A_163 = arith.constant 0 : i32
          %dma_wait3A_164 = tpu.memref_slice %arg7[%dma_wait3A_153, %dma_wait3A_162, %dma_wait3A_163] : memref<2x8x128xi32, #tpu.memory_space<vmem>> -> memref<1x8x128xi32, #tpu.memory_space<vmem>>
          %dma_wait3A_165 = tpu.memref_squeeze %dma_wait3A_164 : memref<1x8x128xi32, #tpu.memory_space<vmem>> -> memref<8x128xi32, #tpu.memory_space<vmem>>
          %dma_wait3A_166 = arith.constant 0 : i32
          %dma_wait3A_167 = arith.constant 0 : i32
          %dma_wait3A_168 = tpu.memref_slice %arg4[%arg0, %arg1, %dma_wait3A_166, %dma_wait3A_167] : memref<2x16x160x128xi32, #tpu.memory_space<hbm>> -> memref<1x1x8x128xi32, #tpu.memory_space<hbm>>
          %dma_wait3A_169 = tpu.memref_squeeze %dma_wait3A_168 : memref<1x1x8x128xi32, #tpu.memory_space<hbm>> -> memref<8x128xi32, #tpu.memory_space<hbm>>
          tpu.wait_dma2 semaphore(%arg13 : memref<!tpu.dma_semaphore, #tpu.memory_space<semaphore_mem>>) src(%dma_wait3A_169 : memref<8x128xi32, #tpu.memory_space<hbm>>) dst(%dma_wait3A_165 : memref<8x128xi32, #tpu.memory_space<vmem>>)
        } else {
        }
      } else {
      }
      %add3A_96 = arith.constant 2 : i32
      %add3A_97 = arith.addi %mul3A_39, %add3A_96 : i32
      %lt3A_98 = arith.cmpi slt, %add3A_97, %select_n3A : i32
      %convert_element_type3A_99 = arith.extui %lt3A_98 : i1 to i32
      %cond3A_100 = arith.constant 0 : i32
      %cond3A_101 = arith.cmpi ne, %convert_element_type3A_99, %cond3A_100 : i32
      scf.if %cond3A_101 {
        %add3A_130 = arith.constant 2 : i32
        %add3A_131 = arith.addi %mul3A_39, %add3A_130 : i32
        %div3A_132 = arith.constant 8 : i32
        %div3A_133 = arith.divsi %add3A_131, %div3A_132 : i32
        %rem3A_134 = arith.constant 2 : i32
        %rem3A_135 = arith.remsi %div3A_133, %rem3A_134 : i32
        %rem3A_136 = arith.constant 8 : i32
        %rem3A_137 = arith.remsi %add3A_131, %rem3A_136 : i32
        %dma_start3A_138 = arith.constant 0 : i32
        %dma_start3A_139 = arith.constant 0 : i32
        %dma_start3A_140 = arith.constant 0 : i32
        %dma_start3A_141 = tpu.memref_slice %arg8[%dma_start3A_138, %dma_start3A_139, %dma_start3A_140] : memref<2x128x128xf32, #tpu.memory_space<vmem>> -> memref<1x128x128xf32, #tpu.memory_space<vmem>>
        %dma_start3A_142 = tpu.memref_squeeze %dma_start3A_141 : memref<1x128x128xf32, #tpu.memory_space<vmem>> -> memref<128x128xf32, #tpu.memory_space<vmem>>
        %dma_start3A_143 = arith.constant 0 : i32
        %dma_start3A_144 = tpu.memref_slice %arg6[%rem3A_135, %rem3A_137, %dma_start3A_143] : memref<2x8x128xi32, #tpu.memory_space<vmem>> -> memref<1x1x128xi32, #tpu.memory_space<vmem>>
        %dma_start3A_145 = tpu.memref_squeeze %dma_start3A_144 : memref<1x1x128xi32, #tpu.memory_space<vmem>> -> memref<128xi32, #tpu.memory_space<vmem>>
        %dma_start3A_146 = arith.constant 0 : i32
        %dma_start3A_147 = arith.constant 0 : i32
        %dma_start3A_148 = tpu.memref_slice %arg2[%dma_start3A_146, %dma_start3A_147] : memref<10240x128xf32, #tpu.memory_space<hbm>> -> memref<10240x128xf32, #tpu.memory_space<hbm>>
        tpu.enqueue_indirect_dma source(%dma_start3A_148 : memref<10240x128xf32, #tpu.memory_space<hbm>>) target(%dma_start3A_142 : memref<128x128xf32, #tpu.memory_space<vmem>>) offsets(%dma_start3A_145 : memref<128xi32, #tpu.memory_space<vmem>>) semaphore(%arg10 : memref<!tpu.dma_semaphore, #tpu.memory_space<semaphore_mem>>)
      } else {
      }
      %add3A_102 = arith.constant 1 : i32
      %add3A_103 = arith.addi %mul3A_39, %add3A_102 : i32
      %div3A_104 = arith.constant 8 : i32
      %div3A_105 = arith.divsi %add3A_103, %div3A_104 : i32
      %rem3A_106 = arith.constant 2 : i32
      %rem3A_107 = arith.remsi %div3A_105, %rem3A_106 : i32
      %rem3A_108 = arith.constant 8 : i32
      %rem3A_109 = arith.remsi %add3A_103, %rem3A_108 : i32
      %dma_wait3A_110 = arith.constant 1 : i32
      %dma_wait3A_111 = arith.constant 0 : i32
      %dma_wait3A_112 = arith.constant 0 : i32
      %dma_wait3A_113 = tpu.memref_slice %arg8[%dma_wait3A_110, %dma_wait3A_111, %dma_wait3A_112] : memref<2x128x128xf32, #tpu.memory_space<vmem>> -> memref<1x128x128xf32, #tpu.memory_space<vmem>>
      %dma_wait3A_114 = tpu.memref_squeeze %dma_wait3A_113 : memref<1x128x128xf32, #tpu.memory_space<vmem>> -> memref<128x128xf32, #tpu.memory_space<vmem>>
      %dma_wait3A_115 = arith.constant 0 : i32
      %dma_wait3A_116 = tpu.memref_slice %arg6[%rem3A_107, %rem3A_109, %dma_wait3A_115] : memref<2x8x128xi32, #tpu.memory_space<vmem>> -> memref<1x1x128xi32, #tpu.memory_space<vmem>>
      %dma_wait3A_117 = tpu.memref_squeeze %dma_wait3A_116 : memref<1x1x128xi32, #tpu.memory_space<vmem>> -> memref<128xi32, #tpu.memory_space<vmem>>
      %dma_wait3A_118 = arith.constant 0 : i32
      %dma_wait3A_119 = arith.constant 0 : i32
      %dma_wait3A_120 = tpu.memref_slice %arg2[%dma_wait3A_118, %dma_wait3A_119] : memref<10240x128xf32, #tpu.memory_space<hbm>> -> memref<10240x128xf32, #tpu.memory_space<hbm>>
      tpu.wait_indirect_dma semaphore(%arg11 : memref<!tpu.dma_semaphore, #tpu.memory_space<semaphore_mem>>) src(%dma_wait3A_120 : memref<10240x128xf32, #tpu.memory_space<hbm>>) dst(%dma_wait3A_114 : memref<128x128xf32, #tpu.memory_space<vmem>>)
      %add3A_121 = arith.constant 1 : i32
      %add3A_122 = arith.addi %mul3A_39, %add3A_121 : i32
      %div3A_123 = arith.constant 8 : i32
      %div3A_124 = arith.divsi %add3A_122, %div3A_123 : i32
      %rem3A_125 = arith.constant 2 : i32
      %rem3A_126 = arith.remsi %div3A_124, %rem3A_125 : i32
      %rem3A_127 = arith.constant 8 : i32
      %rem3A_128 = arith.remsi %add3A_122, %rem3A_127 : i32
      %run_scoped3A_129 = arith.constant 1 : i32
      "tpu.region"() ({
        %run_scoped3A_130 = tpu.sem_alloc : memref<!tpu.dma_semaphore, #tpu.memory_space<semaphore_mem>>
        %dma_start3A_131 = arith.constant 0 : i32
        %dma_start3A_132 = arith.constant 0 : i32
        %dma_start3A_133 = tpu.memref_slice %arg8[%run_scoped3A_129, %dma_start3A_131, %dma_start3A_132] : memref<2x128x128xf32, #tpu.memory_space<vmem>> -> memref<1x128x128xf32, #tpu.memory_space<vmem>>
        %dma_start3A_134 = tpu.memref_squeeze %dma_start3A_133 : memref<1x128x128xf32, #tpu.memory_space<vmem>> -> memref<128x128xf32, #tpu.memory_space<vmem>>
        %dma_start3A_135 = arith.constant 0 : i32
        %dma_start3A_136 = tpu.memref_slice %arg7[%rem3A_126, %rem3A_128, %dma_start3A_135] : memref<2x8x128xi32, #tpu.memory_space<vmem>> -> memref<1x1x128xi32, #tpu.memory_space<vmem>>
        %dma_start3A_137 = tpu.memref_squeeze %dma_start3A_136 : memref<1x1x128xi32, #tpu.memory_space<vmem>> -> memref<128xi32, #tpu.memory_space<vmem>>
        %dma_start3A_138 = arith.constant 0 : i32
        %dma_start3A_139 = arith.constant 0 : i32
        %dma_start3A_140 = tpu.memref_slice %arg9[%dma_start3A_138, %dma_start3A_139] : memref<10240x128xf32, #tpu.memory_space<vmem_shared>> -> memref<10240x128xf32, #tpu.memory_space<vmem_shared>>
        tpu.enqueue_indirect_dma source(%dma_start3A_134 : memref<128x128xf32, #tpu.memory_space<vmem>>) target(%dma_start3A_140 : memref<10240x128xf32, #tpu.memory_space<vmem_shared>>) offsets(%dma_start3A_137 : memref<128xi32, #tpu.memory_space<vmem>>) semaphore(%run_scoped3A_130 : memref<!tpu.dma_semaphore, #tpu.memory_space<semaphore_mem>>) {add = true}
        %dma_wait3A_141 = arith.constant 0 : i32
        %dma_wait3A_142 = arith.constant 0 : i32
        %dma_wait3A_143 = tpu.memref_slice %arg8[%run_scoped3A_129, %dma_wait3A_141, %dma_wait3A_142] : memref<2x128x128xf32, #tpu.memory_space<vmem>> -> memref<1x128x128xf32, #tpu.memory_space<vmem>>
        %dma_wait3A_144 = tpu.memref_squeeze %dma_wait3A_143 : memref<1x128x128xf32, #tpu.memory_space<vmem>> -> memref<128x128xf32, #tpu.memory_space<vmem>>
        %dma_wait3A_145 = arith.constant 0 : i32
        %dma_wait3A_146 = tpu.memref_slice %arg7[%rem3A_126, %rem3A_128, %dma_wait3A_145] : memref<2x8x128xi32, #tpu.memory_space<vmem>> -> memref<1x1x128xi32, #tpu.memory_space<vmem>>
        %dma_wait3A_147 = tpu.memref_squeeze %dma_wait3A_146 : memref<1x1x128xi32, #tpu.memory_space<vmem>> -> memref<128xi32, #tpu.memory_space<vmem>>
        %dma_wait3A_148 = arith.constant 0 : i32
        %dma_wait3A_149 = arith.constant 0 : i32
        %dma_wait3A_150 = tpu.memref_slice %arg9[%dma_wait3A_148, %dma_wait3A_149] : memref<10240x128xf32, #tpu.memory_space<vmem_shared>> -> memref<10240x128xf32, #tpu.memory_space<vmem_shared>>
        tpu.wait_indirect_dma semaphore(%run_scoped3A_130 : memref<!tpu.dma_semaphore, #tpu.memory_space<semaphore_mem>>) src(%dma_wait3A_144 : memref<128x128xf32, #tpu.memory_space<vmem>>) dst(%dma_wait3A_150 : memref<10240x128xf32, #tpu.memory_space<vmem_shared>>)
        tpu.yield
      }) : () -> ()
    }
    %barrier3A_36 = arith.constant 0 : index
    tpu.barrier barrier_id(%barrier3A_36)
    "tpu.region"() ({
      %run_scoped3A_37 = tpu.sem_alloc : memref<!tpu.dma_semaphore, #tpu.memory_space<semaphore_mem>>
      %dma_start3A = arith.constant 0 : i32
      %dma_start3A_38 = tpu.memref_slice %arg5[%arg0, %mul3A_0, %dma_start3A] : memref<2x10240x128xf32, #tpu.memory_space<hbm>> -> memref<1x640x128xf32, #tpu.memory_space<hbm>>
      %dma_start3A_39 = tpu.memref_squeeze %dma_start3A_38 : memref<1x640x128xf32, #tpu.memory_space<hbm>> -> memref<640x128xf32, #tpu.memory_space<hbm>>
      %dma_start3A_40 = arith.constant 0 : i32
      %dma_start3A_41 = tpu.memref_slice %arg9[%mul3A_0, %dma_start3A_40] : memref<10240x128xf32, #tpu.memory_space<vmem_shared>> -> memref<640x128xf32, #tpu.memory_space<vmem_shared>>
      tpu.enqueue_dma source(%dma_start3A_41 : memref<640x128xf32, #tpu.memory_space<vmem_shared>>) target(%dma_start3A_39 : memref<640x128xf32, #tpu.memory_space<hbm>>) target_semaphore(%run_scoped3A_37 : memref<!tpu.dma_semaphore, #tpu.memory_space<semaphore_mem>>)
      %dma_wait3A = arith.constant 0 : i32
      %dma_wait3A_42 = tpu.memref_slice %arg5[%arg0, %mul3A_0, %dma_wait3A] : memref<2x10240x128xf32, #tpu.memory_space<hbm>> -> memref<1x640x128xf32, #tpu.memory_space<hbm>>
      %dma_wait3A_43 = tpu.memref_squeeze %dma_wait3A_42 : memref<1x640x128xf32, #tpu.memory_space<hbm>> -> memref<640x128xf32, #tpu.memory_space<hbm>>
      %dma_wait3A_44 = arith.constant 0 : i32
      %dma_wait3A_45 = tpu.memref_slice %arg9[%mul3A_0, %dma_wait3A_44] : memref<10240x128xf32, #tpu.memory_space<vmem_shared>> -> memref<640x128xf32, #tpu.memory_space<vmem_shared>>
      tpu.wait_dma2 semaphore(%run_scoped3A_37 : memref<!tpu.dma_semaphore, #tpu.memory_space<semaphore_mem>>) src(%dma_wait3A_45 : memref<640x128xf32, #tpu.memory_space<vmem_shared>>) dst(%dma_wait3A_43 : memref<640x128xf32, #tpu.memory_space<hbm>>)
      tpu.yield
    }) : () -> ()
    return
  }
}

module attributes {stable_mosaic.version = 14 : i64} {
  func.func @_tc_layer_body(%arg0: i32, %arg1: memref<256x128xf32, #tpu.memory_space<vmem>>, %arg2: memref<256x128xf32, #tpu.memory_space<vmem>>, %arg3: memref<256x1xf32, #tpu.memory_space<vmem>>, %arg4: memref<256x1xf32, #tpu.memory_space<vmem>>, %arg5: memref<256x128xf32, #tpu.memory_space<vmem>>, %arg6: memref<1x128xf32, #tpu.memory_space<vmem>>, %arg7: memref<128x128xf32, #tpu.memory_space<vmem>>, %arg8: memref<128x128xf32, #tpu.memory_space<vmem>>, %arg9: memref<256x128xf32, #tpu.memory_space<vmem>>) attributes {dimension_semantics = [#tpu.dimension_semantics<arbitrary>], iteration_bounds = array<i64: 40>, scalar_prefetch = 0 : i64, scratch_operands = 0 : i64, tpu.core_type = #tpu.core_type<tc>, window_params = [{transform_indices = @transform_0, window_bounds = array<i64: 256, 128>}, {transform_indices = @transform_1, window_bounds = array<i64: 256, 128>}, {transform_indices = @transform_2, window_bounds = array<i64: 256, 1>}, {transform_indices = @transform_3, window_bounds = array<i64: 256, 1>}, {transform_indices = @transform_4, window_bounds = array<i64: 256, 128>}, {pipeline_mode = #tpu.pipeline_mode<synchronous>, transform_indices = @transform_5, window_bounds = array<i64: 1, 128>}, {pipeline_mode = #tpu.pipeline_mode<synchronous>, transform_indices = @transform_6, window_bounds = array<i64: 128, 128>}, {pipeline_mode = #tpu.pipeline_mode<synchronous>, transform_indices = @transform_7, window_bounds = array<i64: 128, 128>}, {transform_indices = @transform_8, window_bounds = array<i64: 256, 128>}]} {
    %get3A = arith.constant 0 : index
    %get3A_0 = arith.constant 0 : index
    %get3A_1 = vector.load %arg3[%get3A, %get3A_0] : memref<256x1xf32, #tpu.memory_space<vmem>>, vector<256x1xf32>
    %get3A_2 = arith.constant 0 : index
    %get3A_3 = arith.constant 0 : index
    %get3A_4 = vector.load %arg4[%get3A_2, %get3A_3] : memref<256x1xf32, #tpu.memory_space<vmem>>, vector<256x1xf32>
    %add3A = arith.addf %get3A_1, %get3A_4 : vector<256x1xf32>
    %max3A = arith.constant 1.000000e+00 : f32
    %max3A_5 = vector.broadcast %max3A : f32 to vector<256x1xf32>
    %max3A_6 = arith.maximumf %add3A, %max3A_5 : vector<256x1xf32>
    %div3A = arith.constant 1.000000e+00 : f32
    %div3A_7 = vector.broadcast %div3A : f32 to vector<256x1xf32>
    %div3A_8 = arith.divf %div3A_7, %max3A_6 : vector<256x1xf32>
    %get3A_9 = arith.constant 0 : index
    %get3A_10 = arith.constant 0 : index
    %get3A_11 = vector.load %arg1[%get3A_9, %get3A_10] : memref<256x128xf32, #tpu.memory_space<vmem>>, vector<256x128xf32>
    %get3A_12 = arith.constant 0 : index
    %get3A_13 = arith.constant 0 : index
    %get3A_14 = vector.load %arg2[%get3A_12, %get3A_13] : memref<256x128xf32, #tpu.memory_space<vmem>>, vector<256x128xf32>
    %add3A_15 = arith.addf %get3A_11, %get3A_14 : vector<256x128xf32>
    %mul3A = vector.broadcast %div3A_8 : vector<256x1xf32> to vector<256x128xf32>
    %mul3A_16 = arith.mulf %add3A_15, %mul3A : vector<256x128xf32>
    %get3A_17 = arith.constant 0 : index
    %get3A_18 = arith.constant 0 : index
    %get3A_19 = vector.load %arg7[%get3A_17, %get3A_18] : memref<128x128xf32, #tpu.memory_space<vmem>>, vector<128x128xf32>
    %dot_general3A = arith.constant dense<0.000000e+00> : vector<256x128xf32>
    %dot_general3A_20 = tpu.matmul %mul3A_16, %get3A_19, %dot_general3A {dimension_numbers = #tpu.dot_dimension_numbers<[1], [1], [0], [0], [0, 0, 1, 0], [], []>, precision = #tpu.contract_precision<fp32>, transpose_lhs_hint = false} : vector<256x128xf32>, vector<128x128xf32>, vector<256x128xf32> -> vector<256x128xf32>
    %get3A_21 = arith.constant 0 : index
    %get3A_22 = arith.constant 0 : index
    %get3A_23 = vector.load %arg6[%get3A_21, %get3A_22] : memref<1x128xf32, #tpu.memory_space<vmem>>, vector<1x128xf32>
    %add3A_24 = vector.broadcast %get3A_23 : vector<1x128xf32> to vector<256x128xf32>
    %add3A_25 = arith.addf %dot_general3A_20, %add3A_24 : vector<256x128xf32>
    %get3A_26 = arith.constant 0 : index
    %get3A_27 = arith.constant 0 : index
    %get3A_28 = vector.load %arg5[%get3A_26, %get3A_27] : memref<256x128xf32, #tpu.memory_space<vmem>>, vector<256x128xf32>
    %get3A_29 = arith.constant 0 : index
    %get3A_30 = arith.constant 0 : index
    %get3A_31 = vector.load %arg8[%get3A_29, %get3A_30] : memref<128x128xf32, #tpu.memory_space<vmem>>, vector<128x128xf32>
    %dot_general3A_32 = arith.constant dense<0.000000e+00> : vector<256x128xf32>
    %dot_general3A_33 = tpu.matmul %get3A_28, %get3A_31, %dot_general3A_32 {dimension_numbers = #tpu.dot_dimension_numbers<[1], [1], [0], [0], [0, 0, 1, 0], [], []>, precision = #tpu.contract_precision<fp32>, transpose_lhs_hint = false} : vector<256x128xf32>, vector<128x128xf32>, vector<256x128xf32> -> vector<256x128xf32>
    %add3A_34 = arith.addf %add3A_25, %dot_general3A_33 : vector<256x128xf32>
    %mul3A_35 = arith.constant 5.000000e-01 : f32
    %mul3A_36 = vector.broadcast %mul3A_35 : f32 to vector<256x128xf32>
    %mul3A_37 = arith.mulf %mul3A_36, %add3A_34 : vector<256x128xf32>
    %mul3A_38 = arith.constant 0.707106769 : f32
    %mul3A_39 = vector.broadcast %mul3A_38 : f32 to vector<256x128xf32>
    %mul3A_40 = arith.mulf %add3A_34, %mul3A_39 : vector<256x128xf32>
    %erf3A = math.erf %mul3A_40 : vector<256x128xf32>
    %add3A_41 = arith.constant 1.000000e+00 : f32
    %add3A_42 = vector.broadcast %add3A_41 : f32 to vector<256x128xf32>
    %add3A_43 = arith.addf %add3A_42, %erf3A : vector<256x128xf32>
    %mul3A_44 = arith.mulf %mul3A_37, %add3A_43 : vector<256x128xf32>
    %swap3A = arith.constant 0 : index
    %swap3A_45 = arith.constant 0 : index
    %swap3A_46 = vector.load %arg9[%swap3A, %swap3A_45] : memref<256x128xf32, #tpu.memory_space<vmem>>, vector<256x128xf32>
    tpu.vector_store %arg9[%swap3A, %swap3A_45], %mul3A_44 {strides = array<i32>} : memref<256x128xf32, #tpu.memory_space<vmem>>, vector<256x128xf32>,
    return
  }
  func.func @transform_0(%arg0: i32) -> (i32, i32) {
    %c0_i32 = arith.constant 0 : i32
    %c0_i32_0 = arith.constant 0 : i32
    return %arg0, %c0_i32 : i32, i32
  }
  func.func @transform_1(%arg0: i32) -> (i32, i32) {
    %c0_i32 = arith.constant 0 : i32
    %c0_i32_0 = arith.constant 0 : i32
    return %arg0, %c0_i32 : i32, i32
  }
  func.func @transform_2(%arg0: i32) -> (i32, i32) {
    %c0_i32 = arith.constant 0 : i32
    %c0_i32_0 = arith.constant 0 : i32
    return %arg0, %c0_i32 : i32, i32
  }
  func.func @transform_3(%arg0: i32) -> (i32, i32) {
    %c0_i32 = arith.constant 0 : i32
    %c0_i32_0 = arith.constant 0 : i32
    return %arg0, %c0_i32 : i32, i32
  }
  func.func @transform_4(%arg0: i32) -> (i32, i32) {
    %c0_i32 = arith.constant 0 : i32
    %c0_i32_0 = arith.constant 0 : i32
    return %arg0, %c0_i32 : i32, i32
  }
  func.func @transform_5(%arg0: i32) -> (i32, i32) {
    %c0_i32 = arith.constant 0 : i32
    %c0_i32_0 = arith.constant 0 : i32
    %c0_i32_1 = arith.constant 0 : i32
    return %c0_i32, %c0_i32_0 : i32, i32
  }
  func.func @transform_6(%arg0: i32) -> (i32, i32) {
    %c0_i32 = arith.constant 0 : i32
    %c0_i32_0 = arith.constant 0 : i32
    %c0_i32_1 = arith.constant 0 : i32
    return %c0_i32, %c0_i32_0 : i32, i32
  }
  func.func @transform_7(%arg0: i32) -> (i32, i32) {
    %c0_i32 = arith.constant 0 : i32
    %c0_i32_0 = arith.constant 0 : i32
    %c0_i32_1 = arith.constant 0 : i32
    return %c0_i32, %c0_i32_0 : i32, i32
  }
  func.func @transform_8(%arg0: i32) -> (i32, i32) {
    %c0_i32 = arith.constant 0 : i32
    %c0_i32_0 = arith.constant 0 : i32
    return %arg0, %c0_i32 : i32, i32
  }
}

module attributes {stable_mosaic.version = 14 : i64} {
  func.func @_tc_layer_body(%arg0: i32, %arg1: memref<256x128xf32, #tpu.memory_space<vmem>>, %arg2: memref<256x128xf32, #tpu.memory_space<vmem>>, %arg3: memref<256x1xf32, #tpu.memory_space<vmem>>, %arg4: memref<256x1xf32, #tpu.memory_space<vmem>>, %arg5: memref<256x128xf32, #tpu.memory_space<vmem>>, %arg6: memref<1x128xf32, #tpu.memory_space<vmem>>, %arg7: memref<128x128xf32, #tpu.memory_space<vmem>>, %arg8: memref<128x128xf32, #tpu.memory_space<vmem>>, %arg9: memref<256x128xf32, #tpu.memory_space<vmem>>) attributes {dimension_semantics = [#tpu.dimension_semantics<arbitrary>], iteration_bounds = array<i64: 40>, scalar_prefetch = 0 : i64, scratch_operands = 0 : i64, tpu.core_type = #tpu.core_type<tc>, window_params = [{transform_indices = @transform_0, window_bounds = array<i64: 256, 128>}, {transform_indices = @transform_1, window_bounds = array<i64: 256, 128>}, {transform_indices = @transform_2, window_bounds = array<i64: 256, 1>}, {transform_indices = @transform_3, window_bounds = array<i64: 256, 1>}, {transform_indices = @transform_4, window_bounds = array<i64: 256, 128>}, {pipeline_mode = #tpu.pipeline_mode<synchronous>, transform_indices = @transform_5, window_bounds = array<i64: 1, 128>}, {pipeline_mode = #tpu.pipeline_mode<synchronous>, transform_indices = @transform_6, window_bounds = array<i64: 128, 128>}, {pipeline_mode = #tpu.pipeline_mode<synchronous>, transform_indices = @transform_7, window_bounds = array<i64: 128, 128>}, {transform_indices = @transform_8, window_bounds = array<i64: 256, 128>}]} {
    %get3A = arith.constant 0 : index
    %get3A_0 = arith.constant 0 : index
    %get3A_1 = vector.load %arg3[%get3A, %get3A_0] : memref<256x1xf32, #tpu.memory_space<vmem>>, vector<256x1xf32>
    %get3A_2 = arith.constant 0 : index
    %get3A_3 = arith.constant 0 : index
    %get3A_4 = vector.load %arg4[%get3A_2, %get3A_3] : memref<256x1xf32, #tpu.memory_space<vmem>>, vector<256x1xf32>
    %add3A = arith.addf %get3A_1, %get3A_4 : vector<256x1xf32>
    %max3A = arith.constant 1.000000e+00 : f32
    %max3A_5 = vector.broadcast %max3A : f32 to vector<256x1xf32>
    %max3A_6 = arith.maximumf %add3A, %max3A_5 : vector<256x1xf32>
    %div3A = arith.constant 1.000000e+00 : f32
    %div3A_7 = vector.broadcast %div3A : f32 to vector<256x1xf32>
    %div3A_8 = arith.divf %div3A_7, %max3A_6 : vector<256x1xf32>
    %get3A_9 = arith.constant 0 : index
    %get3A_10 = arith.constant 0 : index
    %get3A_11 = vector.load %arg1[%get3A_9, %get3A_10] : memref<256x128xf32, #tpu.memory_space<vmem>>, vector<256x128xf32>
    %get3A_12 = arith.constant 0 : index
    %get3A_13 = arith.constant 0 : index
    %get3A_14 = vector.load %arg2[%get3A_12, %get3A_13] : memref<256x128xf32, #tpu.memory_space<vmem>>, vector<256x128xf32>
    %add3A_15 = arith.addf %get3A_11, %get3A_14 : vector<256x128xf32>
    %mul3A = vector.broadcast %div3A_8 : vector<256x1xf32> to vector<256x128xf32>
    %mul3A_16 = arith.mulf %add3A_15, %mul3A : vector<256x128xf32>
    %get3A_17 = arith.constant 0 : index
    %get3A_18 = arith.constant 0 : index
    %get3A_19 = vector.load %arg7[%get3A_17, %get3A_18] : memref<128x128xf32, #tpu.memory_space<vmem>>, vector<128x128xf32>
    %dot_general3A = arith.constant dense<0.000000e+00> : vector<256x128xf32>
    %dot_general3A_20 = tpu.matmul %mul3A_16, %get3A_19, %dot_general3A {dimension_numbers = #tpu.dot_dimension_numbers<[1], [1], [0], [0], [0, 0, 1, 0], [], []>, precision = #tpu.contract_precision<fp32>, transpose_lhs_hint = false} : vector<256x128xf32>, vector<128x128xf32>, vector<256x128xf32> -> vector<256x128xf32>
    %get3A_21 = arith.constant 0 : index
    %get3A_22 = arith.constant 0 : index
    %get3A_23 = vector.load %arg6[%get3A_21, %get3A_22] : memref<1x128xf32, #tpu.memory_space<vmem>>, vector<1x128xf32>
    %add3A_24 = vector.broadcast %get3A_23 : vector<1x128xf32> to vector<256x128xf32>
    %add3A_25 = arith.addf %dot_general3A_20, %add3A_24 : vector<256x128xf32>
    %get3A_26 = arith.constant 0 : index
    %get3A_27 = arith.constant 0 : index
    %get3A_28 = vector.load %arg5[%get3A_26, %get3A_27] : memref<256x128xf32, #tpu.memory_space<vmem>>, vector<256x128xf32>
    %get3A_29 = arith.constant 0 : index
    %get3A_30 = arith.constant 0 : index
    %get3A_31 = vector.load %arg8[%get3A_29, %get3A_30] : memref<128x128xf32, #tpu.memory_space<vmem>>, vector<128x128xf32>
    %dot_general3A_32 = arith.constant dense<0.000000e+00> : vector<256x128xf32>
    %dot_general3A_33 = tpu.matmul %get3A_28, %get3A_31, %dot_general3A_32 {dimension_numbers = #tpu.dot_dimension_numbers<[1], [1], [0], [0], [0, 0, 1, 0], [], []>, precision = #tpu.contract_precision<fp32>, transpose_lhs_hint = false} : vector<256x128xf32>, vector<128x128xf32>, vector<256x128xf32> -> vector<256x128xf32>
    %add3A_34 = arith.addf %add3A_25, %dot_general3A_33 : vector<256x128xf32>
    %swap3A = arith.constant 0 : index
    %swap3A_35 = arith.constant 0 : index
    %swap3A_36 = vector.load %arg9[%swap3A, %swap3A_35] : memref<256x128xf32, #tpu.memory_space<vmem>>, vector<256x128xf32>
    tpu.vector_store %arg9[%swap3A, %swap3A_35], %add3A_34 {strides = array<i32>} : memref<256x128xf32, #tpu.memory_space<vmem>>, vector<256x128xf32>,
    return
  }
  func.func @transform_0(%arg0: i32) -> (i32, i32) {
    %c0_i32 = arith.constant 0 : i32
    %c0_i32_0 = arith.constant 0 : i32
    return %arg0, %c0_i32 : i32, i32
  }
  func.func @transform_1(%arg0: i32) -> (i32, i32) {
    %c0_i32 = arith.constant 0 : i32
    %c0_i32_0 = arith.constant 0 : i32
    return %arg0, %c0_i32 : i32, i32
  }
  func.func @transform_2(%arg0: i32) -> (i32, i32) {
    %c0_i32 = arith.constant 0 : i32
    %c0_i32_0 = arith.constant 0 : i32
    return %arg0, %c0_i32 : i32, i32
  }
  func.func @transform_3(%arg0: i32) -> (i32, i32) {
    %c0_i32 = arith.constant 0 : i32
    %c0_i32_0 = arith.constant 0 : i32
    return %arg0, %c0_i32 : i32, i32
  }
  func.func @transform_4(%arg0: i32) -> (i32, i32) {
    %c0_i32 = arith.constant 0 : i32
    %c0_i32_0 = arith.constant 0 : i32
    return %arg0, %c0_i32 : i32, i32
  }
  func.func @transform_5(%arg0: i32) -> (i32, i32) {
    %c0_i32 = arith.constant 0 : i32
    %c0_i32_0 = arith.constant 0 : i32
    %c0_i32_1 = arith.constant 0 : i32
    return %c0_i32, %c0_i32_0 : i32, i32
  }
  func.func @transform_6(%arg0: i32) -> (i32, i32) {
    %c0_i32 = arith.constant 0 : i32
    %c0_i32_0 = arith.constant 0 : i32
    %c0_i32_1 = arith.constant 0 : i32
    return %c0_i32, %c0_i32_0 : i32, i32
  }
  func.func @transform_7(%arg0: i32) -> (i32, i32) {
    %c0_i32 = arith.constant 0 : i32
    %c0_i32_0 = arith.constant 0 : i32
    %c0_i32_1 = arith.constant 0 : i32
    return %c0_i32, %c0_i32_0 : i32, i32
  }
  func.func @transform_8(%arg0: i32) -> (i32, i32) {
    %c0_i32 = arith.constant 0 : i32
    %c0_i32_0 = arith.constant 0 : i32
    return %arg0, %c0_i32 : i32, i32
  }
}

</mosaic_0001>

<sc_bundles>
// kernel: kernel.6.cloned.1.call-start
scs
__scs_entry_jumppad:
0x0: {  	(pc) =	sbr.rel $0x88, $3  }
0x1: {  	(tag) =	ssettag $0x0;
	lr =	simm.s32 $0x1  }
0x2: {  	[smem:$0x3F99] =	sst lr;
	_ =	strace $0xD0000000  }
0x3: {  	_ = 	snop  }
0x4: {  	_ = 	snop  }
0x5: {  	_ = 	snop  }
0x6: {  	_ = 	snop  }
0x7: {  	_ = 	snop  }
__scs_overlays_trampoline_lowered:
0x8: {  	[smem:$0x3FA8] =	sst s0  }
0x9: {  	[smem:$0x3FA9] =	sst s1  }
0xa: {  	[smem:$0x3FAA] =	sst s2  }
0xb: {  	[smem:$0x3FAB] =	sst s3  }
0xc: {  	[smem:$0x3FAC] =	sst s4  }
0xd: {  	[smem:$0x3FAD] =	sst s5  }
0xe: {  	[smem:$0x3FAE] =	sst s6  }
0xf: {  	[smem:$0x3FAF] =	sst s7  }
0x10: {  	[smem:$0x3FB0] =	sst s8  }
0x11: {  	[smem:$0x3FB1] =	sst s9;
	s0 =	simm.s32 @!p0 $0x0  }
0x12: {  	s1 =	sld [smem:$0x3F97];
	s0 =	simm.s32 @p0 $0x1  }
0x13: {  	[smem:$0x3FB2] =	sst s0;
	s0 =	simm.s32 @!p1 $0x0  }
0x14: {  	s2 =	sld [smem:$0x3F96];
	s0 =	simm.s32 @p1 $0x1  }
0x15: {  	[smem:$0x3FB3] =	sst s0;
	s0 =	simm.s32 @!p2 $0x0  }
0x16: {  	s3 =	sld [smem:$0x3FDB];
	s0 =	simm.s32 @p2 $0x1  }
0x17: {  	s4 =	simm.s32 $0x1BF5;
	[smem:$0x3FB5] =	sst s0  }
0x18: {  	s0 =	sld [smem:$0x3F98];
	_ =	swait.ge [sflag:s4], $0x0  }
0x19: {  	s7 =	sld [smem:$0x3F99]  }
0x1a: {  	s8 =	sadd.s32 $0xFFFFE003, lr  }
0x1b: {  	s9 =	sadd.s32 $0xFFFFFEF7, lr;
	s5 =	simm.s32 $0xFFFFFFFF;
	p2 =	slt.u32 s8, $0xFFFFF086  }
0x1c: {  	p1 =	slt.u32 s9, $0xF7A;
	s5 =	simm.s32 @!p2 $0x0  }
0x1d: {  	s5 =	simm.s32 @p1 $0x1;
	p0 =	seq.s32 s7, s2  }
0x1e: {  	s7 =	smul.u32 @!p0 $0xF7A, s2;
	p2 =	seq.s32 @!p0 s5, $0x0  }
0x1f: {  	s9 =	smul.u32 $0xF7A, s1;
	s8 =	simm.s32 @!p0 $0x1BF5;
	p2 =	por !p2, p0  }
0x20: {  	[sflag:s8] =	ssyncset.s32 @!p0 $0xFFFFF086;
	s6 =	sadd.s32 @!p0 s3, s7;
	s7 =	simm.s32 @!p0 $0x108  }
0x21: {  	s3 =	sadd.s32 s3, s9;
	s6 =	sadd.s32 @!p0 $0x88, s6;
	s7 =	simm.s32 @p2 $0x1082  }
0x22: {  	[simem:s7], [sflag:s8] =	dma.local @!p0 [hbm:s6], $0xF7A  }
0x23: {  	s9 =	sor.u32 $0xD0000000, s2;
	s6 =	simm.s32 $0x108;
	_ =	swait.ge @!p0 [sflag:s8], $0x0  }
0x24: {  	s3 =	sadd.s32 $0x88, s3;
	s6 =	simm.s32 @!p1 $0x1082;
	[sflag:s4] =	ssyncset.s32 $0xFFFFF086  }
0x25: {  	[simem:s6], [sflag:s4] =	dma.local [hbm:s3], $0xF7A  }
0x26: {  	[smem:$0x3F99] =	sst s1;
	(tag) =	ssettag s2;
	_ =	strace s9  }
0x27: {  	s1 =	sld [smem:$0x3FA9]  }
0x28: {  	s2 =	sld [smem:$0x3FAA]  }
0x29: {  	s4 =	sld [smem:$0x3FAC]  }
0x2a: {  	p0 =	seq.s32 s5, $0x0;
	s5 =	sld [smem:$0x3FAD]  }
0x2b: {  	s6 =	sld [smem:$0x3FAE]  }
0x2c: {  	s7 =	sld [smem:$0x3FAF]  }
0x2d: {  	s3 =	simm.s32 $0x108;
	s8 =	sld [smem:$0x3FB0]  }
0x2e: {  	s3 =	simm.s32 @!p0 $0x1082;
	s9 =	sld [smem:$0x3FB1]  }
0x2f: {  	lr =	sadd.s32 s0, s3;
	s0 =	sld [smem:$0x3FA8]  }
0x30: {  	s3 =	sld [smem:$0x3FAB]  }
0x31: {  	[smem:$0x3FB4] =	sst s10  }
0x32: {  	s10 =	sld [smem:$0x3FB2];
	_ =	sdelay $0x3  }
0x33: {  	p0 =	seq.s32 s10, $0x1;
	s10 =	sld [smem:$0x3FB4];
	_ =	sdelay $0x3  }
0x34: {  	[smem:$0x3FB4] =	sst s10  }
0x35: {  	s10 =	sld [smem:$0x3FB3];
	_ =	sdelay $0x3  }
0x36: {  	p1 =	seq.s32 s10, $0x1;
	s10 =	sld [smem:$0x3FB4];
	_ =	sdelay $0x3  }
0x37: {  	[smem:$0x3FB4] =	sst s10  }
0x38: {  	s10 =	sld [smem:$0x3FB5]  }
0x39: {  	_ = 	snop;
	(pc) =	sbr.ind lr, $3  }
0x3a: {  	_ = 	snop  }
0x3b: {  	_ = 	snop  }
0x3c: {  	p2 =	seq.s32 s10, $0x1;
	s10 =	sld [smem:$0x3FB4]  }
0x3d: {  	_ =	shalt  }
0x3e: {  	_ =	shalt  }
0x3f: {  	_ =	shalt  }
0x40: {  	_ =	shalt  }
0x41: {  	_ =	shalt  }
0x42: {  	_ =	shalt  }
0x43: {  	_ =	shalt  }
0x44: {  	_ =	shalt  }
0x45: {  	_ =	shalt  }
0x46: {  	_ =	shalt  }
0x47: {  	_ =	shalt  }
0x48: {  	_ =	shalt  }
0x49: {  	_ =	shalt  }
0x4a: {  	_ =	shalt  }
0x4b: {  	_ =	shalt  }
0x4c: {  	_ =	shalt  }
0x4d: {  	_ =	shalt  }
0x4e: {  	_ =	shalt  }
0x4f: {  	_ =	shalt  }
0x50: {  	_ =	shalt  }
0x51: {  	_ =	shalt  }
0x52: {  	_ =	shalt  }
0x53: {  	_ =	shalt  }
0x54: {  	_ =	shalt  }
0x55: {  	_ =	shalt  }
0x56: {  	_ =	shalt  }
0x57: {  	_ =	shalt  }
0x58: {  	_ =	shalt  }
0x59: {  	_ =	shalt  }
0x5a: {  	_ =	shalt  }
0x5b: {  	_ =	shalt  }
0x5c: {  	_ =	shalt  }
0x5d: {  	_ =	shalt  }
0x5e: {  	_ =	shalt  }
0x5f: {  	_ =	shalt  }
0x60: {  	_ =	shalt  }
0x61: {  	_ =	shalt  }
0x62: {  	_ =	shalt  }
0x63: {  	_ =	shalt  }
0x64: {  	_ =	shalt  }
0x65: {  	_ =	shalt  }
0x66: {  	_ =	shalt  }
0x67: {  	_ =	shalt  }
0x68: {  	_ =	shalt  }
0x69: {  	_ =	shalt  }
0x6a: {  	_ =	shalt  }
0x6b: {  	_ =	shalt  }
0x6c: {  	_ =	shalt  }
0x6d: {  	_ =	shalt  }
0x6e: {  	_ =	shalt  }
0x6f: {  	_ =	shalt  }
0x70: {  	_ =	shalt  }
0x71: {  	_ =	shalt  }
0x72: {  	_ =	shalt  }
0x73: {  	_ =	shalt  }
0x74: {  	_ =	shalt  }
0x75: {  	_ =	shalt  }
0x76: {  	_ =	shalt  }
0x77: {  	_ =	shalt  }
0x78: {  	_ =	shalt  }
0x79: {  	_ =	shalt  }
0x7a: {  	_ =	shalt  }
0x7b: {  	_ =	shalt  }
0x7c: {  	_ =	shalt  }
0x7d: {  	_ =	shalt  }
0x7e: {  	_ =	shalt  }
0x7f: {  	_ =	shalt  }
0x80: {  	_ =	shalt  }
0x81: {  	_ =	shalt  }
0x82: {  	_ =	shalt  }
0x83: {  	_ =	shalt  }
0x84: {  	_ =	shalt  }
0x85: {  	_ =	shalt  }
0x86: {  	_ =	shalt  }
0x87: {  	_ =	shalt  }
.Lfunc_end0:
.L_simem_size_0:
called_computation_lowered:
.L_overlay_start_0:
0x88: {  	s2 =	sld [smem:$0x3FD9]  }
0x89: {  	s3 =	sld [smem:$0x3FFE];
	_ =	sdelay $0x1  }
0x8a: {  	s1 =	srdreg.scid  }
0x8b: {  	s0 =	sand.u32 $0x1, s1  }
0x8c: {  	s17 =	sshll.u32 s0, $0xA;
	s2 =	sadd.s32 s3, s2  }
0x8d: {  	s2 =	sadd.s32 s2, s17  }
0x8e: {  	[smem:$0x3FC0] =	sst s2  }
0x8f: {  	_ = 	snop  }
0x90: {  	s2 =	sld [smem:$0x3FD0];
	(tm) =	ssettm $0x1  }
0x91: {  	s18 =	sld [smem:$0x3FFB];
	_ =	sdelay $0x3  }
0x92: {  	_ =	strace s18  }
0x93: {  	s3 =	sld [smem:$0x3FFC];
	_ =	sdelay $0x3  }
0x94: {  	_ =	strace s3  }
0x95: {  	s3 =	sld [smem:$0x3FFD];
	_ =	sdelay $0x3  }
0x96: {  	_ =	strace s3  }
0x97: {  	_ =	strace $0x8FFFFFFF  }
0x98: {  	s19 =	sld [smem:$0x3FDB];
	_ =	sdelay $0x1  }
0x99: {  	s4 =	simm.s32 $_scs_section_size  }
0x9a: {  	s5 =	simm.s32 $_size__tile_overlayer_lowered;
	s6 =	simm.s32 $_tile_overlayer_lowered  }
0x9b: {  	s22 =	simm.s32 $0x1BFF;
	s21 =	sshll.u32 s6, $0x1;
	s3 =	sadd.s32 s4, s19  }
0x9c: {  	s7 =	simm.s32 $0x0;
	s20 =	sshll.u32 s5, $0x1;
	s5 =	sadd.s32 s21, s3  }
0x9d: {  	[timem:s7], [sflag:s22] =	dma.local [hbm:s5], s20  }
0x9e: {  	_ =	swait.ge [sflag:s22], s20  }
0x9f: {  	s4 =	ssub.s32 $0x0, s20;
	[sflag:s22] =	ssyncset.done $0x0  }
0xa0: {  	[sflag:s22] =	ssyncadd.s32 s4;
	_ =	sdelay $0x1  }
0xa1: {  	s23 =	simm.s32 $0x1B8B  }
0xa2: {  	_ =	swait.ge [sflag:s23], $0x1  }
0xa3: {  	[sflag:s23] =	ssyncset.done $0x0  }
0xa4: {  	s25 =	simm.s32 $0x1B8E;
	s24 =	sld [smem:$0x3FFE];
	[sflag:s23] =	ssyncadd.s32 $0xFFFFFFFF  }
0xa5: {  	s26 =	simm.s32 $execute0_lowered;
	[smem:$0x3FD2] =	sst s25  }
0xa6: {  	s5 =	sshll.u32 s26, $0x1;
	_ =	strace $0x80000046;
	[dreg:$0x1] =	wrdreg $0xFFFFFFFF  }
0xa7: {  	s28 =	simm.s32 $_size_execute0_lowered;
	s3 =	sadd.s32 s3, s5;
	[dreg:$0x0] =	wrdreg $0x0  }
0xa8: {  	s5 =	sshll.u32 s28, $0x1;
	[dreg:$0x2] =	wrdreg s3  }
0xa9: {  	[dreg:$0x3] =	wrdreg s5  }
0xaa: {  	[dreg:$0x4] =	wrdreg $0xC0  }
0xab: {  	_ =	task [dreg:s7], $0x5FFFF  }
0xac: {  	[dreg:$0x1] =	wrdreg $0xFFFFFFFF  }
0xad: {  	[dreg:$0x0] =	wrdreg $0x60  }
0xae: {  	[dreg:$0x2] =	wrdreg s24  }
0xaf: {  	[dreg:$0x3] =	wrdreg s2  }
0xb0: {  	[dreg:$0x4] =	wrdreg $0x90000  }
0xb1: {  	[dreg:$0x5] =	wrdreg $0x1D3000  }
0xb2: {  	[dreg:$0x6] =	wrdreg $0x9  }
0xb3: {  	_ =	task.clear_ibuf [dreg:s7], $0x7FFFF;
	_ =	strace $0x90000046  }
0xb4: {  	s29 =	simm.s32 $0x9;
	_ =	strace $0x80000048  }
0xb5: {  	_ =	swait.ge [sflag:s29], $0x1  }
0xb6: {  	[sflag:s29] =	ssyncadd.s32 $0xFFFFFFFF  }
0xb7: {  	_ =	strace $0x90000048  }
0xb8: {  	_ =	sfence  }
0xb9: {  	s30 =	sld [smem:$0x0];
	_ =	sdelay $0x2  }
0xba: {  	s31 =	sshll.u32 s1, $0xD;
	s1 =	sshrl.u32 s1, $0x2  }
0xbb: {  	s3 =	sand.u32 $0x4000, s31;
	s1 =	sadd.s32 s1, s30  }
0xbc: {  	s0 =	sor.u32 s3, s0;
	s1 =	sshll.u32 s1, $0x11  }
0xbd: {  	s0 =	sor.u32 s1, s0  }
0xbe: {  	s0 =	sadd.s32 $0x8F2B, s0  }
0xbf: {  	[sflag:s0] =	ssyncadd.remote.s32 $0x1  }
0xc0: {  	_ =	sfence.sel $0xFFFF  }
0xc1: {  	[dreg:$0x0] =	wrdreg $0xFFFFFFFF;
	(pc) =	sbr.abs _section_cstart, $3  }
0xc2: {  	[dreg:$0x1] =	wrdreg $0xFFFFFFFF  }
0xc3: {  	_ =	task.clear_ibuf [dreg:s7], $0x2FFFF;
	_ =	strace $0x9FFFFFFF  }
0xc4: {  	(tm) =	ssettm $0x7FFFFFFF  }
0xc5: {  	_ =	shalt  }
tec
execute0_lowered:
.L_overlay_start_1:
0x0: {  	(tag) =	ssettag $0x1  }
0x1: {  	s0 =	rddreg [dreg:$0x0]  }
0x2: {  	s1 =	rddreg [dreg:$0x1]  }
0x3: {  	s2 =	rddreg [dreg:$0x2]  }
0x4: {  	s3 =	rddreg [dreg:$0x3];
	s18 =	stileid.u32  }
0x5: {  	s4 =	srdreg.scid;
	s9 =	smul.u32 $0x14000, s18  }
0x6: {  	s5 =	simm.s32 $0x0;
	s28 =	simm.s32 $0x80;
	s20 =	smul.u32 $0x500, s18  }
0x7: {  	s29 =	simm.s32 $0x5000;
	s30 =	simm.s32 $0x1D000;
	s11 =	smul.u32 $0x50000, s18  }
0x8: {  	s31 =	simm.s32 $0x2;
	s12 =	sand.u32 $0x1, s4;
	s16 =	smul.u32 $0xA00, s18  }
0x9: {  	[smem:$0x7FF] =	sst s5;
	s6 =	sadd.s32 $0x16200, s0;
	s18 =	smul.u32 $0x5000, s18  }
0xa: {  	s7 =	sadd.s32 $0x2200, s0;
	s8 =	smul.u32 $0x140000, s12;
	_ =	strace $0x80000047  }
0xb: {  	s10 =	sshll.u32 s12, $0x7;
	s22 =	ssub.s32 $0x2, s12;
	p0 =	seq.s32 s12, $0x1  }
0xc: {  	s12 =	simm.s32 $0x0;
	s21 =	sor.u32 s10, s20;
	s23 =	sshrl.u32 s22, $0x1  }
0xd: {  	s11 =	sshrl.u32 s11, $0x2;
	s14 =	sshrl.u32 s16, $0x2;
	s12 =	simm.s32 @!p0 $0xA0  }
0xe: {  	s25 =	sadd.s32 s1, s16;
	s26 =	sadd.s32 s7, s16;
	[dreg:$0x6] =	wrdreg s18  }
0xf: {  	s8 =	sadd.s32 s9, s8;
	s19 =	ssub.s32 s22, s23;
	s14 =	sadd.s32 s14, s3  }
0x10: {  	s15 =	sshrl.u32 s12, $0x3;
	[dreg:$0x9] =	wrdreg s25;
	s20 =	sshrl.u32 s12, $0x1  }
0x11: {  	[dreg:$0xa] =	wrdreg s26;
	s23 =	simm.s32 $0x1;
	s8 =	sshrl.u32 s8, $0x3  }
0x12: {  	[dreg:$0x5] =	wrdreg s15;
	s20 =	smax.u32 s20, $0x1;
	s19 =	smax.u32 s19, $0x1  }
.Ltmp0:
0x13: {  	s17 =	sadd.s32 s8, s0;
	s8 =	sshrl.u32 s21, $0x3;
	(pc) =	sbr.rel .LBB2_1-.Ltmp0, $4  }
0x14: {  	[dreg:$0x7] =	wrdreg s20;
	s20 =	simm.s32 $0x1000;
	s21 =	simm.s32 $0x5  }
0x15: {  	s0 =	sadd.s32 s8, s0;
	s8 =	sadd.s32 s11, s2;
	s17 =	sadd.s32 $0x3E200, s17  }
0x16: {  	s24 =	sadd.s32 $0x4000, s8;
	s10 =	sadd.s32 $0x8000, s8;
	s11 =	sadd.s32 $0xC000, s8  }
0x17: {  	v0 =	vimm.f32 $0.0e+00;
	v1 =	vimm.f32 $1.000000000e+00;
	s13 =	sadd.s32 $0x10000, s8;
	s18 =	sadd.s32 $0x8E200, s0;
	[dreg:$0x8] =	wrdreg s24  }
.LBB2_6:
0x18: {  	s0 =	stileid.u32  }
0x19: {  	s0 =	sshll.u32 s0, $0x6  }
0x1a: {  	[bflag:$0x0] =	sbarrier.arrive $0xFFFF;
	s4 =	sshrl.u32 s8, $0x3;
	s0 =	sor.u32 $0x1C05, s0  }
0x1b: {  	[hbm:s17], [sflag:s0] =	dma.local [spmem:s4], $0x2800  }
0x1c: {  	s26 =	sshrl.u32 s14, $0x3;
	s5 =	sadd.s32 $0x1, s5;
	_ =	swait.ge [sflag:s21], $0x2800  }
0x1d: {  	s9 =	simm.s32 $0x20;
	p1 =	sne.s32 s5, s19;
	[sflag:s21] =	ssyncset.done $0x0  }
.Ltmp1:
0x1e: {  	s15 =	simm.s32 $0x10;
	[sflag:s21] =	ssyncadd.s32 $0xFFFFD800;
	(pc) =	sbr.rel @!p1 .LBB2_7-.Ltmp1, $4  }
0x1f: {  	[hbm:s18@s9], [sflag:s0] =	dma.strided [spmem:s26@s15], $0x50, s23, $0x10   }
0x20: {  	_ =	swait.ge [sflag:s21], $0x50  }
0x21: {  	[sflag:s21] =	ssyncset.done $0x0  }
0x22: {  	[sflag:s21] =	ssyncadd.s32 $0xFFFFFFB0  }
.LBB2_1:
0x23: {  	s0 =	simm.s32 $0x0;
	s26 =	simm.s32 $0x200  }
.LBB2_2:
0x24: {  	p1 =	sne.s32 s26, $0xFE00;
	[tilespmem:s0+$0x1070] =	vst v0  }
0x25: {  	[tilespmem:s0+$0x1000] =	vst v0  }
0x26: {  	[tilespmem:s0+$0x1010] =	vst v0  }
.Ltmp2:
0x27: {  	[tilespmem:s0+$0x1020] =	vst v0;
	(pc) =	sbr.rel @p1 .LBB2_2-.Ltmp2, $4  }
0x28: {  	[tilespmem:s0+$0x1030] =	vst v0  }
0x29: {  	[tilespmem:s0+$0x1040] =	vst v0  }
0x2a: {  	[tilespmem:s0+$0x1050] =	vst v0  }
0x2b: {  	[tilespmem:s0+$0x1060] =	vst v0;
	s0 =	sshra.s32 s26, $0x2;
	s26 =	sadd.s32 $0x200, s26  }
0x2c: {  	[tilespmem:s0+$0x1070] =	vst v0  }
0x2d: {  	[tilespmem:s0+$0x1000] =	vst v0  }
0x2e: {  	[tilespmem:s0+$0x1010] =	vst v0  }
0x2f: {  	[tilespmem:s0+$0x1020] =	vst v0  }
0x30: {  	[tilespmem:s0+$0x1030] =	vst v0  }
0x31: {  	[tilespmem:s0+$0x1040] =	vst v0  }
0x32: {  	[tilespmem:s0+$0x1050] =	vst v0  }
0x33: {  	[tilespmem:s0+$0x1060] =	vst v0  }
0x34: {  	[spmem:s8] =	stream.linear.scatter [tilespmem:s20], [sflag:$0x5], $0x4000, $0x38;
	[tilespmem:$0x1D580] =	vst v63  }
0x35: {  	_ =	swait.ge [sflag:s21], $0x4000  }
0x36: {  	[sflag:s21] =	ssyncset.done $0x0  }
0x37: {  	s25 =	rddreg [dreg:$0x8];
	[sflag:s21] =	ssyncadd.s32 $0xFFFFC000  }
0x38: {  	[spmem:s25] =	stream.linear.scatter [tilespmem:s20], [sflag:$0x5], $0x4000, $0x38;
	[tilespmem:$0x1D580] =	vst v63  }
0x39: {  	_ =	swait.ge [sflag:s21], $0x4000  }
0x3a: {  	[sflag:s21] =	ssyncset.done $0x0  }
0x3b: {  	[sflag:s21] =	ssyncadd.s32 $0xFFFFC000  }
0x3c: {  	[spmem:s10] =	stream.linear.scatter [tilespmem:s20], [sflag:$0x5], $0x4000, $0x38;
	[tilespmem:$0x1D580] =	vst v63  }
0x3d: {  	_ =	swait.ge [sflag:s21], $0x4000  }
0x3e: {  	[sflag:s21] =	ssyncset.done $0x0  }
0x3f: {  	[sflag:s21] =	ssyncadd.s32 $0xFFFFC000  }
0x40: {  	[spmem:s11] =	stream.linear.scatter [tilespmem:s20], [sflag:$0x5], $0x4000, $0x38;
	[tilespmem:$0x1D580] =	vst v63  }
0x41: {  	_ =	swait.ge [sflag:s21], $0x4000  }
0x42: {  	[sflag:s21] =	ssyncset.done $0x0  }
0x43: {  	[sflag:s21] =	ssyncadd.s32 $0xFFFFC000  }
0x44: {  	[spmem:s13] =	stream.linear.scatter [tilespmem:s20], [sflag:$0x5], $0x4000, $0x38;
	[tilespmem:$0x1D580] =	vst v63  }
0x45: {  	_ =	swait.ge [sflag:s21], $0x4000  }
0x46: {  	[sflag:s21] =	ssyncset.done $0x0  }
0x47: {  	[sflag:s21] =	ssyncadd.s32 $0xFFFFC000  }
0x48: {  	[tilespmem:$0x1D000] =	vst v1  }
0x49: {  	[tilespmem:$0x1D010] =	vst v1  }
0x4a: {  	[tilespmem:$0x1D020] =	vst v1  }
0x4b: {  	[tilespmem:$0x1D030] =	vst v1  }
0x4c: {  	[tilespmem:$0x1D040] =	vst v1  }
0x4d: {  	[tilespmem:$0x1D050] =	vst v1  }
0x4e: {  	[tilespmem:$0x1D060] =	vst v1  }
0x4f: {  	[tilespmem:$0x1D070] =	vst v1  }
0x50: {  	[tilespmem:$0x1D080] =	vst v0  }
0x51: {  	[tilespmem:$0x1D090] =	vst v0  }
0x52: {  	[tilespmem:$0x1D0A0] =	vst v0  }
0x53: {  	[tilespmem:$0x1D0B0] =	vst v0  }
0x54: {  	[tilespmem:$0x1D0C0] =	vst v0  }
0x55: {  	[tilespmem:$0x1D0D0] =	vst v0  }
0x56: {  	[tilespmem:$0x1D0E0] =	vst v0  }
0x57: {  	[tilespmem:$0x1D0F0] =	vst v0  }
0x58: {  	[tilespmem:$0x1D100] =	vst v0  }
0x59: {  	[tilespmem:$0x1D110] =	vst v0  }
0x5a: {  	[tilespmem:$0x1D120] =	vst v0  }
0x5b: {  	[tilespmem:$0x1D130] =	vst v0  }
0x5c: {  	[tilespmem:$0x1D140] =	vst v0  }
0x5d: {  	[tilespmem:$0x1D150] =	vst v0  }
0x5e: {  	[tilespmem:$0x1D160] =	vst v0  }
0x5f: {  	[tilespmem:$0x1D170] =	vst v0  }
0x60: {  	[tilespmem:$0x1D180] =	vst v0  }
0x61: {  	[tilespmem:$0x1D190] =	vst v0  }
0x62: {  	[tilespmem:$0x1D1A0] =	vst v0  }
0x63: {  	[tilespmem:$0x1D1B0] =	vst v0  }
0x64: {  	[tilespmem:$0x1D1C0] =	vst v0  }
0x65: {  	[tilespmem:$0x1D1D0] =	vst v0  }
0x66: {  	[tilespmem:$0x1D1E0] =	vst v0  }
0x67: {  	[tilespmem:$0x1D1F0] =	vst v0  }
0x68: {  	[tilespmem:$0x1D200] =	vst v0  }
0x69: {  	[tilespmem:$0x1D210] =	vst v0  }
0x6a: {  	[tilespmem:$0x1D220] =	vst v0  }
0x6b: {  	[tilespmem:$0x1D230] =	vst v0  }
0x6c: {  	[tilespmem:$0x1D240] =	vst v0  }
0x6d: {  	[tilespmem:$0x1D250] =	vst v0  }
0x6e: {  	[tilespmem:$0x1D260] =	vst v0  }
0x6f: {  	[tilespmem:$0x1D270] =	vst v0  }
0x70: {  	[tilespmem:$0x1D280] =	vst v0  }
0x71: {  	[tilespmem:$0x1D290] =	vst v0  }
0x72: {  	[tilespmem:$0x1D2A0] =	vst v0  }
0x73: {  	[tilespmem:$0x1D2B0] =	vst v0  }
0x74: {  	[tilespmem:$0x1D2C0] =	vst v0  }
0x75: {  	[tilespmem:$0x1D2D0] =	vst v0  }
0x76: {  	[tilespmem:$0x1D2E0] =	vst v0  }
0x77: {  	s26 =	simm.s32 $0x1D080;
	[tilespmem:$0x1D2F0] =	vst v0  }
0x78: {  	[spmem:s14] =	stream.linear.scatter [tilespmem:s26], [sflag:$0x5], $0x280, $0x38;
	[tilespmem:$0x1D580] =	vst v63  }
.Ltmp3:
0x79: {  	_ =	swait.ge [sflag:s21], $0x280;
	(pc) =	sbr.rel @p0 .LBB2_6-.Ltmp3, $3  }
0x7a: {  	[sflag:s21] =	ssyncset.done $0x0  }
0x7b: {  	[sflag:s21] =	ssyncadd.s32 $0xFFFFFD80  }
0x7c: {  	[bflag:$0x0] =	sbarrier.arrive $0xFFFF;
	_ =	sdelay $0x1  }
0x7d: {  	s0 =	simm.s32 $0x0;
	s4 =	rddreg [dreg:$0x9]  }
0x7e: {  	[tilespmem:s0], [sflag:$0x5] =	stream.linear.gather [hbm4b:s4+s0], $0x400, $0x38;
	[tilespmem:$0x1D580] =	vst v63  }
0x7f: {  	_ =	swait.ge [sflag:s21], $0x400  }
0x80: {  	[sflag:s21] =	ssyncset.done $0x0  }
0x81: {  	s9 =	simm.s32 $0x800;
	s26 =	rddreg [dreg:$0xa];
	[sflag:s21] =	ssyncadd.s32 $0xFFFFFC00  }
0x82: {  	[tilespmem:s9], [sflag:$0x5] =	stream.linear.gather [hbm4b:s26+s0], $0x400, $0x38;
	[tilespmem:$0x1D580] =	vst v63  }
0x83: {  	_ =	swait.ge [sflag:s21], $0x400  }
0x84: {  	[sflag:s21] =	ssyncset.done $0x0  }
0x85: {  	[sflag:s21] =	ssyncadd.s32 $0xFFFFFC00  }
0x86: {  	[tilespmem:s20], [sflag:$0x1] =	stream.indirect.gather [hbm4b:s6+s28], $0x80, s0, s28, $0xb8;
	[tilespmem:$0x1D580] =	vst v63  }
.LBB2_5:
0x87: {  	s26 =	sshrl.u32 s0, $0x2  }
0x88: {  	s4 =	sshll.u32 s0, $0x8;
	s16 =	sshll.u32 s0, $0x1;
	s24 =	rddreg [dreg:$0x5]  }
0x89: {  	s15 =	sand.u32 $0x1, s26;
	s4 =	sand.u32 $0x300, s4;
	s22 =	sand.u32 $0x6, s16  }
0x8a: {  	s26 =	sadd.s32 $0x1, s26;
	s15 =	sshll.u32 s15, $0xA;
	p1 =	sne.s32 s22, $0x0  }
0x8b: {  	s4 =	sor.u32 s15, s4;
	p2 =	sge.u32 @!p1 s26, s24  }
0x8c: {  	s4 =	sor.u32 $0x80, s4;
	p1 =	por p2, p1  }
0x8d: {  	[tilespmem:s29], [sflag:$0x2] =	stream.indirect.gather [hbm4b:s6+s28], $0x80, s4, s28, $0xb8;
	[tilespmem:$0x1D580] =	vst v63  }
0x8e: {  	s24 =	rddreg [dreg:$0x6];
	s26 =	sshll.u32 @!p1 s26, $0xA  }
0x8f: {  	s24 =	sadd.s32 @!p1 s26, s24  }
0x90: {  	s24 =	sshrl.u32 @!p1 s24, $0x3  }
0x91: {  	s9 =	simm.s32 @!p1 $0x0;
	s26 =	sand.u32 @!p1 $0x400, s26;
	s25 =	sadd.s32 @!p1 s1, s24  }
0x92: {  	[tilespmem:s26], [sflag:$0x3] =	stream.linear.gather @!p1 [hbm4b:s25+s9], $0x400, $0x38;
	[tilespmem:$0x1D580] =	vst v63  }
0x93: {  	s24 =	sadd.s32 @!p1 s7, s24;
	s25 =	sor.u32 @!p1 $0x800, s26  }
0x94: {  	[tilespmem:s25], [sflag:$0x4] =	stream.linear.gather @!p1 [hbm4b:s24+s9], $0x400, $0x38;
	[tilespmem:$0x1D580] =	vst v63  }
0x95: {  	s25 =	sshll.u32 s22, $0x7  }
0x96: {  	s9 =	sor.u32 s25, s15  }
0x97: {  	s9 =	sor.u32 $0x800, s9  }
0x98: {  	[spmem:s3] =	stream.indirect.scatter.add.f32 [tilespmem:s30], [sflag:$0x5], $0x1, s9, s28, $0xb8;
	[tilespmem:$0x1D580] =	vst v63  }
0x99: {  	_ =	swait.ge [sflag:s21], $0x80  }
0x9a: {  	[sflag:s21] =	ssyncset.done $0x0  }
0x9b: {  	s4 =	sor.u32 $0x800, s4;
	[sflag:s21] =	ssyncadd.s32 $0xFFFFFF80  }
0x9c: {  	[spmem:s3] =	stream.indirect.scatter.add.f32 [tilespmem:s30], [sflag:$0x5], $0x1, s4, s28, $0xb8;
	[tilespmem:$0x1D580] =	vst v63  }
0x9d: {  	_ =	swait.ge [sflag:s21], $0x80  }
0x9e: {  	[sflag:s21] =	ssyncset.done $0x0  }
0x9f: {  	[sflag:s21] =	ssyncadd.s32 $0xFFFFFF80  }
0xa0: {  	_ =	swait.ge [sflag:s23], $0x4000  }
0xa1: {  	[sflag:s23] =	ssyncset.done $0x0  }
0xa2: {  	[sflag:s23] =	ssyncadd.s32 $0xFFFFC000  }
0xa3: {  	[spmem:s2] =	stream.indirect.scatter.add.f32 [tilespmem:s20], [sflag:$0x5], $0x80, s9, s28, $0xb8;
	[tilespmem:$0x1D580] =	vst v63  }
0xa4: {  	p1 =	sne.s32 s22, $0x6;
	s9 =	sadd.s32 $0x2, s16  }
0xa5: {  	_ =	swait.ge [sflag:s21], $0x4000;
	p2 =	sge.u32 @!p1 s9, s12  }
0xa6: {  	[sflag:s21] =	ssyncset.done $0x0;
	p1 =	por p2, p1  }
0xa7: {  	[sflag:s21] =	ssyncadd.s32 $0xFFFFC000;
	s15 =	simm.s32 @!p1 $0x3  }
0xa8: {  	_ =	swait.ge @!p1 [sflag:s15], $0x400  }
0xa9: {  	[sflag:s15] =	ssyncset.done @!p1 $0x0  }
0xaa: {  	[sflag:s15] =	ssyncadd.s32 @!p1 $0xFFFFFC00;
	s15 =	simm.s32 @!p1 $0x4  }
0xab: {  	p2 =	sge.u32 s9, s12;
	_ =	swait.ge @!p1 [sflag:s15], $0x400  }
0xac: {  	s9 =	sshll.u32 @!p2 s9, $0x7;
	s16 =	simm.s32 @!p2 $0x1000;
	[sflag:s15] =	ssyncset.done @!p1 $0x0  }
0xad: {  	s9 =	sand.u32 @!p2 $0x700, s9;
	[sflag:s15] =	ssyncadd.s32 @!p1 $0xFFFFFC00;
	s15 =	simm.s32 @!p2 $0x80  }
0xae: {  	[tilespmem:s16], [sflag:$0x1] =	stream.indirect.gather @!p2 [hbm4b:s6+s15], $0x80, s9, s15, $0xb8;
	[tilespmem:$0x1D580] =	vst v63  }
0xaf: {  	_ =	swait.ge [sflag:s31], $0x4000  }
0xb0: {  	[sflag:s31] =	ssyncset.done $0x0  }
0xb1: {  	[sflag:s31] =	ssyncadd.s32 $0xFFFFC000  }
0xb2: {  	[spmem:s2] =	stream.indirect.scatter.add.f32 [tilespmem:s29], [sflag:$0x5], $0x80, s4, s28, $0xb8;
	[tilespmem:$0x1D580] =	vst v63  }
0xb3: {  	_ =	swait.ge [sflag:s21], $0x4000  }
0xb4: {  	s0 =	sadd.s32 $0x1, s0;
	s26 =	rddreg [dreg:$0x7]  }
0xb5: {  	p1 =	sne.s32 s0, s26  }
.Ltmp4:
0xb6: {  	_ = 	snop;
	(pc) =	sbr.rel @p1 .LBB2_5-.Ltmp4, $3  }
0xb7: {  	_ =	sdelay $0x1  }
0xb8: {  	[sflag:s21] =	ssyncset.done $0x0  }
0xb9: {  	[sflag:s21] =	ssyncadd.s32 $0xFFFFC000  }
.Ltmp5:
0xba: {  	_ = 	snop;
	(pc) =	sbr.rel .LBB2_6-.Ltmp5, $1  }
0xbb: {  	_ =	sdelay $0x3  }
.LBB2_7:
0xbc: {  	_ =	sfence.sel $0x180000  }
0xbd: {  	[bflag:$0x0] =	sbarrier.arrive $0xFFFF  }
0xbe: {  	_ =	strace $0x90000047  }
0xbf: {  	s0 =	stileid.u32;
	[bflag:$0x2] =	sbarrier.arrive $0xFFFF  }
0xc0: {  	p0 =	sne.s32 s0, $0x0;
	s0 =	rddreg [dreg:$0x4]  }
0xc1: {  	s0 =	sadd.s32 @!p0 $0x100000, s0  }
0xc2: {  	[sflag:s0] =	ssyncadd.tile.s32 @!p0 $0x1;
	_ =	shalt  }
.Lfunc_end2:
_tile_overlayer_lowered:
.L_overlay_start_2:
0xc3: {  	(tag) =	ssettag $0x2  }
0xc4: {  	s0 =	rddreg [dreg:$0x0];
	s2 =	stileid.u32  }
0xc5: {  	s1 =	rddreg [dreg:$0x1];
	p0 =	sne.s32 s2, $0x0  }
0xc6: {  	s3 =	rddreg [dreg:$0x2];
	[bflag:$0x3] =	sbarrier.arrive $0xFFFF;
	s2 =	simm.s32 @!p0 $0x1C05  }
0xc7: {  	[timem:s3], [sflag:s2] =	dma.local @!p0 [hbm:s0], s1  }
0xc8: {  	s0 =	simm.s32 @!p0 $0x5  }
0xc9: {  	_ =	swait.ge @!p0 [sflag:s0], s1  }
0xca: {  	s1 =	ssub.s32 @!p0 $0x0, s1;
	[sflag:s0] =	ssyncset.done @!p0 $0x0  }
0xcb: {  	[sflag:s0] =	ssyncadd.s32 @!p0 s1  }
0xcc: {  	[bflag:$0x3] =	sbarrier.arrive $0xFFFF  }
0xcd: {  	_ =	shalt  }

// kernel: kernel.9.cloned.1.call-start
scs
__scs_entry_jumppad:
0x0: {  	(pc) =	sbr.rel $0x88, $3  }
0x1: {  	(tag) =	ssettag $0x0;
	lr =	simm.s32 $0x1  }
0x2: {  	[smem:$0x3F99] =	sst lr;
	_ =	strace $0xD0000000  }
0x3: {  	_ = 	snop  }
0x4: {  	_ = 	snop  }
0x5: {  	_ = 	snop  }
0x6: {  	_ = 	snop  }
0x7: {  	_ = 	snop  }
__scs_overlays_trampoline_lowered:
0x8: {  	[smem:$0x3FA8] =	sst s0  }
0x9: {  	[smem:$0x3FA9] =	sst s1  }
0xa: {  	[smem:$0x3FAA] =	sst s2  }
0xb: {  	[smem:$0x3FAB] =	sst s3  }
0xc: {  	[smem:$0x3FAC] =	sst s4  }
0xd: {  	[smem:$0x3FAD] =	sst s5  }
0xe: {  	[smem:$0x3FAE] =	sst s6  }
0xf: {  	[smem:$0x3FAF] =	sst s7  }
0x10: {  	[smem:$0x3FB0] =	sst s8  }
0x11: {  	[smem:$0x3FB1] =	sst s9;
	s0 =	simm.s32 @!p0 $0x0  }
0x12: {  	s1 =	sld [smem:$0x3F97];
	s0 =	simm.s32 @p0 $0x1  }
0x13: {  	[smem:$0x3FB2] =	sst s0;
	s0 =	simm.s32 @!p1 $0x0  }
0x14: {  	s2 =	sld [smem:$0x3F96];
	s0 =	simm.s32 @p1 $0x1  }
0x15: {  	[smem:$0x3FB3] =	sst s0;
	s0 =	simm.s32 @!p2 $0x0  }
0x16: {  	s3 =	sld [smem:$0x3FDB];
	s0 =	simm.s32 @p2 $0x1  }
0x17: {  	s4 =	simm.s32 $0x1BF5;
	[smem:$0x3FB5] =	sst s0  }
0x18: {  	s0 =	sld [smem:$0x3F98];
	_ =	swait.ge [sflag:s4], $0x0  }
0x19: {  	s7 =	sld [smem:$0x3F99]  }
0x1a: {  	s8 =	sadd.s32 $0xFFFFE003, lr  }
0x1b: {  	s9 =	sadd.s32 $0xFFFFFEF7, lr;
	s5 =	simm.s32 $0xFFFFFFFF;
	p2 =	slt.u32 s8, $0xFFFFF086  }
0x1c: {  	p1 =	slt.u32 s9, $0xF7A;
	s5 =	simm.s32 @!p2 $0x0  }
0x1d: {  	s5 =	simm.s32 @p1 $0x1;
	p0 =	seq.s32 s7, s2  }
0x1e: {  	s7 =	smul.u32 @!p0 $0xF7A, s2;
	p2 =	seq.s32 @!p0 s5, $0x0  }
0x1f: {  	s9 =	smul.u32 $0xF7A, s1;
	s8 =	simm.s32 @!p0 $0x1BF5;
	p2 =	por !p2, p0  }
0x20: {  	[sflag:s8] =	ssyncset.s32 @!p0 $0xFFFFF086;
	s6 =	sadd.s32 @!p0 s3, s7;
	s7 =	simm.s32 @!p0 $0x108  }
0x21: {  	s3 =	sadd.s32 s3, s9;
	s6 =	sadd.s32 @!p0 $0x88, s6;
	s7 =	simm.s32 @p2 $0x1082  }
0x22: {  	[simem:s7], [sflag:s8] =	dma.local @!p0 [hbm:s6], $0xF7A  }
0x23: {  	s9 =	sor.u32 $0xD0000000, s2;
	s6 =	simm.s32 $0x108;
	_ =	swait.ge @!p0 [sflag:s8], $0x0  }
0x24: {  	s3 =	sadd.s32 $0x88, s3;
	s6 =	simm.s32 @!p1 $0x1082;
	[sflag:s4] =	ssyncset.s32 $0xFFFFF086  }
0x25: {  	[simem:s6], [sflag:s4] =	dma.local [hbm:s3], $0xF7A  }
0x26: {  	[smem:$0x3F99] =	sst s1;
	(tag) =	ssettag s2;
	_ =	strace s9  }
0x27: {  	s1 =	sld [smem:$0x3FA9]  }
0x28: {  	s2 =	sld [smem:$0x3FAA]  }
0x29: {  	s4 =	sld [smem:$0x3FAC]  }
0x2a: {  	p0 =	seq.s32 s5, $0x0;
	s5 =	sld [smem:$0x3FAD]  }
0x2b: {  	s6 =	sld [smem:$0x3FAE]  }
0x2c: {  	s7 =	sld [smem:$0x3FAF]  }
0x2d: {  	s3 =	simm.s32 $0x108;
	s8 =	sld [smem:$0x3FB0]  }
0x2e: {  	s3 =	simm.s32 @!p0 $0x1082;
	s9 =	sld [smem:$0x3FB1]  }
0x2f: {  	lr =	sadd.s32 s0, s3;
	s0 =	sld [smem:$0x3FA8]  }
0x30: {  	s3 =	sld [smem:$0x3FAB]  }
0x31: {  	[smem:$0x3FB4] =	sst s10  }
0x32: {  	s10 =	sld [smem:$0x3FB2];
	_ =	sdelay $0x3  }
0x33: {  	p0 =	seq.s32 s10, $0x1;
	s10 =	sld [smem:$0x3FB4];
	_ =	sdelay $0x3  }
0x34: {  	[smem:$0x3FB4] =	sst s10  }
0x35: {  	s10 =	sld [smem:$0x3FB3];
	_ =	sdelay $0x3  }
0x36: {  	p1 =	seq.s32 s10, $0x1;
	s10 =	sld [smem:$0x3FB4];
	_ =	sdelay $0x3  }
0x37: {  	[smem:$0x3FB4] =	sst s10  }
0x38: {  	s10 =	sld [smem:$0x3FB5]  }
0x39: {  	_ = 	snop;
	(pc) =	sbr.ind lr, $3  }
0x3a: {  	_ = 	snop  }
0x3b: {  	_ = 	snop  }
0x3c: {  	p2 =	seq.s32 s10, $0x1;
	s10 =	sld [smem:$0x3FB4]  }
0x3d: {  	_ =	shalt  }
0x3e: {  	_ =	shalt  }
0x3f: {  	_ =	shalt  }
0x40: {  	_ =	shalt  }
0x41: {  	_ =	shalt  }
0x42: {  	_ =	shalt  }
0x43: {  	_ =	shalt  }
0x44: {  	_ =	shalt  }
0x45: {  	_ =	shalt  }
0x46: {  	_ =	shalt  }
0x47: {  	_ =	shalt  }
0x48: {  	_ =	shalt  }
0x49: {  	_ =	shalt  }
0x4a: {  	_ =	shalt  }
0x4b: {  	_ =	shalt  }
0x4c: {  	_ =	shalt  }
0x4d: {  	_ =	shalt  }
0x4e: {  	_ =	shalt  }
0x4f: {  	_ =	shalt  }
0x50: {  	_ =	shalt  }
0x51: {  	_ =	shalt  }
0x52: {  	_ =	shalt  }
0x53: {  	_ =	shalt  }
0x54: {  	_ =	shalt  }
0x55: {  	_ =	shalt  }
0x56: {  	_ =	shalt  }
0x57: {  	_ =	shalt  }
0x58: {  	_ =	shalt  }
0x59: {  	_ =	shalt  }
0x5a: {  	_ =	shalt  }
0x5b: {  	_ =	shalt  }
0x5c: {  	_ =	shalt  }
0x5d: {  	_ =	shalt  }
0x5e: {  	_ =	shalt  }
0x5f: {  	_ =	shalt  }
0x60: {  	_ =	shalt  }
0x61: {  	_ =	shalt  }
0x62: {  	_ =	shalt  }
0x63: {  	_ =	shalt  }
0x64: {  	_ =	shalt  }
0x65: {  	_ =	shalt  }
0x66: {  	_ =	shalt  }
0x67: {  	_ =	shalt  }
0x68: {  	_ =	shalt  }
0x69: {  	_ =	shalt  }
0x6a: {  	_ =	shalt  }
0x6b: {  	_ =	shalt  }
0x6c: {  	_ =	shalt  }
0x6d: {  	_ =	shalt  }
0x6e: {  	_ =	shalt  }
0x6f: {  	_ =	shalt  }
0x70: {  	_ =	shalt  }
0x71: {  	_ =	shalt  }
0x72: {  	_ =	shalt  }
0x73: {  	_ =	shalt  }
0x74: {  	_ =	shalt  }
0x75: {  	_ =	shalt  }
0x76: {  	_ =	shalt  }
0x77: {  	_ =	shalt  }
0x78: {  	_ =	shalt  }
0x79: {  	_ =	shalt  }
0x7a: {  	_ =	shalt  }
0x7b: {  	_ =	shalt  }
0x7c: {  	_ =	shalt  }
0x7d: {  	_ =	shalt  }
0x7e: {  	_ =	shalt  }
0x7f: {  	_ =	shalt  }
0x80: {  	_ =	shalt  }
0x81: {  	_ =	shalt  }
0x82: {  	_ =	shalt  }
0x83: {  	_ =	shalt  }
0x84: {  	_ =	shalt  }
0x85: {  	_ =	shalt  }
0x86: {  	_ =	shalt  }
0x87: {  	_ =	shalt  }
.Lfunc_end0:
.L_simem_size_0:
called_computation.1_lowered:
.L_overlay_start_0:
0x88: {  	s2 =	sld [smem:$0x3FD9]  }
0x89: {  	s3 =	sld [smem:$0x3FFE];
	_ =	sdelay $0x1  }
0x8a: {  	s1 =	srdreg.scid  }
0x8b: {  	s0 =	sand.u32 $0x1, s1  }
0x8c: {  	s17 =	sshll.u32 s0, $0xA;
	s2 =	sadd.s32 s3, s2  }
0x8d: {  	s2 =	sadd.s32 s2, s17  }
0x8e: {  	[smem:$0x3FC0] =	sst s2  }
0x8f: {  	_ = 	snop  }
0x90: {  	s2 =	sld [smem:$0x3FD0];
	(tm) =	ssettm $0x1  }
0x91: {  	s18 =	sld [smem:$0x3FFB];
	_ =	sdelay $0x3  }
0x92: {  	_ =	strace s18  }
0x93: {  	s3 =	sld [smem:$0x3FFC];
	_ =	sdelay $0x3  }
0x94: {  	_ =	strace s3  }
0x95: {  	s3 =	sld [smem:$0x3FFD];
	_ =	sdelay $0x3  }
0x96: {  	_ =	strace s3  }
0x97: {  	_ =	strace $0x8FFFFFFF  }
0x98: {  	s19 =	sld [smem:$0x3FDB];
	_ =	sdelay $0x1  }
0x99: {  	s4 =	simm.s32 $_scs_section_size  }
0x9a: {  	s5 =	simm.s32 $_size__tile_overlayer_lowered;
	s6 =	simm.s32 $_tile_overlayer_lowered  }
0x9b: {  	s22 =	simm.s32 $0x1BFF;
	s21 =	sshll.u32 s6, $0x1;
	s3 =	sadd.s32 s4, s19  }
0x9c: {  	s7 =	simm.s32 $0x0;
	s20 =	sshll.u32 s5, $0x1;
	s5 =	sadd.s32 s21, s3  }
0x9d: {  	[timem:s7], [sflag:s22] =	dma.local [hbm:s5], s20  }
0x9e: {  	_ =	swait.ge [sflag:s22], s20  }
0x9f: {  	s4 =	ssub.s32 $0x0, s20;
	[sflag:s22] =	ssyncset.done $0x0  }
0xa0: {  	[sflag:s22] =	ssyncadd.s32 s4;
	_ =	sdelay $0x1  }
0xa1: {  	s23 =	simm.s32 $0x1B8B  }
0xa2: {  	_ =	swait.ge [sflag:s23], $0x1  }
0xa3: {  	[sflag:s23] =	ssyncset.done $0x0  }
0xa4: {  	s25 =	simm.s32 $0x1B8E;
	s24 =	sld [smem:$0x3FFE];
	[sflag:s23] =	ssyncadd.s32 $0xFFFFFFFF  }
0xa5: {  	s26 =	simm.s32 $execute0_lowered;
	[smem:$0x3FD2] =	sst s25  }
0xa6: {  	s5 =	sshll.u32 s26, $0x1;
	_ =	strace $0x80000049;
	[dreg:$0x1] =	wrdreg $0xFFFFFFFF  }
0xa7: {  	s28 =	simm.s32 $_size_execute0_lowered;
	s3 =	sadd.s32 s3, s5;
	[dreg:$0x0] =	wrdreg $0x0  }
0xa8: {  	s5 =	sshll.u32 s28, $0x1;
	[dreg:$0x2] =	wrdreg s3  }
0xa9: {  	[dreg:$0x3] =	wrdreg s5  }
0xaa: {  	[dreg:$0x4] =	wrdreg $0xC0  }
0xab: {  	_ =	task [dreg:s7], $0x5FFFF  }
0xac: {  	[dreg:$0x1] =	wrdreg $0xFFFFFFFF  }
0xad: {  	[dreg:$0x0] =	wrdreg $0x60  }
0xae: {  	[dreg:$0x2] =	wrdreg s24  }
0xaf: {  	[dreg:$0x3] =	wrdreg s2  }
0xb0: {  	[dreg:$0x4] =	wrdreg $0x90000  }
0xb1: {  	[dreg:$0x5] =	wrdreg $0x9  }
0xb2: {  	_ =	task.clear_ibuf [dreg:s7], $0x6FFFF;
	_ =	strace $0x90000049  }
0xb3: {  	s29 =	simm.s32 $0x9;
	_ =	strace $0x8000004B  }
0xb4: {  	_ =	swait.ge [sflag:s29], $0x1  }
0xb5: {  	[sflag:s29] =	ssyncadd.s32 $0xFFFFFFFF  }
0xb6: {  	_ =	strace $0x9000004B  }
0xb7: {  	_ =	sfence  }
0xb8: {  	s30 =	sld [smem:$0x0];
	_ =	sdelay $0x2  }
0xb9: {  	s31 =	sshll.u32 s1, $0xD;
	s1 =	sshrl.u32 s1, $0x2  }
0xba: {  	s3 =	sand.u32 $0x4000, s31;
	s1 =	sadd.s32 s1, s30  }
0xbb: {  	s0 =	sor.u32 s3, s0;
	s1 =	sshll.u32 s1, $0x11  }
0xbc: {  	s0 =	sor.u32 s1, s0  }
0xbd: {  	s0 =	sadd.s32 $0x8F2B, s0  }
0xbe: {  	[sflag:s0] =	ssyncadd.remote.s32 $0x1  }
0xbf: {  	_ =	sfence.sel $0xFFFF  }
0xc0: {  	[dreg:$0x0] =	wrdreg $0xFFFFFFFF;
	(pc) =	sbr.abs _section_cstart, $3  }
0xc1: {  	[dreg:$0x1] =	wrdreg $0xFFFFFFFF  }
0xc2: {  	_ =	task.clear_ibuf [dreg:s7], $0x2FFFF;
	_ =	strace $0x9FFFFFFF  }
0xc3: {  	(tm) =	ssettm $0x7FFFFFFF  }
tec
execute0_lowered:
.L_overlay_start_1:
0x0: {  	(tag) =	ssettag $0x1  }
0x1: {  	s7 =	rddreg [dreg:$0x0]  }
0x2: {  	s1 =	rddreg [dreg:$0x1]  }
0x3: {  	s2 =	rddreg [dreg:$0x2]  }
0x4: {  	s3 =	srdreg.scid;
	s4 =	simm.s32 $0x0;
	s20 =	simm.s32 $0x80  }
0x5: {  	s21 =	simm.s32 $0x5000;
	s22 =	simm.s32 $0x1;
	s8 =	sand.u32 $0x1, s3  }
0x6: {  	s23 =	simm.s32 $0x2;
	s3 =	stileid.u32;
	s6 =	smul.u32 $0x140000, s8  }
0x7: {  	[smem:$0x7FF] =	sst s4;
	s5 =	sadd.s32 $0x16200, s7;
	s9 =	smul.u32 $0x14000, s3  }
0x8: {  	_ =	strace $0x8000004A;
	s10 =	ssub.s32 $0x2, s8;
	s11 =	smul.u32 $0x50000, s3  }
0x9: {  	p0 =	seq.s32 s8, $0x1;
	s8 =	simm.s32 $0x0;
	s14 =	smul.u32 $0xA00, s3  }
0xa: {  	s17 =	smul.u32 $0x5000, s3;
	s12 =	sshrl.u32 s10, $0x1;
	s8 =	simm.s32 @!p0 $0xA0  }
0xb: {  	s9 =	sadd.s32 s9, s6;
	s6 =	sadd.s32 $0x2200, s7;
	s16 =	ssub.s32 s10, s12  }
0xc: {  	s30 =	sshrl.u32 s11, $0x2;
	s13 =	sshrl.u32 s8, $0x3;
	s18 =	sshrl.u32 s8, $0x1  }
0xd: {  	[dreg:$0x5] =	wrdreg s17;
	s17 =	simm.s32 $0x1000;
	s9 =	sshrl.u32 s9, $0x3  }
.Ltmp0:
0xe: {  	[dreg:$0x4] =	wrdreg s13;
	s13 =	sadd.s32 s1, s14;
	(pc) =	sbr.rel .LBB2_1-.Ltmp0, $4  }
0xf: {  	s14 =	sadd.s32 s6, s14;
	s31 =	smax.u32 s18, $0x1;
	s16 =	smax.u32 s16, $0x1  }
0x10: {  	s18 =	simm.s32 $0x5;
	s15 =	sadd.s32 s9, s7;
	s7 =	sadd.s32 s30, s2  }
0x11: {  	[dreg:$0x6] =	wrdreg s31;
	s9 =	sadd.s32 $0x4000, s7;
	s10 =	sadd.s32 $0x8000, s7  }
0x12: {  	v0 =	vimm.f32 $0.0e+00;
	s11 =	sadd.s32 $0xC000, s7;
	s12 =	sadd.s32 $0x10000, s7;
	s15 =	sadd.s32 $0x66200, s15  }
.LBB2_6:
0x13: {  	s4 =	sadd.s32 $0x1, s4  }
0x14: {  	s0 =	sshll.u32 s3, $0x6;
	[bflag:$0x0] =	sbarrier.arrive $0xFFFF;
	p1 =	sne.s32 s4, s16  }
.Ltmp1:
0x15: {  	s19 =	sshrl.u32 s7, $0x3;
	s0 =	sor.u32 $0x1C05, s0;
	(pc) =	sbr.rel @!p1 .LBB2_7-.Ltmp1, $4  }
0x16: {  	[hbm:s15], [sflag:s0] =	dma.local [spmem:s19], $0x2800  }
0x17: {  	_ =	swait.ge [sflag:s18], $0x2800  }
0x18: {  	[sflag:s18] =	ssyncset.done $0x0  }
0x19: {  	[sflag:s18] =	ssyncadd.s32 $0xFFFFD800  }
.LBB2_1:
0x1a: {  	s24 =	simm.s32 $0x0;
	s25 =	simm.s32 $0x200  }
.LBB2_2:
0x1b: {  	p1 =	sne.s32 s25, $0xFE00;
	[tilespmem:s24+$0x1070] =	vst v0  }
0x1c: {  	[tilespmem:s24+$0x1000] =	vst v0  }
0x1d: {  	[tilespmem:s24+$0x1010] =	vst v0  }
.Ltmp2:
0x1e: {  	[tilespmem:s24+$0x1020] =	vst v0;
	(pc) =	sbr.rel @p1 .LBB2_2-.Ltmp2, $4  }
0x1f: {  	[tilespmem:s24+$0x1030] =	vst v0  }
0x20: {  	[tilespmem:s24+$0x1040] =	vst v0  }
0x21: {  	[tilespmem:s24+$0x1050] =	vst v0  }
0x22: {  	[tilespmem:s24+$0x1060] =	vst v0;
	s24 =	sshra.s32 s25, $0x2;
	s25 =	sadd.s32 $0x200, s25  }
0x23: {  	[tilespmem:s24+$0x1070] =	vst v0  }
0x24: {  	[tilespmem:s24+$0x1000] =	vst v0  }
0x25: {  	[tilespmem:s24+$0x1010] =	vst v0  }
0x26: {  	[tilespmem:s24+$0x1020] =	vst v0  }
0x27: {  	[tilespmem:s24+$0x1030] =	vst v0  }
0x28: {  	[tilespmem:s24+$0x1040] =	vst v0  }
0x29: {  	[tilespmem:s24+$0x1050] =	vst v0  }
0x2a: {  	[tilespmem:s24+$0x1060] =	vst v0  }
0x2b: {  	[spmem:s7] =	stream.linear.scatter [tilespmem:s17], [sflag:$0x5], $0x4000, $0x38;
	[tilespmem:$0x1D000] =	vst v63  }
0x2c: {  	_ =	swait.ge [sflag:s18], $0x4000  }
0x2d: {  	[sflag:s18] =	ssyncset.done $0x0  }
0x2e: {  	[sflag:s18] =	ssyncadd.s32 $0xFFFFC000  }
0x2f: {  	[spmem:s9] =	stream.linear.scatter [tilespmem:s17], [sflag:$0x5], $0x4000, $0x38;
	[tilespmem:$0x1D000] =	vst v63  }
0x30: {  	_ =	swait.ge [sflag:s18], $0x4000  }
0x31: {  	[sflag:s18] =	ssyncset.done $0x0  }
0x32: {  	[sflag:s18] =	ssyncadd.s32 $0xFFFFC000  }
0x33: {  	[spmem:s10] =	stream.linear.scatter [tilespmem:s17], [sflag:$0x5], $0x4000, $0x38;
	[tilespmem:$0x1D000] =	vst v63  }
0x34: {  	_ =	swait.ge [sflag:s18], $0x4000  }
0x35: {  	[sflag:s18] =	ssyncset.done $0x0  }
0x36: {  	[sflag:s18] =	ssyncadd.s32 $0xFFFFC000  }
0x37: {  	[spmem:s11] =	stream.linear.scatter [tilespmem:s17], [sflag:$0x5], $0x4000, $0x38;
	[tilespmem:$0x1D000] =	vst v63  }
0x38: {  	_ =	swait.ge [sflag:s18], $0x4000  }
0x39: {  	[sflag:s18] =	ssyncset.done $0x0  }
0x3a: {  	[sflag:s18] =	ssyncadd.s32 $0xFFFFC000  }
0x3b: {  	[spmem:s12] =	stream.linear.scatter [tilespmem:s17], [sflag:$0x5], $0x4000, $0x38;
	[tilespmem:$0x1D000] =	vst v63  }
.Ltmp3:
0x3c: {  	_ =	swait.ge [sflag:s18], $0x4000;
	(pc) =	sbr.rel @p0 .LBB2_6-.Ltmp3, $3  }
0x3d: {  	[sflag:s18] =	ssyncset.done $0x0  }
0x3e: {  	[sflag:s18] =	ssyncadd.s32 $0xFFFFC000  }
0x3f: {  	[bflag:$0x0] =	sbarrier.arrive $0xFFFF;
	_ =	sdelay $0x1  }
0x40: {  	s24 =	simm.s32 $0x0  }
0x41: {  	[tilespmem:s24], [sflag:$0x5] =	stream.linear.gather [hbm4b:s13+s24], $0x400, $0x38;
	[tilespmem:$0x1D000] =	vst v63  }
0x42: {  	_ =	swait.ge [sflag:s18], $0x400  }
0x43: {  	[sflag:s18] =	ssyncset.done $0x0  }
0x44: {  	s0 =	simm.s32 $0x800;
	[sflag:s18] =	ssyncadd.s32 $0xFFFFFC00  }
0x45: {  	[tilespmem:s0], [sflag:$0x5] =	stream.linear.gather [hbm4b:s14+s24], $0x400, $0x38;
	[tilespmem:$0x1D000] =	vst v63  }
0x46: {  	_ =	swait.ge [sflag:s18], $0x400  }
0x47: {  	[sflag:s18] =	ssyncset.done $0x0  }
0x48: {  	[sflag:s18] =	ssyncadd.s32 $0xFFFFFC00  }
0x49: {  	[tilespmem:s17], [sflag:$0x1] =	stream.indirect.gather [hbm4b:s5+s20], $0x80, s24, s20, $0xb8;
	[tilespmem:$0x1D000] =	vst v63  }
.LBB2_5:
0x4a: {  	s25 =	sshrl.u32 s24, $0x2  }
0x4b: {  	s28 =	sshll.u32 s24, $0x8;
	s29 =	sshll.u32 s24, $0x1;
	s31 =	rddreg [dreg:$0x4]  }
0x4c: {  	s26 =	sand.u32 $0x1, s25;
	s28 =	sand.u32 $0x300, s28;
	s30 =	sand.u32 $0x6, s29  }
0x4d: {  	s25 =	sadd.s32 $0x1, s25;
	s26 =	sshll.u32 s26, $0xA;
	p1 =	sne.s32 s30, $0x0  }
0x4e: {  	s28 =	sor.u32 s26, s28;
	p2 =	sge.u32 @!p1 s25, s31  }
0x4f: {  	s28 =	sor.u32 $0x80, s28;
	p1 =	por p2, p1  }
0x50: {  	[tilespmem:s21], [sflag:$0x2] =	stream.indirect.gather [hbm4b:s5+s20], $0x80, s28, s20, $0xb8;
	[tilespmem:$0x1D000] =	vst v63  }
0x51: {  	s31 =	rddreg [dreg:$0x5];
	s25 =	sshll.u32 @!p1 s25, $0xA  }
0x52: {  	s31 =	sadd.s32 @!p1 s25, s31  }
0x53: {  	s31 =	sshrl.u32 @!p1 s31, $0x3  }
0x54: {  	s19 =	simm.s32 @!p1 $0x0;
	s25 =	sand.u32 @!p1 $0x400, s25;
	s0 =	sadd.s32 @!p1 s1, s31  }
0x55: {  	[tilespmem:s25], [sflag:$0x3] =	stream.linear.gather @!p1 [hbm4b:s0+s19], $0x400, $0x38;
	[tilespmem:$0x1D000] =	vst v63  }
0x56: {  	s0 =	sor.u32 @!p1 $0x800, s25;
	s25 =	sadd.s32 @!p1 s6, s31  }
0x57: {  	[tilespmem:s0], [sflag:$0x4] =	stream.linear.gather @!p1 [hbm4b:s25+s19], $0x400, $0x38;
	[tilespmem:$0x1D000] =	vst v63  }
0x58: {  	s25 =	sshll.u32 s30, $0x7;
	_ =	swait.ge [sflag:s22], $0x4000  }
0x59: {  	s0 =	sor.u32 s25, s26;
	[sflag:s22] =	ssyncset.done $0x0  }
0x5a: {  	s0 =	sor.u32 $0x800, s0;
	[sflag:s22] =	ssyncadd.s32 $0xFFFFC000  }
0x5b: {  	[spmem:s2] =	stream.indirect.scatter.add.f32 [tilespmem:s17], [sflag:$0x5], $0x80, s0, s20, $0xb8;
	[tilespmem:$0x1D000] =	vst v63  }
0x5c: {  	p1 =	sne.s32 s30, $0x6;
	s0 =	sadd.s32 $0x2, s29  }
0x5d: {  	_ =	swait.ge [sflag:s18], $0x4000;
	p2 =	sge.u32 @!p1 s0, s8  }
0x5e: {  	[sflag:s18] =	ssyncset.done $0x0;
	p1 =	por p2, p1  }
0x5f: {  	[sflag:s18] =	ssyncadd.s32 $0xFFFFC000;
	s19 =	simm.s32 @!p1 $0x3  }
0x60: {  	_ =	swait.ge @!p1 [sflag:s19], $0x400  }
0x61: {  	[sflag:s19] =	ssyncset.done @!p1 $0x0  }
0x62: {  	[sflag:s19] =	ssyncadd.s32 @!p1 $0xFFFFFC00;
	s19 =	simm.s32 @!p1 $0x4  }
0x63: {  	p2 =	sge.u32 s0, s8;
	_ =	swait.ge @!p1 [sflag:s19], $0x400  }
0x64: {  	s0 =	sshll.u32 @!p2 s0, $0x7;
	s25 =	simm.s32 @!p2 $0x1000;
	[sflag:s19] =	ssyncset.done @!p1 $0x0  }
0x65: {  	s0 =	sand.u32 @!p2 $0x700, s0;
	[sflag:s19] =	ssyncadd.s32 @!p1 $0xFFFFFC00;
	s19 =	simm.s32 @!p2 $0x80  }
0x66: {  	[tilespmem:s25], [sflag:$0x1] =	stream.indirect.gather @!p2 [hbm4b:s5+s19], $0x80, s0, s19, $0xb8;
	[tilespmem:$0x1D000] =	vst v63  }
0x67: {  	_ =	swait.ge [sflag:s23], $0x4000  }
0x68: {  	[sflag:s23] =	ssyncset.done $0x0  }
0x69: {  	s30 =	sor.u32 $0x800, s28;
	[sflag:s23] =	ssyncadd.s32 $0xFFFFC000  }
0x6a: {  	[spmem:s2] =	stream.indirect.scatter.add.f32 [tilespmem:s21], [sflag:$0x5], $0x80, s30, s20, $0xb8;
	[tilespmem:$0x1D000] =	vst v63  }
0x6b: {  	_ =	swait.ge [sflag:s18], $0x4000  }
0x6c: {  	s24 =	sadd.s32 $0x1, s24;
	s31 =	rddreg [dreg:$0x6]  }
0x6d: {  	p1 =	sne.s32 s24, s31  }
.Ltmp4:
0x6e: {  	_ = 	snop;
	(pc) =	sbr.rel @p1 .LBB2_5-.Ltmp4, $3  }
0x6f: {  	_ =	sdelay $0x1  }
0x70: {  	[sflag:s18] =	ssyncset.done $0x0  }
0x71: {  	[sflag:s18] =	ssyncadd.s32 $0xFFFFC000  }
.Ltmp5:
0x72: {  	_ = 	snop;
	(pc) =	sbr.rel .LBB2_6-.Ltmp5, $1  }
0x73: {  	_ =	sdelay $0x3  }
.LBB2_7:
0x74: {  	_ =	sfence.sel $0x180000  }
0x75: {  	[bflag:$0x0] =	sbarrier.arrive $0xFFFF  }
0x76: {  	_ =	strace $0x9000004A  }
0x77: {  	[bflag:$0x2] =	sbarrier.arrive $0xFFFF  }
0x78: {  	p0 =	sne.s32 s3, $0x0;
	s0 =	rddreg [dreg:$0x3]  }
0x79: {  	s0 =	sadd.s32 @!p0 $0x100000, s0  }
0x7a: {  	[sflag:s0] =	ssyncadd.tile.s32 @!p0 $0x1;
	_ =	shalt  }
.Lfunc_end2:
_tile_overlayer_lowered:
.L_overlay_start_2:
0x7b: {  	(tag) =	ssettag $0x2  }
0x7c: {  	s0 =	rddreg [dreg:$0x0];
	s2 =	stileid.u32  }
0x7d: {  	s1 =	rddreg [dreg:$0x1];
	p0 =	sne.s32 s2, $0x0  }
0x7e: {  	s3 =	rddreg [dreg:$0x2];
	[bflag:$0x3] =	sbarrier.arrive $0xFFFF;
	s2 =	simm.s32 @!p0 $0x1C05  }
0x7f: {  	[timem:s3], [sflag:s2] =	dma.local @!p0 [hbm:s0], s1  }
0x80: {  	s0 =	simm.s32 @!p0 $0x5  }
0x81: {  	_ =	swait.ge @!p0 [sflag:s0], s1  }
0x82: {  	s1 =	ssub.s32 @!p0 $0x0, s1;
	[sflag:s0] =	ssyncset.done @!p0 $0x0  }
0x83: {  	[sflag:s0] =	ssyncadd.s32 @!p0 s1  }
0x84: {  	[bflag:$0x3] =	sbarrier.arrive $0xFFFF  }
0x85: {  	_ =	shalt  }

</sc_bundles>
